<compile_context>
chip_gen: v7x
topology: tpu7x:2x2x1
jax: 0.10.2.dev20260603
libtpu: 0.0.44.dev20260713+nightly
codegen_flags: <defaults>
</compile_context>

<pallas_src>
import functools

import jax
import jax.numpy as jnp
from jax import lax
from jax.experimental import pallas as pl
from jax.experimental.pallas import tpu as pltpu
from jax.experimental.pallas import tpu_sc as plsc

NC = 2
NS = 16
NW = NC * NS
CHUNK = 128
NBUF = 4


def _mesh():
  return plsc.VectorSubcoreMesh(
      core_axis_name="c", subcore_axis_name="s", num_cores=NC,
      num_subcores=NS)


def _hist_kernel(nacc, nch):
  rpt = nacc // NS

  @functools.partial(
      pl.kernel,
      out_type=jax.ShapeDtypeStruct((NC * nacc,), jnp.float32),
      mesh=_mesh(),
      scratch_types=[
          pltpu.VMEM((nch, CHUNK), jnp.int32),
          pltpu.VMEM((CHUNK,), jnp.float32),
          pltpu.VMEM((rpt,), jnp.float32),
          pltpu.VMEM_SHARED((nacc,), jnp.float32),
          pltpu.SemaphoreType.DMA,
      ],
  )
  def k(rows_hbm, zeros_hbm, out_hbm, ridx_v, ones_v, zbuf_v, acc, sem):
    c = lax.axis_index("c")
    s = lax.axis_index("s")
    wid = c * NS + s
    for i in range(CHUNK // 16):
      ones_v[pl.ds(16 * i, 16)] = jnp.ones((16,), jnp.float32)
    pltpu.sync_copy(zeros_hbm.at[pl.ds(s * rpt, rpt)], zbuf_v)
    pltpu.sync_copy(zbuf_v, acc.at[pl.ds(s * rpt, rpt)])
    pltpu.sync_copy(rows_hbm.at[wid], ridx_v)
    plsc.subcore_barrier()

    def body(g, carry):
      descs = [
          pltpu.async_copy(ones_v, acc.at[ridx_v.at[g * 4 + b]], sem,
                           add=True)
          for b in range(4)
      ]
      for d in descs:
        d.wait()
      return carry

    lax.fori_loop(0, nch // 4, body, 0)
    plsc.subcore_barrier()
    pltpu.sync_copy(acc.at[pl.ds(s * rpt, rpt)], zbuf_v)
    pltpu.sync_copy(zbuf_v, out_hbm.at[pl.ds(c * nacc + s * rpt, rpt)])

  return k


def _msg_fsplit_kernel(nacc, nch2, fh, n):
  rpt = nacc // NS
  gpt = n // NS

  @functools.partial(
      pl.kernel,
      out_type=jax.ShapeDtypeStruct((NC, nacc, fh), jnp.float32),
      mesh=_mesh(),
      scratch_types=[
          pltpu.VMEM((nch2, CHUNK), jnp.int32),
          pltpu.VMEM((nch2, CHUNK), jnp.int32),
          [pltpu.VMEM((CHUNK, fh), jnp.float32) for _ in range(2 * NBUF)],
          pltpu.VMEM((rpt, fh), jnp.float32),
          pltpu.VMEM_SHARED((nacc, fh), jnp.float32),
          pltpu.VMEM_SHARED((n, fh), jnp.float32),
          [pltpu.SemaphoreType.DMA for _ in range(2 * NBUF)],
          [pltpu.SemaphoreType.DMA for _ in range(2 * NBUF)],
      ],
      compiler_params=pltpu.CompilerParams(use_tc_tiling_on_sc=False),
  )
  def k(rows_hbm, cols_hbm, g_hbm, zeros_hbm, out_hbm,
        ridx_v, cidx_v, msg_v, zbuf_v, acc, g_sp, gsem, ssem):
    c = lax.axis_index("c")
    s = lax.axis_index("s")
    pltpu.sync_copy(g_hbm.at[pl.ds(s * gpt, gpt), pl.ds(c * fh, fh)],
                    zbuf_v.at[pl.ds(0, gpt)])
    pltpu.sync_copy(zbuf_v.at[pl.ds(0, gpt)], g_sp.at[pl.ds(s * gpt, gpt)])
    pltpu.sync_copy(zeros_hbm.at[pl.ds(s * rpt, rpt)], zbuf_v)
    pltpu.sync_copy(zbuf_v, acc.at[pl.ds(s * rpt, rpt)])
    pltpu.sync_copy(rows_hbm.at[s], ridx_v)
    pltpu.sync_copy(cols_hbm.at[s], cidx_v)
    plsc.subcore_barrier()

    ngroups = nch2 // NBUF

    def buf(phase, b):
      return phase * NBUF + b

    for b in range(NBUF):
      pltpu.async_copy(g_sp.at[cidx_v.at[b]], msg_v[buf(0, b)],
                       gsem[buf(0, b)])

    def run_group(g, phase, fire_pred):
      cur, nxt = phase, 1 - phase
      for b in range(NBUF):
        def fire(b=b):
          pltpu.async_copy(g_sp.at[cidx_v.at[(g + 1) * NBUF + b]],
                           msg_v[buf(nxt, b)], gsem[buf(nxt, b)])
        if fire_pred is True:
          fire()
        else:
          pl.when(fire_pred)(fire)
      sdescs = []
      for b in range(NBUF):
        pltpu.make_async_copy(g_sp.at[cidx_v.at[0]], msg_v[buf(cur, b)],
                              gsem[buf(cur, b)]).wait()
        sdescs.append(
            pltpu.async_copy(msg_v[buf(cur, b)],
                             acc.at[ridx_v.at[g * NBUF + b]],
                             ssem[buf(cur, b)], add=True))
      for d in sdescs:
        d.wait()

    def pair(p, carry):
      run_group(2 * p, 0, True)
      run_group(2 * p + 1, 1, p < ngroups // 2 - 1)
      return carry

    lax.fori_loop(0, ngroups // 2, pair, 0)
    plsc.subcore_barrier()
    pltpu.sync_copy(acc.at[pl.ds(s * rpt, rpt)], zbuf_v)
    pltpu.sync_copy(zbuf_v, out_hbm.at[c, pl.ds(s * rpt, rpt)])

  return k





def _mm_scale_body(hist_ref, x_ref, w_ref, o_ref):
  deg = 1.0 + hist_ref[:, 0] + hist_ref[:, 1]
  dinv = lax.rsqrt(deg)
  hm = jnp.dot(x_ref[...], w_ref[...], preferred_element_type=jnp.float32)
  o_ref[...] = hm * dinv[:, None]


def _layer1_body(hist_ref, s_ref, g_ref, b_ref, w_ref, o_ref):
  deg = 1.0 + hist_ref[:, 0] + hist_ref[:, 1]
  dinv = lax.rsqrt(deg)
  full = jnp.concatenate([s_ref[0], s_ref[1]], axis=1)
  pre = (full + g_ref[...]) * dinv[:, None] + b_ref[...]
  h1 = jnp.maximum(pre, 0.0)
  h2 = jnp.dot(h1, w_ref[...], preferred_element_type=jnp.float32)
  o_ref[...] = h2 * dinv[:, None]


def _layer2_body(hist_ref, s_ref, g_ref, b_ref, o_ref):
  deg = 1.0 + hist_ref[:, 0] + hist_ref[:, 1]
  dinv = lax.rsqrt(deg)
  cdim = o_ref.shape[1]
  full = jnp.concatenate([s_ref[0], s_ref[1]], axis=1)
  o = ((full[:, :cdim] + g_ref[:, :cdim]) * dinv[:, None] + b_ref[...])
  m = jnp.max(o, axis=1, keepdims=True)
  lse = jnp.log(jnp.sum(jnp.exp(o - m), axis=1, keepdims=True)) + m
  o_ref[...] = o - lse


def _row_call(body, nrows, blk, out_width, in_specs, out_dtype=jnp.float32):
  return pl.pallas_call(
      body,
      grid=(nrows // blk,),
      in_specs=in_specs,
      out_specs=pl.BlockSpec((blk, out_width), lambda i: (i, 0)),
      out_shape=jax.ShapeDtypeStruct((nrows, out_width), out_dtype),
  )


def kernel(x, edge_index, W1, b1, W2, b2):
  n, d = x.shape
  h = W1.shape[1]
  cdim = W2.shape[1]
  e = edge_index.shape[1]

  gw = CHUNK * NBUF * 2
  ew = -(-e // (NW * gw)) * gw
  epad = ew * NW
  nch = ew // CHUNK
  pad = epad - e
  nacc = -(-(n + 1) // 256) * 256
  pad_rows = n + jnp.arange(pad, dtype=jnp.int32) % (nacc - n)
  rows = jnp.concatenate(
      [edge_index[0], pad_rows]).reshape(NW, nch, CHUNK)
  cols = jnp.concatenate(
      [edge_index[1], jnp.zeros((pad,), jnp.int32)]).reshape(NW, nch, CHUNK)


  fh = -(-cdim // (NC * 8)) * 8
  cp = NC * fh
  zh = jnp.zeros((nacc,), jnp.float32)
  z2h = jnp.zeros((nacc, fh), jnp.float32)
  W2p = jnp.concatenate([W2, jnp.zeros((h, cp - cdim), jnp.float32)], axis=1)
  tblk = 2000

  hist = _hist_kernel(nacc, nch)(rows, zh)
  hist_t = hist.reshape(NC, nacc).T

  g1 = _row_call(
      _mm_scale_body, n, tblk, h,
      [pl.BlockSpec((tblk, NC), lambda i: (i, 0)),
       pl.BlockSpec((tblk, d), lambda i: (i, 0)),
       pl.BlockSpec((d, h), lambda i: (0, 0))])(hist_t, x, W1)

  fh1 = h // NC
  nch2 = epad // (NS * CHUNK)
  rows_f = jnp.concatenate([edge_index[0], pad_rows]).reshape(
      NS, nch2, CHUNK)
  cols_f = jnp.concatenate([edge_index[1], jnp.zeros((pad,), jnp.int32)
                            ]).reshape(NS, nch2, CHUNK)
  z1h = jnp.zeros((nacc, fh1), jnp.float32)
  s1 = _msg_fsplit_kernel(nacc, nch2, fh1, n)(rows_f, cols_f, g1, z1h)

  g2 = _row_call(
      _layer1_body, n, tblk, cp,
      [pl.BlockSpec((tblk, NC), lambda i: (i, 0)),
       pl.BlockSpec((NC, tblk, fh1), lambda i: (0, i, 0)),
       pl.BlockSpec((tblk, h), lambda i: (i, 0)),
       pl.BlockSpec((1, h), lambda i: (0, 0)),
       pl.BlockSpec((h, cp), lambda i: (0, 0))])(
           hist_t, s1, g1, b1[None, :], W2p)

  s2 = _msg_fsplit_kernel(nacc, nch2, fh, n)(rows_f, cols_f, g2, z2h)

  out = _row_call(
      _layer2_body, n, tblk, cdim,
      [pl.BlockSpec((tblk, NC), lambda i: (i, 0)),
       pl.BlockSpec((NC, tblk, fh), lambda i: (0, i, 0)),
       pl.BlockSpec((tblk, cp), lambda i: (i, 0)),
       pl.BlockSpec((1, cdim), lambda i: (0, 0))])(
           hist_t, s2, g2, b2[None, :])

  return out

# --- scband reference (transcript-rebuilt; emitter-appended) ---
"""Pipeline reference for scband-gcnnet-70970039599642 (READ-ONLY COPY).

The authoritative reference and input builder live on the scoring server;
editing this copy changes nothing except your own understanding.
"""

import jax, jax.numpy as jnp
import numpy as np

N = 10000
E = 320000
D = 128
H = 16
C = 40


def setup_inputs(seed: int = 0) -> dict:
    key = jax.random.key(seed)
    k1, k2, k3, k4, k5, k6 = jax.random.split(key, 6)
    x = jax.random.normal(k1, (N, D), dtype=jnp.float32)
    edge_index = jax.random.randint(k2, (2, E), 0, N, dtype=jnp.int32)
    # Learned parameters for the two GCN layers (glorot-ish init)
    W1 = jax.random.normal(k3, (D, H), dtype=jnp.float32) * (1.0 / np.sqrt(D))
    b1 = jnp.zeros((H,), dtype=jnp.float32)
    W2 = jax.random.normal(k4, (H, C), dtype=jnp.float32) * (1.0 / np.sqrt(H))
    b2 = jnp.zeros((C,), dtype=jnp.float32)
    return {"x": x, "edge_index": edge_index, "W1": W1, "b1": b1, "W2": W2, "b2": b2}


def _gcn_conv(x, edge_index, W, b):
    # Standard GCNConv: add self-loops, symmetric deg^-1/2 normalization,
    # gather messages along col, scatter-add into row, then affine.
    n = x.shape[0]
    self_loops = jnp.arange(n, dtype=edge_index.dtype)
    row = jnp.concatenate([edge_index[0], self_loops])
    col = jnp.concatenate([edge_index[1], self_loops])
    deg = jax.ops.segment_sum(jnp.ones_like(row, dtype=x.dtype), row, num_segments=n)
    dinv = jnp.where(deg > 0, deg ** -0.5, 0.0)
    norm = dinv[row] * dinv[col]
    h = x @ W
    msg = jnp.take(h, col, axis=0) * norm[:, None]
    out = jax.ops.segment_sum(msg, row, num_segments=n)
    return out + b


def reference(x, edge_index, W1, b1, W2, b2):
    h = jax.nn.relu(_gcn_conv(x, edge_index, W1, b1))
    # F.dropout with training=self.training is identity in eval mode
    out = _gcn_conv(h, edge_index, W2, b2)
    return jax.nn.log_softmax(out, axis=1)

if __name__ == "__main__":
    import jax
    _d = setup_inputs()
    print(jax.jit(kernel)(*tuple(_d.values())))

</pallas_src>

<mosaic_0001>
#map = affine_map<(d0, d1) -> (0, 0, 0)>
#map1 = affine_map<(d0, d1) -> (0, 0)>
module attributes {stable_mosaic.version = 14 : i64} {
  func.func @k(%arg0: i32, %arg1: i32, %arg2: memref<16x160x128xi32, #tpu.memory_space<hbm>>, %arg3: memref<16x160x128xi32, #tpu.memory_space<hbm>>, %arg4: memref<10000x16xf32, #tpu.memory_space<hbm>>, %arg5: memref<10240x8xf32, #tpu.memory_space<hbm>>, %arg6: memref<2x10240x8xf32, #tpu.memory_space<hbm>>, %arg7: memref<160x128xi32, #tpu.memory_space<vmem>>, %arg8: memref<160x128xi32, #tpu.memory_space<vmem>>, %arg9: memref<128x8xf32, #tpu.memory_space<vmem>>, %arg10: memref<128x8xf32, #tpu.memory_space<vmem>>, %arg11: memref<128x8xf32, #tpu.memory_space<vmem>>, %arg12: memref<128x8xf32, #tpu.memory_space<vmem>>, %arg13: memref<128x8xf32, #tpu.memory_space<vmem>>, %arg14: memref<128x8xf32, #tpu.memory_space<vmem>>, %arg15: memref<128x8xf32, #tpu.memory_space<vmem>>, %arg16: memref<128x8xf32, #tpu.memory_space<vmem>>, %arg17: memref<640x8xf32, #tpu.memory_space<vmem>>, %arg18: memref<10240x8xf32, #tpu.memory_space<vmem_shared>>, %arg19: memref<10000x8xf32, #tpu.memory_space<vmem_shared>>, %arg20: memref<!tpu.dma_semaphore, #tpu.memory_space<semaphore_mem>>, %arg21: memref<!tpu.dma_semaphore, #tpu.memory_space<semaphore_mem>>, %arg22: memref<!tpu.dma_semaphore, #tpu.memory_space<semaphore_mem>>, %arg23: memref<!tpu.dma_semaphore, #tpu.memory_space<semaphore_mem>>, %arg24: memref<!tpu.dma_semaphore, #tpu.memory_space<semaphore_mem>>, %arg25: memref<!tpu.dma_semaphore, #tpu.memory_space<semaphore_mem>>, %arg26: memref<!tpu.dma_semaphore, #tpu.memory_space<semaphore_mem>>, %arg27: memref<!tpu.dma_semaphore, #tpu.memory_space<semaphore_mem>>, %arg28: memref<!tpu.dma_semaphore, #tpu.memory_space<semaphore_mem>>, %arg29: memref<!tpu.dma_semaphore, #tpu.memory_space<semaphore_mem>>, %arg30: memref<!tpu.dma_semaphore, #tpu.memory_space<semaphore_mem>>, %arg31: memref<!tpu.dma_semaphore, #tpu.memory_space<semaphore_mem>>, %arg32: memref<!tpu.dma_semaphore, #tpu.memory_space<semaphore_mem>>, %arg33: memref<!tpu.dma_semaphore, #tpu.memory_space<semaphore_mem>>, %arg34: memref<!tpu.dma_semaphore, #tpu.memory_space<semaphore_mem>>, %arg35: memref<!tpu.dma_semaphore, #tpu.memory_space<semaphore_mem>>) attributes {dimension_semantics = [#tpu.dimension_semantics<core_parallel>, #tpu.dimension_semantics<subcore_parallel>], iteration_bounds = array<i64: 2, 16>, scalar_prefetch = 0 : i64, scratch_operands = 29 : i64, tpu.core_type = #tpu.core_type<sc_vector_subcore>, window_params = [{transform_indices = #map}, {transform_indices = #map}, {transform_indices = #map1}, {transform_indices = #map1}, {transform_indices = #map}]} {
    %mul3A = arith.constant 625 : i32
    %mul3A_0 = arith.muli %arg1, %mul3A : i32
    %mul3A_1 = arith.constant 8 : i32
    %mul3A_2 = arith.muli %arg0, %mul3A_1 : i32
    "tpu.region"() ({
      %run_scoped3A = tpu.sem_alloc : memref<!tpu.dma_semaphore, #tpu.memory_space<semaphore_mem>>
      %dma_start3A_46 = arith.constant 0 : i32
      %dma_start3A_47 = arith.constant 0 : i32
      %dma_start3A_48 = tpu.memref_slice %arg17[%dma_start3A_46, %dma_start3A_47] : memref<640x8xf32, #tpu.memory_space<vmem>> -> memref<625x8xf32, #tpu.memory_space<vmem>>
      %dma_start3A_49 = tpu.memref_slice %arg4[%mul3A_0, %mul3A_2] : memref<10000x16xf32, #tpu.memory_space<hbm>> -> memref<625x8xf32, #tpu.memory_space<hbm>>
      %dma_start3A_50 = arith.constant 0 : i32
      %dma_start3A_51 = arith.constant 0 : i32
      %dma_start3A_52 = tpu.memref_slice %arg17[%dma_start3A_50, %dma_start3A_51] : memref<640x8xf32, #tpu.memory_space<vmem>> -> memref<625x8xf32, #tpu.memory_space<vmem>>
      %dma_start3A_53 = tpu.memref_slice %arg4[%mul3A_0, %mul3A_2] : memref<10000x16xf32, #tpu.memory_space<hbm>> -> memref<625x8xf32, #tpu.memory_space<hbm>>
      tpu.enqueue_dma source(%dma_start3A_53 : memref<625x8xf32, #tpu.memory_space<hbm>>) target(%dma_start3A_52 : memref<625x8xf32, #tpu.memory_space<vmem>>) target_semaphore(%run_scoped3A : memref<!tpu.dma_semaphore, #tpu.memory_space<semaphore_mem>>)
      %dma_wait3A = arith.constant 0 : i32
      %dma_wait3A_54 = arith.constant 0 : i32
      %dma_wait3A_55 = tpu.memref_slice %arg17[%dma_wait3A, %dma_wait3A_54] : memref<640x8xf32, #tpu.memory_space<vmem>> -> memref<625x8xf32, #tpu.memory_space<vmem>>
      %dma_wait3A_56 = tpu.memref_slice %arg4[%mul3A_0, %mul3A_2] : memref<10000x16xf32, #tpu.memory_space<hbm>> -> memref<625x8xf32, #tpu.memory_space<hbm>>
      %dma_wait3A_57 = arith.constant 0 : i32
      %dma_wait3A_58 = arith.constant 0 : i32
      %dma_wait3A_59 = tpu.memref_slice %arg17[%dma_wait3A_57, %dma_wait3A_58] : memref<640x8xf32, #tpu.memory_space<vmem>> -> memref<625x8xf32, #tpu.memory_space<vmem>>
      %dma_wait3A_60 = tpu.memref_slice %arg4[%mul3A_0, %mul3A_2] : memref<10000x16xf32, #tpu.memory_space<hbm>> -> memref<625x8xf32, #tpu.memory_space<hbm>>
      tpu.wait_dma2 semaphore(%run_scoped3A : memref<!tpu.dma_semaphore, #tpu.memory_space<semaphore_mem>>) src(%dma_wait3A_60 : memref<625x8xf32, #tpu.memory_space<hbm>>) dst(%dma_wait3A_59 : memref<625x8xf32, #tpu.memory_space<vmem>>)
      tpu.yield
    }) : () -> ()
    %mul3A_3 = arith.constant 625 : i32
    %mul3A_4 = arith.muli %arg1, %mul3A_3 : i32
    "tpu.region"() ({
      %run_scoped3A = tpu.sem_alloc : memref<!tpu.dma_semaphore, #tpu.memory_space<semaphore_mem>>
      %dma_start3A_46 = arith.constant 0 : i32
      %dma_start3A_47 = arith.constant 0 : i32
      %dma_start3A_48 = tpu.memref_slice %arg17[%dma_start3A_46, %dma_start3A_47] : memref<640x8xf32, #tpu.memory_space<vmem>> -> memref<625x8xf32, #tpu.memory_space<vmem>>
      %dma_start3A_49 = arith.constant 0 : i32
      %dma_start3A_50 = tpu.memref_slice %arg19[%mul3A_4, %dma_start3A_49] : memref<10000x8xf32, #tpu.memory_space<vmem_shared>> -> memref<625x8xf32, #tpu.memory_space<vmem_shared>>
      %dma_start3A_51 = arith.constant 0 : i32
      %dma_start3A_52 = tpu.memref_slice %arg19[%mul3A_4, %dma_start3A_51] : memref<10000x8xf32, #tpu.memory_space<vmem_shared>> -> memref<625x8xf32, #tpu.memory_space<vmem_shared>>
      %dma_start3A_53 = arith.constant 0 : i32
      %dma_start3A_54 = arith.constant 0 : i32
      %dma_start3A_55 = tpu.memref_slice %arg17[%dma_start3A_53, %dma_start3A_54] : memref<640x8xf32, #tpu.memory_space<vmem>> -> memref<625x8xf32, #tpu.memory_space<vmem>>
      tpu.enqueue_dma source(%dma_start3A_55 : memref<625x8xf32, #tpu.memory_space<vmem>>) target(%dma_start3A_52 : memref<625x8xf32, #tpu.memory_space<vmem_shared>>) target_semaphore(%run_scoped3A : memref<!tpu.dma_semaphore, #tpu.memory_space<semaphore_mem>>)
      %dma_wait3A = arith.constant 0 : i32
      %dma_wait3A_56 = arith.constant 0 : i32
      %dma_wait3A_57 = tpu.memref_slice %arg17[%dma_wait3A, %dma_wait3A_56] : memref<640x8xf32, #tpu.memory_space<vmem>> -> memref<625x8xf32, #tpu.memory_space<vmem>>
      %dma_wait3A_58 = arith.constant 0 : i32
      %dma_wait3A_59 = tpu.memref_slice %arg19[%mul3A_4, %dma_wait3A_58] : memref<10000x8xf32, #tpu.memory_space<vmem_shared>> -> memref<625x8xf32, #tpu.memory_space<vmem_shared>>
      %dma_wait3A_60 = arith.constant 0 : i32
      %dma_wait3A_61 = tpu.memref_slice %arg19[%mul3A_4, %dma_wait3A_60] : memref<10000x8xf32, #tpu.memory_space<vmem_shared>> -> memref<625x8xf32, #tpu.memory_space<vmem_shared>>
      %dma_wait3A_62 = arith.constant 0 : i32
      %dma_wait3A_63 = arith.constant 0 : i32
      %dma_wait3A_64 = tpu.memref_slice %arg17[%dma_wait3A_62, %dma_wait3A_63] : memref<640x8xf32, #tpu.memory_space<vmem>> -> memref<625x8xf32, #tpu.memory_space<vmem>>
      tpu.wait_dma2 semaphore(%run_scoped3A : memref<!tpu.dma_semaphore, #tpu.memory_space<semaphore_mem>>) src(%dma_wait3A_64 : memref<625x8xf32, #tpu.memory_space<vmem>>) dst(%dma_wait3A_61 : memref<625x8xf32, #tpu.memory_space<vmem_shared>>)
      tpu.yield
    }) : () -> ()
    %mul3A_5 = arith.constant 640 : i32
    %mul3A_6 = arith.muli %arg1, %mul3A_5 : i32
    "tpu.region"() ({
      %run_scoped3A = tpu.sem_alloc : memref<!tpu.dma_semaphore, #tpu.memory_space<semaphore_mem>>
      %dma_start3A_46 = arith.constant 0 : i32
      %dma_start3A_47 = tpu.memref_slice %arg5[%mul3A_6, %dma_start3A_46] : memref<10240x8xf32, #tpu.memory_space<hbm>> -> memref<640x8xf32, #tpu.memory_space<hbm>>
      %dma_start3A_48 = arith.constant 0 : i32
      %dma_start3A_49 = tpu.memref_slice %arg5[%mul3A_6, %dma_start3A_48] : memref<10240x8xf32, #tpu.memory_space<hbm>> -> memref<640x8xf32, #tpu.memory_space<hbm>>
      tpu.enqueue_dma source(%dma_start3A_49 : memref<640x8xf32, #tpu.memory_space<hbm>>) target(%arg17 : memref<640x8xf32, #tpu.memory_space<vmem>>) target_semaphore(%run_scoped3A : memref<!tpu.dma_semaphore, #tpu.memory_space<semaphore_mem>>)
      %dma_wait3A = arith.constant 0 : i32
      %dma_wait3A_50 = tpu.memref_slice %arg5[%mul3A_6, %dma_wait3A] : memref<10240x8xf32, #tpu.memory_space<hbm>> -> memref<640x8xf32, #tpu.memory_space<hbm>>
      %dma_wait3A_51 = arith.constant 0 : i32
      %dma_wait3A_52 = tpu.memref_slice %arg5[%mul3A_6, %dma_wait3A_51] : memref<10240x8xf32, #tpu.memory_space<hbm>> -> memref<640x8xf32, #tpu.memory_space<hbm>>
      tpu.wait_dma2 semaphore(%run_scoped3A : memref<!tpu.dma_semaphore, #tpu.memory_space<semaphore_mem>>) src(%dma_wait3A_52 : memref<640x8xf32, #tpu.memory_space<hbm>>) dst(%arg17 : memref<640x8xf32, #tpu.memory_space<vmem>>)
      tpu.yield
    }) : () -> ()
    %mul3A_7 = arith.constant 640 : i32
    %mul3A_8 = arith.muli %arg1, %mul3A_7 : i32
    "tpu.region"() ({
      %run_scoped3A = tpu.sem_alloc : memref<!tpu.dma_semaphore, #tpu.memory_space<semaphore_mem>>
      %dma_start3A_46 = arith.constant 0 : i32
      %dma_start3A_47 = tpu.memref_slice %arg18[%mul3A_8, %dma_start3A_46] : memref<10240x8xf32, #tpu.memory_space<vmem_shared>> -> memref<640x8xf32, #tpu.memory_space<vmem_shared>>
      %dma_start3A_48 = arith.constant 0 : i32
      %dma_start3A_49 = tpu.memref_slice %arg18[%mul3A_8, %dma_start3A_48] : memref<10240x8xf32, #tpu.memory_space<vmem_shared>> -> memref<640x8xf32, #tpu.memory_space<vmem_shared>>
      tpu.enqueue_dma source(%arg17 : memref<640x8xf32, #tpu.memory_space<vmem>>) target(%dma_start3A_49 : memref<640x8xf32, #tpu.memory_space<vmem_shared>>) target_semaphore(%run_scoped3A : memref<!tpu.dma_semaphore, #tpu.memory_space<semaphore_mem>>)
      %dma_wait3A = arith.constant 0 : i32
      %dma_wait3A_50 = tpu.memref_slice %arg18[%mul3A_8, %dma_wait3A] : memref<10240x8xf32, #tpu.memory_space<vmem_shared>> -> memref<640x8xf32, #tpu.memory_space<vmem_shared>>
      %dma_wait3A_51 = arith.constant 0 : i32
      %dma_wait3A_52 = tpu.memref_slice %arg18[%mul3A_8, %dma_wait3A_51] : memref<10240x8xf32, #tpu.memory_space<vmem_shared>> -> memref<640x8xf32, #tpu.memory_space<vmem_shared>>
      tpu.wait_dma2 semaphore(%run_scoped3A : memref<!tpu.dma_semaphore, #tpu.memory_space<semaphore_mem>>) src(%arg17 : memref<640x8xf32, #tpu.memory_space<vmem>>) dst(%dma_wait3A_52 : memref<640x8xf32, #tpu.memory_space<vmem_shared>>)
      tpu.yield
    }) : () -> ()
    "tpu.region"() ({
      %run_scoped3A = tpu.sem_alloc : memref<!tpu.dma_semaphore, #tpu.memory_space<semaphore_mem>>
      %dma_start3A_46 = arith.constant 0 : i32
      %dma_start3A_47 = arith.constant 0 : i32
      %dma_start3A_48 = tpu.memref_slice %arg2[%arg1, %dma_start3A_46, %dma_start3A_47] : memref<16x160x128xi32, #tpu.memory_space<hbm>> -> memref<1x160x128xi32, #tpu.memory_space<hbm>>
      %dma_start3A_49 = tpu.memref_squeeze %dma_start3A_48 : memref<1x160x128xi32, #tpu.memory_space<hbm>> -> memref<160x128xi32, #tpu.memory_space<hbm>>
      %dma_start3A_50 = arith.constant 0 : i32
      %dma_start3A_51 = arith.constant 0 : i32
      %dma_start3A_52 = tpu.memref_slice %arg2[%arg1, %dma_start3A_50, %dma_start3A_51] : memref<16x160x128xi32, #tpu.memory_space<hbm>> -> memref<1x160x128xi32, #tpu.memory_space<hbm>>
      %dma_start3A_53 = tpu.memref_squeeze %dma_start3A_52 : memref<1x160x128xi32, #tpu.memory_space<hbm>> -> memref<160x128xi32, #tpu.memory_space<hbm>>
      tpu.enqueue_dma source(%dma_start3A_53 : memref<160x128xi32, #tpu.memory_space<hbm>>) target(%arg7 : memref<160x128xi32, #tpu.memory_space<vmem>>) target_semaphore(%run_scoped3A : memref<!tpu.dma_semaphore, #tpu.memory_space<semaphore_mem>>)
      %dma_wait3A = arith.constant 0 : i32
      %dma_wait3A_54 = arith.constant 0 : i32
      %dma_wait3A_55 = tpu.memref_slice %arg2[%arg1, %dma_wait3A, %dma_wait3A_54] : memref<16x160x128xi32, #tpu.memory_space<hbm>> -> memref<1x160x128xi32, #tpu.memory_space<hbm>>
      %dma_wait3A_56 = tpu.memref_squeeze %dma_wait3A_55 : memref<1x160x128xi32, #tpu.memory_space<hbm>> -> memref<160x128xi32, #tpu.memory_space<hbm>>
      %dma_wait3A_57 = arith.constant 0 : i32
      %dma_wait3A_58 = arith.constant 0 : i32
      %dma_wait3A_59 = tpu.memref_slice %arg2[%arg1, %dma_wait3A_57, %dma_wait3A_58] : memref<16x160x128xi32, #tpu.memory_space<hbm>> -> memref<1x160x128xi32, #tpu.memory_space<hbm>>
      %dma_wait3A_60 = tpu.memref_squeeze %dma_wait3A_59 : memref<1x160x128xi32, #tpu.memory_space<hbm>> -> memref<160x128xi32, #tpu.memory_space<hbm>>
      tpu.wait_dma2 semaphore(%run_scoped3A : memref<!tpu.dma_semaphore, #tpu.memory_space<semaphore_mem>>) src(%dma_wait3A_60 : memref<160x128xi32, #tpu.memory_space<hbm>>) dst(%arg7 : memref<160x128xi32, #tpu.memory_space<vmem>>)
      tpu.yield
    }) : () -> ()
    "tpu.region"() ({
      %run_scoped3A = tpu.sem_alloc : memref<!tpu.dma_semaphore, #tpu.memory_space<semaphore_mem>>
      %dma_start3A_46 = arith.constant 0 : i32
      %dma_start3A_47 = arith.constant 0 : i32
      %dma_start3A_48 = tpu.memref_slice %arg3[%arg1, %dma_start3A_46, %dma_start3A_47] : memref<16x160x128xi32, #tpu.memory_space<hbm>> -> memref<1x160x128xi32, #tpu.memory_space<hbm>>
      %dma_start3A_49 = tpu.memref_squeeze %dma_start3A_48 : memref<1x160x128xi32, #tpu.memory_space<hbm>> -> memref<160x128xi32, #tpu.memory_space<hbm>>
      %dma_start3A_50 = arith.constant 0 : i32
      %dma_start3A_51 = arith.constant 0 : i32
      %dma_start3A_52 = tpu.memref_slice %arg3[%arg1, %dma_start3A_50, %dma_start3A_51] : memref<16x160x128xi32, #tpu.memory_space<hbm>> -> memref<1x160x128xi32, #tpu.memory_space<hbm>>
      %dma_start3A_53 = tpu.memref_squeeze %dma_start3A_52 : memref<1x160x128xi32, #tpu.memory_space<hbm>> -> memref<160x128xi32, #tpu.memory_space<hbm>>
      tpu.enqueue_dma source(%dma_start3A_53 : memref<160x128xi32, #tpu.memory_space<hbm>>) target(%arg8 : memref<160x128xi32, #tpu.memory_space<vmem>>) target_semaphore(%run_scoped3A : memref<!tpu.dma_semaphore, #tpu.memory_space<semaphore_mem>>)
      %dma_wait3A = arith.constant 0 : i32
      %dma_wait3A_54 = arith.constant 0 : i32
      %dma_wait3A_55 = tpu.memref_slice %arg3[%arg1, %dma_wait3A, %dma_wait3A_54] : memref<16x160x128xi32, #tpu.memory_space<hbm>> -> memref<1x160x128xi32, #tpu.memory_space<hbm>>
      %dma_wait3A_56 = tpu.memref_squeeze %dma_wait3A_55 : memref<1x160x128xi32, #tpu.memory_space<hbm>> -> memref<160x128xi32, #tpu.memory_space<hbm>>
      %dma_wait3A_57 = arith.constant 0 : i32
      %dma_wait3A_58 = arith.constant 0 : i32
      %dma_wait3A_59 = tpu.memref_slice %arg3[%arg1, %dma_wait3A_57, %dma_wait3A_58] : memref<16x160x128xi32, #tpu.memory_space<hbm>> -> memref<1x160x128xi32, #tpu.memory_space<hbm>>
      %dma_wait3A_60 = tpu.memref_squeeze %dma_wait3A_59 : memref<1x160x128xi32, #tpu.memory_space<hbm>> -> memref<160x128xi32, #tpu.memory_space<hbm>>
      tpu.wait_dma2 semaphore(%run_scoped3A : memref<!tpu.dma_semaphore, #tpu.memory_space<semaphore_mem>>) src(%dma_wait3A_60 : memref<160x128xi32, #tpu.memory_space<hbm>>) dst(%arg8 : memref<160x128xi32, #tpu.memory_space<vmem>>)
      tpu.yield
    }) : () -> ()
    %barrier3A = arith.constant 0 : index
    tpu.barrier barrier_id(%barrier3A)
    %dma_start3A = arith.constant 0 : i32
    %dma_start3A_9 = arith.constant 0 : i32
    %dma_start3A_10 = tpu.memref_slice %arg8[%dma_start3A, %dma_start3A_9] : memref<160x128xi32, #tpu.memory_space<vmem>> -> memref<1x128xi32, #tpu.memory_space<vmem>>
    %dma_start3A_11 = tpu.memref_squeeze %dma_start3A_10 : memref<1x128xi32, #tpu.memory_space<vmem>> -> memref<128xi32, #tpu.memory_space<vmem>>
    %dma_start3A_12 = arith.constant 0 : i32
    %dma_start3A_13 = arith.constant 0 : i32
    %dma_start3A_14 = tpu.memref_slice %arg19[%dma_start3A_12, %dma_start3A_13] : memref<10000x8xf32, #tpu.memory_space<vmem_shared>> -> memref<10000x8xf32, #tpu.memory_space<vmem_shared>>
    tpu.enqueue_indirect_dma source(%dma_start3A_14 : memref<10000x8xf32, #tpu.memory_space<vmem_shared>>) target(%arg9 : memref<128x8xf32, #tpu.memory_space<vmem>>) offsets(%dma_start3A_11 : memref<128xi32, #tpu.memory_space<vmem>>) semaphore(%arg20 : memref<!tpu.dma_semaphore, #tpu.memory_space<semaphore_mem>>)
    %dma_start3A_15 = arith.constant 1 : i32
    %dma_start3A_16 = arith.constant 0 : i32
    %dma_start3A_17 = tpu.memref_slice %arg8[%dma_start3A_15, %dma_start3A_16] : memref<160x128xi32, #tpu.memory_space<vmem>> -> memref<1x128xi32, #tpu.memory_space<vmem>>
    %dma_start3A_18 = tpu.memref_squeeze %dma_start3A_17 : memref<1x128xi32, #tpu.memory_space<vmem>> -> memref<128xi32, #tpu.memory_space<vmem>>
    %dma_start3A_19 = arith.constant 0 : i32
    %dma_start3A_20 = arith.constant 0 : i32
    %dma_start3A_21 = tpu.memref_slice %arg19[%dma_start3A_19, %dma_start3A_20] : memref<10000x8xf32, #tpu.memory_space<vmem_shared>> -> memref<10000x8xf32, #tpu.memory_space<vmem_shared>>
    tpu.enqueue_indirect_dma source(%dma_start3A_21 : memref<10000x8xf32, #tpu.memory_space<vmem_shared>>) target(%arg10 : memref<128x8xf32, #tpu.memory_space<vmem>>) offsets(%dma_start3A_18 : memref<128xi32, #tpu.memory_space<vmem>>) semaphore(%arg21 : memref<!tpu.dma_semaphore, #tpu.memory_space<semaphore_mem>>)
    %dma_start3A_22 = arith.constant 2 : i32
    %dma_start3A_23 = arith.constant 0 : i32
    %dma_start3A_24 = tpu.memref_slice %arg8[%dma_start3A_22, %dma_start3A_23] : memref<160x128xi32, #tpu.memory_space<vmem>> -> memref<1x128xi32, #tpu.memory_space<vmem>>
    %dma_start3A_25 = tpu.memref_squeeze %dma_start3A_24 : memref<1x128xi32, #tpu.memory_space<vmem>> -> memref<128xi32, #tpu.memory_space<vmem>>
    %dma_start3A_26 = arith.constant 0 : i32
    %dma_start3A_27 = arith.constant 0 : i32
    %dma_start3A_28 = tpu.memref_slice %arg19[%dma_start3A_26, %dma_start3A_27] : memref<10000x8xf32, #tpu.memory_space<vmem_shared>> -> memref<10000x8xf32, #tpu.memory_space<vmem_shared>>
    tpu.enqueue_indirect_dma source(%dma_start3A_28 : memref<10000x8xf32, #tpu.memory_space<vmem_shared>>) target(%arg11 : memref<128x8xf32, #tpu.memory_space<vmem>>) offsets(%dma_start3A_25 : memref<128xi32, #tpu.memory_space<vmem>>) semaphore(%arg22 : memref<!tpu.dma_semaphore, #tpu.memory_space<semaphore_mem>>)
    %dma_start3A_29 = arith.constant 3 : i32
    %dma_start3A_30 = arith.constant 0 : i32
    %dma_start3A_31 = tpu.memref_slice %arg8[%dma_start3A_29, %dma_start3A_30] : memref<160x128xi32, #tpu.memory_space<vmem>> -> memref<1x128xi32, #tpu.memory_space<vmem>>
    %dma_start3A_32 = tpu.memref_squeeze %dma_start3A_31 : memref<1x128xi32, #tpu.memory_space<vmem>> -> memref<128xi32, #tpu.memory_space<vmem>>
    %dma_start3A_33 = arith.constant 0 : i32
    %dma_start3A_34 = arith.constant 0 : i32
    %dma_start3A_35 = tpu.memref_slice %arg19[%dma_start3A_33, %dma_start3A_34] : memref<10000x8xf32, #tpu.memory_space<vmem_shared>> -> memref<10000x8xf32, #tpu.memory_space<vmem_shared>>
    tpu.enqueue_indirect_dma source(%dma_start3A_35 : memref<10000x8xf32, #tpu.memory_space<vmem_shared>>) target(%arg12 : memref<128x8xf32, #tpu.memory_space<vmem>>) offsets(%dma_start3A_32 : memref<128xi32, #tpu.memory_space<vmem>>) semaphore(%arg23 : memref<!tpu.dma_semaphore, #tpu.memory_space<semaphore_mem>>)
    %scan3A = arith.constant 0 : i32
    %scan3A_36 = arith.constant 0 : i32
    %scan3A_37 = arith.constant 20 : i32
    %scan3A_38 = arith.addi %scan3A_36, %scan3A_37 : i32
    %scan3A_39 = arith.constant 1 : i32
    scf.for %scan3A_46 = %scan3A_36 to %scan3A_38 step %scan3A_39  : i32 {
      %mul3A_47 = arith.constant 2 : i32
      %mul3A_48 = arith.muli %mul3A_47, %scan3A_46 : i32
      %add3A = arith.constant 1 : i32
      %add3A_49 = arith.addi %mul3A_48, %add3A : i32
      %mul3A_50 = arith.constant 4 : i32
      %mul3A_51 = arith.muli %add3A_49, %mul3A_50 : i32
      %add3A_52 = arith.constant 0 : i32
      %add3A_53 = arith.addi %mul3A_51, %add3A_52 : i32
      %dma_start3A_54 = arith.constant 0 : i32
      %dma_start3A_55 = tpu.memref_slice %arg8[%add3A_53, %dma_start3A_54] : memref<160x128xi32, #tpu.memory_space<vmem>> -> memref<1x128xi32, #tpu.memory_space<vmem>>
      %dma_start3A_56 = tpu.memref_squeeze %dma_start3A_55 : memref<1x128xi32, #tpu.memory_space<vmem>> -> memref<128xi32, #tpu.memory_space<vmem>>
      %dma_start3A_57 = arith.constant 0 : i32
      %dma_start3A_58 = arith.constant 0 : i32
      %dma_start3A_59 = tpu.memref_slice %arg19[%dma_start3A_57, %dma_start3A_58] : memref<10000x8xf32, #tpu.memory_space<vmem_shared>> -> memref<10000x8xf32, #tpu.memory_space<vmem_shared>>
      tpu.enqueue_indirect_dma source(%dma_start3A_59 : memref<10000x8xf32, #tpu.memory_space<vmem_shared>>) target(%arg13 : memref<128x8xf32, #tpu.memory_space<vmem>>) offsets(%dma_start3A_56 : memref<128xi32, #tpu.memory_space<vmem>>) semaphore(%arg24 : memref<!tpu.dma_semaphore, #tpu.memory_space<semaphore_mem>>)
      %add3A_60 = arith.constant 1 : i32
      %add3A_61 = arith.addi %mul3A_48, %add3A_60 : i32
      %mul3A_62 = arith.constant 4 : i32
      %mul3A_63 = arith.muli %add3A_61, %mul3A_62 : i32
      %add3A_64 = arith.constant 1 : i32
      %add3A_65 = arith.addi %mul3A_63, %add3A_64 : i32
      %dma_start3A_66 = arith.constant 0 : i32
      %dma_start3A_67 = tpu.memref_slice %arg8[%add3A_65, %dma_start3A_66] : memref<160x128xi32, #tpu.memory_space<vmem>> -> memref<1x128xi32, #tpu.memory_space<vmem>>
      %dma_start3A_68 = tpu.memref_squeeze %dma_start3A_67 : memref<1x128xi32, #tpu.memory_space<vmem>> -> memref<128xi32, #tpu.memory_space<vmem>>
      %dma_start3A_69 = arith.constant 0 : i32
      %dma_start3A_70 = arith.constant 0 : i32
      %dma_start3A_71 = tpu.memref_slice %arg19[%dma_start3A_69, %dma_start3A_70] : memref<10000x8xf32, #tpu.memory_space<vmem_shared>> -> memref<10000x8xf32, #tpu.memory_space<vmem_shared>>
      tpu.enqueue_indirect_dma source(%dma_start3A_71 : memref<10000x8xf32, #tpu.memory_space<vmem_shared>>) target(%arg14 : memref<128x8xf32, #tpu.memory_space<vmem>>) offsets(%dma_start3A_68 : memref<128xi32, #tpu.memory_space<vmem>>) semaphore(%arg25 : memref<!tpu.dma_semaphore, #tpu.memory_space<semaphore_mem>>)
      %add3A_72 = arith.constant 1 : i32
      %add3A_73 = arith.addi %mul3A_48, %add3A_72 : i32
      %mul3A_74 = arith.constant 4 : i32
      %mul3A_75 = arith.muli %add3A_73, %mul3A_74 : i32
      %add3A_76 = arith.constant 2 : i32
      %add3A_77 = arith.addi %mul3A_75, %add3A_76 : i32
      %dma_start3A_78 = arith.constant 0 : i32
      %dma_start3A_79 = tpu.memref_slice %arg8[%add3A_77, %dma_start3A_78] : memref<160x128xi32, #tpu.memory_space<vmem>> -> memref<1x128xi32, #tpu.memory_space<vmem>>
      %dma_start3A_80 = tpu.memref_squeeze %dma_start3A_79 : memref<1x128xi32, #tpu.memory_space<vmem>> -> memref<128xi32, #tpu.memory_space<vmem>>
      %dma_start3A_81 = arith.constant 0 : i32
      %dma_start3A_82 = arith.constant 0 : i32
      %dma_start3A_83 = tpu.memref_slice %arg19[%dma_start3A_81, %dma_start3A_82] : memref<10000x8xf32, #tpu.memory_space<vmem_shared>> -> memref<10000x8xf32, #tpu.memory_space<vmem_shared>>
      tpu.enqueue_indirect_dma source(%dma_start3A_83 : memref<10000x8xf32, #tpu.memory_space<vmem_shared>>) target(%arg15 : memref<128x8xf32, #tpu.memory_space<vmem>>) offsets(%dma_start3A_80 : memref<128xi32, #tpu.memory_space<vmem>>) semaphore(%arg26 : memref<!tpu.dma_semaphore, #tpu.memory_space<semaphore_mem>>)
      %add3A_84 = arith.constant 1 : i32
      %add3A_85 = arith.addi %mul3A_48, %add3A_84 : i32
      %mul3A_86 = arith.constant 4 : i32
      %mul3A_87 = arith.muli %add3A_85, %mul3A_86 : i32
      %add3A_88 = arith.constant 3 : i32
      %add3A_89 = arith.addi %mul3A_87, %add3A_88 : i32
      %dma_start3A_90 = arith.constant 0 : i32
      %dma_start3A_91 = tpu.memref_slice %arg8[%add3A_89, %dma_start3A_90] : memref<160x128xi32, #tpu.memory_space<vmem>> -> memref<1x128xi32, #tpu.memory_space<vmem>>
      %dma_start3A_92 = tpu.memref_squeeze %dma_start3A_91 : memref<1x128xi32, #tpu.memory_space<vmem>> -> memref<128xi32, #tpu.memory_space<vmem>>
      %dma_start3A_93 = arith.constant 0 : i32
      %dma_start3A_94 = arith.constant 0 : i32
      %dma_start3A_95 = tpu.memref_slice %arg19[%dma_start3A_93, %dma_start3A_94] : memref<10000x8xf32, #tpu.memory_space<vmem_shared>> -> memref<10000x8xf32, #tpu.memory_space<vmem_shared>>
      tpu.enqueue_indirect_dma source(%dma_start3A_95 : memref<10000x8xf32, #tpu.memory_space<vmem_shared>>) target(%arg16 : memref<128x8xf32, #tpu.memory_space<vmem>>) offsets(%dma_start3A_92 : memref<128xi32, #tpu.memory_space<vmem>>) semaphore(%arg27 : memref<!tpu.dma_semaphore, #tpu.memory_space<semaphore_mem>>)
      %dma_wait3A = arith.constant 0 : i32
      %dma_wait3A_96 = arith.constant 0 : i32
      %dma_wait3A_97 = tpu.memref_slice %arg8[%dma_wait3A, %dma_wait3A_96] : memref<160x128xi32, #tpu.memory_space<vmem>> -> memref<1x128xi32, #tpu.memory_space<vmem>>
      %dma_wait3A_98 = tpu.memref_squeeze %dma_wait3A_97 : memref<1x128xi32, #tpu.memory_space<vmem>> -> memref<128xi32, #tpu.memory_space<vmem>>
      %dma_wait3A_99 = arith.constant 0 : i32
      %dma_wait3A_100 = arith.constant 0 : i32
      %dma_wait3A_101 = tpu.memref_slice %arg19[%dma_wait3A_99, %dma_wait3A_100] : memref<10000x8xf32, #tpu.memory_space<vmem_shared>> -> memref<10000x8xf32, #tpu.memory_space<vmem_shared>>
      tpu.wait_indirect_dma semaphore(%arg20 : memref<!tpu.dma_semaphore, #tpu.memory_space<semaphore_mem>>) src(%dma_wait3A_101 : memref<10000x8xf32, #tpu.memory_space<vmem_shared>>) dst(%arg9 : memref<128x8xf32, #tpu.memory_space<vmem>>)
      %mul3A_102 = arith.constant 4 : i32
      %mul3A_103 = arith.muli %mul3A_48, %mul3A_102 : i32
      %add3A_104 = arith.constant 0 : i32
      %add3A_105 = arith.addi %mul3A_103, %add3A_104 : i32
      %dma_start3A_106 = arith.constant 0 : i32
      %dma_start3A_107 = tpu.memref_slice %arg7[%add3A_105, %dma_start3A_106] : memref<160x128xi32, #tpu.memory_space<vmem>> -> memref<1x128xi32, #tpu.memory_space<vmem>>
      %dma_start3A_108 = tpu.memref_squeeze %dma_start3A_107 : memref<1x128xi32, #tpu.memory_space<vmem>> -> memref<128xi32, #tpu.memory_space<vmem>>
      %dma_start3A_109 = arith.constant 0 : i32
      %dma_start3A_110 = arith.constant 0 : i32
      %dma_start3A_111 = tpu.memref_slice %arg18[%dma_start3A_109, %dma_start3A_110] : memref<10240x8xf32, #tpu.memory_space<vmem_shared>> -> memref<10240x8xf32, #tpu.memory_space<vmem_shared>>
      tpu.enqueue_indirect_dma source(%arg9 : memref<128x8xf32, #tpu.memory_space<vmem>>) target(%dma_start3A_111 : memref<10240x8xf32, #tpu.memory_space<vmem_shared>>) offsets(%dma_start3A_108 : memref<128xi32, #tpu.memory_space<vmem>>) semaphore(%arg28 : memref<!tpu.dma_semaphore, #tpu.memory_space<semaphore_mem>>) {add = true}
      %dma_wait3A_112 = arith.constant 0 : i32
      %dma_wait3A_113 = arith.constant 0 : i32
      %dma_wait3A_114 = tpu.memref_slice %arg8[%dma_wait3A_112, %dma_wait3A_113] : memref<160x128xi32, #tpu.memory_space<vmem>> -> memref<1x128xi32, #tpu.memory_space<vmem>>
      %dma_wait3A_115 = tpu.memref_squeeze %dma_wait3A_114 : memref<1x128xi32, #tpu.memory_space<vmem>> -> memref<128xi32, #tpu.memory_space<vmem>>
      %dma_wait3A_116 = arith.constant 0 : i32
      %dma_wait3A_117 = arith.constant 0 : i32
      %dma_wait3A_118 = tpu.memref_slice %arg19[%dma_wait3A_116, %dma_wait3A_117] : memref<10000x8xf32, #tpu.memory_space<vmem_shared>> -> memref<10000x8xf32, #tpu.memory_space<vmem_shared>>
      tpu.wait_indirect_dma semaphore(%arg21 : memref<!tpu.dma_semaphore, #tpu.memory_space<semaphore_mem>>) src(%dma_wait3A_118 : memref<10000x8xf32, #tpu.memory_space<vmem_shared>>) dst(%arg10 : memref<128x8xf32, #tpu.memory_space<vmem>>)
      %mul3A_119 = arith.constant 4 : i32
      %mul3A_120 = arith.muli %mul3A_48, %mul3A_119 : i32
      %add3A_121 = arith.constant 1 : i32
      %add3A_122 = arith.addi %mul3A_120, %add3A_121 : i32
      %dma_start3A_123 = arith.constant 0 : i32
      %dma_start3A_124 = tpu.memref_slice %arg7[%add3A_122, %dma_start3A_123] : memref<160x128xi32, #tpu.memory_space<vmem>> -> memref<1x128xi32, #tpu.memory_space<vmem>>
      %dma_start3A_125 = tpu.memref_squeeze %dma_start3A_124 : memref<1x128xi32, #tpu.memory_space<vmem>> -> memref<128xi32, #tpu.memory_space<vmem>>
      %dma_start3A_126 = arith.constant 0 : i32
      %dma_start3A_127 = arith.constant 0 : i32
      %dma_start3A_128 = tpu.memref_slice %arg18[%dma_start3A_126, %dma_start3A_127] : memref<10240x8xf32, #tpu.memory_space<vmem_shared>> -> memref<10240x8xf32, #tpu.memory_space<vmem_shared>>
      tpu.enqueue_indirect_dma source(%arg10 : memref<128x8xf32, #tpu.memory_space<vmem>>) target(%dma_start3A_128 : memref<10240x8xf32, #tpu.memory_space<vmem_shared>>) offsets(%dma_start3A_125 : memref<128xi32, #tpu.memory_space<vmem>>) semaphore(%arg29 : memref<!tpu.dma_semaphore, #tpu.memory_space<semaphore_mem>>) {add = true}
      %dma_wait3A_129 = arith.constant 0 : i32
      %dma_wait3A_130 = arith.constant 0 : i32
      %dma_wait3A_131 = tpu.memref_slice %arg8[%dma_wait3A_129, %dma_wait3A_130] : memref<160x128xi32, #tpu.memory_space<vmem>> -> memref<1x128xi32, #tpu.memory_space<vmem>>
      %dma_wait3A_132 = tpu.memref_squeeze %dma_wait3A_131 : memref<1x128xi32, #tpu.memory_space<vmem>> -> memref<128xi32, #tpu.memory_space<vmem>>
      %dma_wait3A_133 = arith.constant 0 : i32
      %dma_wait3A_134 = arith.constant 0 : i32
      %dma_wait3A_135 = tpu.memref_slice %arg19[%dma_wait3A_133, %dma_wait3A_134] : memref<10000x8xf32, #tpu.memory_space<vmem_shared>> -> memref<10000x8xf32, #tpu.memory_space<vmem_shared>>
      tpu.wait_indirect_dma semaphore(%arg22 : memref<!tpu.dma_semaphore, #tpu.memory_space<semaphore_mem>>) src(%dma_wait3A_135 : memref<10000x8xf32, #tpu.memory_space<vmem_shared>>) dst(%arg11 : memref<128x8xf32, #tpu.memory_space<vmem>>)
      %mul3A_136 = arith.constant 4 : i32
      %mul3A_137 = arith.muli %mul3A_48, %mul3A_136 : i32
      %add3A_138 = arith.constant 2 : i32
      %add3A_139 = arith.addi %mul3A_137, %add3A_138 : i32
      %dma_start3A_140 = arith.constant 0 : i32
      %dma_start3A_141 = tpu.memref_slice %arg7[%add3A_139, %dma_start3A_140] : memref<160x128xi32, #tpu.memory_space<vmem>> -> memref<1x128xi32, #tpu.memory_space<vmem>>
      %dma_start3A_142 = tpu.memref_squeeze %dma_start3A_141 : memref<1x128xi32, #tpu.memory_space<vmem>> -> memref<128xi32, #tpu.memory_space<vmem>>
      %dma_start3A_143 = arith.constant 0 : i32
      %dma_start3A_144 = arith.constant 0 : i32
      %dma_start3A_145 = tpu.memref_slice %arg18[%dma_start3A_143, %dma_start3A_144] : memref<10240x8xf32, #tpu.memory_space<vmem_shared>> -> memref<10240x8xf32, #tpu.memory_space<vmem_shared>>
      tpu.enqueue_indirect_dma source(%arg11 : memref<128x8xf32, #tpu.memory_space<vmem>>) target(%dma_start3A_145 : memref<10240x8xf32, #tpu.memory_space<vmem_shared>>) offsets(%dma_start3A_142 : memref<128xi32, #tpu.memory_space<vmem>>) semaphore(%arg30 : memref<!tpu.dma_semaphore, #tpu.memory_space<semaphore_mem>>) {add = true}
      %dma_wait3A_146 = arith.constant 0 : i32
      %dma_wait3A_147 = arith.constant 0 : i32
      %dma_wait3A_148 = tpu.memref_slice %arg8[%dma_wait3A_146, %dma_wait3A_147] : memref<160x128xi32, #tpu.memory_space<vmem>> -> memref<1x128xi32, #tpu.memory_space<vmem>>
      %dma_wait3A_149 = tpu.memref_squeeze %dma_wait3A_148 : memref<1x128xi32, #tpu.memory_space<vmem>> -> memref<128xi32, #tpu.memory_space<vmem>>
      %dma_wait3A_150 = arith.constant 0 : i32
      %dma_wait3A_151 = arith.constant 0 : i32
      %dma_wait3A_152 = tpu.memref_slice %arg19[%dma_wait3A_150, %dma_wait3A_151] : memref<10000x8xf32, #tpu.memory_space<vmem_shared>> -> memref<10000x8xf32, #tpu.memory_space<vmem_shared>>
      tpu.wait_indirect_dma semaphore(%arg23 : memref<!tpu.dma_semaphore, #tpu.memory_space<semaphore_mem>>) src(%dma_wait3A_152 : memref<10000x8xf32, #tpu.memory_space<vmem_shared>>) dst(%arg12 : memref<128x8xf32, #tpu.memory_space<vmem>>)
      %mul3A_153 = arith.constant 4 : i32
      %mul3A_154 = arith.muli %mul3A_48, %mul3A_153 : i32
      %add3A_155 = arith.constant 3 : i32
      %add3A_156 = arith.addi %mul3A_154, %add3A_155 : i32
      %dma_start3A_157 = arith.constant 0 : i32
      %dma_start3A_158 = tpu.memref_slice %arg7[%add3A_156, %dma_start3A_157] : memref<160x128xi32, #tpu.memory_space<vmem>> -> memref<1x128xi32, #tpu.memory_space<vmem>>
      %dma_start3A_159 = tpu.memref_squeeze %dma_start3A_158 : memref<1x128xi32, #tpu.memory_space<vmem>> -> memref<128xi32, #tpu.memory_space<vmem>>
      %dma_start3A_160 = arith.constant 0 : i32
      %dma_start3A_161 = arith.constant 0 : i32
      %dma_start3A_162 = tpu.memref_slice %arg18[%dma_start3A_160, %dma_start3A_161] : memref<10240x8xf32, #tpu.memory_space<vmem_shared>> -> memref<10240x8xf32, #tpu.memory_space<vmem_shared>>
      tpu.enqueue_indirect_dma source(%arg12 : memref<128x8xf32, #tpu.memory_space<vmem>>) target(%dma_start3A_162 : memref<10240x8xf32, #tpu.memory_space<vmem_shared>>) offsets(%dma_start3A_159 : memref<128xi32, #tpu.memory_space<vmem>>) semaphore(%arg31 : memref<!tpu.dma_semaphore, #tpu.memory_space<semaphore_mem>>) {add = true}
      %dma_wait3A_163 = arith.constant 0 : i32
      %dma_wait3A_164 = tpu.memref_slice %arg7[%add3A_105, %dma_wait3A_163] : memref<160x128xi32, #tpu.memory_space<vmem>> -> memref<1x128xi32, #tpu.memory_space<vmem>>
      %dma_wait3A_165 = tpu.memref_squeeze %dma_wait3A_164 : memref<1x128xi32, #tpu.memory_space<vmem>> -> memref<128xi32, #tpu.memory_space<vmem>>
      %dma_wait3A_166 = arith.constant 0 : i32
      %dma_wait3A_167 = arith.constant 0 : i32
      %dma_wait3A_168 = tpu.memref_slice %arg18[%dma_wait3A_166, %dma_wait3A_167] : memref<10240x8xf32, #tpu.memory_space<vmem_shared>> -> memref<10240x8xf32, #tpu.memory_space<vmem_shared>>
      tpu.wait_indirect_dma semaphore(%arg28 : memref<!tpu.dma_semaphore, #tpu.memory_space<semaphore_mem>>) src(%arg9 : memref<128x8xf32, #tpu.memory_space<vmem>>) dst(%dma_wait3A_168 : memref<10240x8xf32, #tpu.memory_space<vmem_shared>>)
      %dma_wait3A_169 = arith.constant 0 : i32
      %dma_wait3A_170 = tpu.memref_slice %arg7[%add3A_122, %dma_wait3A_169] : memref<160x128xi32, #tpu.memory_space<vmem>> -> memref<1x128xi32, #tpu.memory_space<vmem>>
      %dma_wait3A_171 = tpu.memref_squeeze %dma_wait3A_170 : memref<1x128xi32, #tpu.memory_space<vmem>> -> memref<128xi32, #tpu.memory_space<vmem>>
      %dma_wait3A_172 = arith.constant 0 : i32
      %dma_wait3A_173 = arith.constant 0 : i32
      %dma_wait3A_174 = tpu.memref_slice %arg18[%dma_wait3A_172, %dma_wait3A_173] : memref<10240x8xf32, #tpu.memory_space<vmem_shared>> -> memref<10240x8xf32, #tpu.memory_space<vmem_shared>>
      tpu.wait_indirect_dma semaphore(%arg29 : memref<!tpu.dma_semaphore, #tpu.memory_space<semaphore_mem>>) src(%arg10 : memref<128x8xf32, #tpu.memory_space<vmem>>) dst(%dma_wait3A_174 : memref<10240x8xf32, #tpu.memory_space<vmem_shared>>)
      %dma_wait3A_175 = arith.constant 0 : i32
      %dma_wait3A_176 = tpu.memref_slice %arg7[%add3A_139, %dma_wait3A_175] : memref<160x128xi32, #tpu.memory_space<vmem>> -> memref<1x128xi32, #tpu.memory_space<vmem>>
      %dma_wait3A_177 = tpu.memref_squeeze %dma_wait3A_176 : memref<1x128xi32, #tpu.memory_space<vmem>> -> memref<128xi32, #tpu.memory_space<vmem>>
      %dma_wait3A_178 = arith.constant 0 : i32
      %dma_wait3A_179 = arith.constant 0 : i32
      %dma_wait3A_180 = tpu.memref_slice %arg18[%dma_wait3A_178, %dma_wait3A_179] : memref<10240x8xf32, #tpu.memory_space<vmem_shared>> -> memref<10240x8xf32, #tpu.memory_space<vmem_shared>>
      tpu.wait_indirect_dma semaphore(%arg30 : memref<!tpu.dma_semaphore, #tpu.memory_space<semaphore_mem>>) src(%arg11 : memref<128x8xf32, #tpu.memory_space<vmem>>) dst(%dma_wait3A_180 : memref<10240x8xf32, #tpu.memory_space<vmem_shared>>)
      %dma_wait3A_181 = arith.constant 0 : i32
      %dma_wait3A_182 = tpu.memref_slice %arg7[%add3A_156, %dma_wait3A_181] : memref<160x128xi32, #tpu.memory_space<vmem>> -> memref<1x128xi32, #tpu.memory_space<vmem>>
      %dma_wait3A_183 = tpu.memref_squeeze %dma_wait3A_182 : memref<1x128xi32, #tpu.memory_space<vmem>> -> memref<128xi32, #tpu.memory_space<vmem>>
      %dma_wait3A_184 = arith.constant 0 : i32
      %dma_wait3A_185 = arith.constant 0 : i32
      %dma_wait3A_186 = tpu.memref_slice %arg18[%dma_wait3A_184, %dma_wait3A_185] : memref<10240x8xf32, #tpu.memory_space<vmem_shared>> -> memref<10240x8xf32, #tpu.memory_space<vmem_shared>>
      tpu.wait_indirect_dma semaphore(%arg31 : memref<!tpu.dma_semaphore, #tpu.memory_space<semaphore_mem>>) src(%arg12 : memref<128x8xf32, #tpu.memory_space<vmem>>) dst(%dma_wait3A_186 : memref<10240x8xf32, #tpu.memory_space<vmem_shared>>)
      %mul3A_187 = arith.constant 2 : i32
      %mul3A_188 = arith.muli %mul3A_187, %scan3A_46 : i32
      %add3A_189 = arith.constant 1 : i32
      %add3A_190 = arith.addi %mul3A_188, %add3A_189 : i32
      %lt3A = arith.constant 19 : i32
      %lt3A_191 = arith.cmpi slt, %scan3A_46, %lt3A : i32
      %convert_element_type3A = arith.extui %lt3A_191 : i1 to i32
      %cond3A = arith.constant 0 : i32
      %cond3A_192 = arith.cmpi ne, %convert_element_type3A, %cond3A : i32
      scf.if %cond3A_192 {
        %add3A_294 = arith.constant 1 : i32
        %add3A_295 = arith.addi %add3A_190, %add3A_294 : i32
        %mul3A_296 = arith.constant 4 : i32
        %mul3A_297 = arith.muli %add3A_295, %mul3A_296 : i32
        %add3A_298 = arith.constant 0 : i32
        %add3A_299 = arith.addi %mul3A_297, %add3A_298 : i32
        %dma_start3A_300 = arith.constant 0 : i32
        %dma_start3A_301 = tpu.memref_slice %arg8[%add3A_299, %dma_start3A_300] : memref<160x128xi32, #tpu.memory_space<vmem>> -> memref<1x128xi32, #tpu.memory_space<vmem>>
        %dma_start3A_302 = tpu.memref_squeeze %dma_start3A_301 : memref<1x128xi32, #tpu.memory_space<vmem>> -> memref<128xi32, #tpu.memory_space<vmem>>
        %dma_start3A_303 = arith.constant 0 : i32
        %dma_start3A_304 = arith.constant 0 : i32
        %dma_start3A_305 = tpu.memref_slice %arg19[%dma_start3A_303, %dma_start3A_304] : memref<10000x8xf32, #tpu.memory_space<vmem_shared>> -> memref<10000x8xf32, #tpu.memory_space<vmem_shared>>
        tpu.enqueue_indirect_dma source(%dma_start3A_305 : memref<10000x8xf32, #tpu.memory_space<vmem_shared>>) target(%arg9 : memref<128x8xf32, #tpu.memory_space<vmem>>) offsets(%dma_start3A_302 : memref<128xi32, #tpu.memory_space<vmem>>) semaphore(%arg20 : memref<!tpu.dma_semaphore, #tpu.memory_space<semaphore_mem>>)
      } else {
      }
      %convert_element_type3A_193 = arith.extui %lt3A_191 : i1 to i32
      %cond3A_194 = arith.constant 0 : i32
      %cond3A_195 = arith.cmpi ne, %convert_element_type3A_193, %cond3A_194 : i32
      scf.if %cond3A_195 {
        %add3A_294 = arith.constant 1 : i32
        %add3A_295 = arith.addi %add3A_190, %add3A_294 : i32
        %mul3A_296 = arith.constant 4 : i32
        %mul3A_297 = arith.muli %add3A_295, %mul3A_296 : i32
        %add3A_298 = arith.constant 1 : i32
        %add3A_299 = arith.addi %mul3A_297, %add3A_298 : i32
        %dma_start3A_300 = arith.constant 0 : i32
        %dma_start3A_301 = tpu.memref_slice %arg8[%add3A_299, %dma_start3A_300] : memref<160x128xi32, #tpu.memory_space<vmem>> -> memref<1x128xi32, #tpu.memory_space<vmem>>
        %dma_start3A_302 = tpu.memref_squeeze %dma_start3A_301 : memref<1x128xi32, #tpu.memory_space<vmem>> -> memref<128xi32, #tpu.memory_space<vmem>>
        %dma_start3A_303 = arith.constant 0 : i32
        %dma_start3A_304 = arith.constant 0 : i32
        %dma_start3A_305 = tpu.memref_slice %arg19[%dma_start3A_303, %dma_start3A_304] : memref<10000x8xf32, #tpu.memory_space<vmem_shared>> -> memref<10000x8xf32, #tpu.memory_space<vmem_shared>>
        tpu.enqueue_indirect_dma source(%dma_start3A_305 : memref<10000x8xf32, #tpu.memory_space<vmem_shared>>) target(%arg10 : memref<128x8xf32, #tpu.memory_space<vmem>>) offsets(%dma_start3A_302 : memref<128xi32, #tpu.memory_space<vmem>>) semaphore(%arg21 : memref<!tpu.dma_semaphore, #tpu.memory_space<semaphore_mem>>)
      } else {
      }
      %convert_element_type3A_196 = arith.extui %lt3A_191 : i1 to i32
      %cond3A_197 = arith.constant 0 : i32
      %cond3A_198 = arith.cmpi ne, %convert_element_type3A_196, %cond3A_197 : i32
      scf.if %cond3A_198 {
        %add3A_294 = arith.constant 1 : i32
        %add3A_295 = arith.addi %add3A_190, %add3A_294 : i32
        %mul3A_296 = arith.constant 4 : i32
        %mul3A_297 = arith.muli %add3A_295, %mul3A_296 : i32
        %add3A_298 = arith.constant 2 : i32
        %add3A_299 = arith.addi %mul3A_297, %add3A_298 : i32
        %dma_start3A_300 = arith.constant 0 : i32
        %dma_start3A_301 = tpu.memref_slice %arg8[%add3A_299, %dma_start3A_300] : memref<160x128xi32, #tpu.memory_space<vmem>> -> memref<1x128xi32, #tpu.memory_space<vmem>>
        %dma_start3A_302 = tpu.memref_squeeze %dma_start3A_301 : memref<1x128xi32, #tpu.memory_space<vmem>> -> memref<128xi32, #tpu.memory_space<vmem>>
        %dma_start3A_303 = arith.constant 0 : i32
        %dma_start3A_304 = arith.constant 0 : i32
        %dma_start3A_305 = tpu.memref_slice %arg19[%dma_start3A_303, %dma_start3A_304] : memref<10000x8xf32, #tpu.memory_space<vmem_shared>> -> memref<10000x8xf32, #tpu.memory_space<vmem_shared>>
        tpu.enqueue_indirect_dma source(%dma_start3A_305 : memref<10000x8xf32, #tpu.memory_space<vmem_shared>>) target(%arg11 : memref<128x8xf32, #tpu.memory_space<vmem>>) offsets(%dma_start3A_302 : memref<128xi32, #tpu.memory_space<vmem>>) semaphore(%arg22 : memref<!tpu.dma_semaphore, #tpu.memory_space<semaphore_mem>>)
      } else {
      }
      %convert_element_type3A_199 = arith.extui %lt3A_191 : i1 to i32
      %cond3A_200 = arith.constant 0 : i32
      %cond3A_201 = arith.cmpi ne, %convert_element_type3A_199, %cond3A_200 : i32
      scf.if %cond3A_201 {
        %add3A_294 = arith.constant 1 : i32
        %add3A_295 = arith.addi %add3A_190, %add3A_294 : i32
        %mul3A_296 = arith.constant 4 : i32
        %mul3A_297 = arith.muli %add3A_295, %mul3A_296 : i32
        %add3A_298 = arith.constant 3 : i32
        %add3A_299 = arith.addi %mul3A_297, %add3A_298 : i32
        %dma_start3A_300 = arith.constant 0 : i32
        %dma_start3A_301 = tpu.memref_slice %arg8[%add3A_299, %dma_start3A_300] : memref<160x128xi32, #tpu.memory_space<vmem>> -> memref<1x128xi32, #tpu.memory_space<vmem>>
        %dma_start3A_302 = tpu.memref_squeeze %dma_start3A_301 : memref<1x128xi32, #tpu.memory_space<vmem>> -> memref<128xi32, #tpu.memory_space<vmem>>
        %dma_start3A_303 = arith.constant 0 : i32
        %dma_start3A_304 = arith.constant 0 : i32
        %dma_start3A_305 = tpu.memref_slice %arg19[%dma_start3A_303, %dma_start3A_304] : memref<10000x8xf32, #tpu.memory_space<vmem_shared>> -> memref<10000x8xf32, #tpu.memory_space<vmem_shared>>
        tpu.enqueue_indirect_dma source(%dma_start3A_305 : memref<10000x8xf32, #tpu.memory_space<vmem_shared>>) target(%arg12 : memref<128x8xf32, #tpu.memory_space<vmem>>) offsets(%dma_start3A_302 : memref<128xi32, #tpu.memory_space<vmem>>) semaphore(%arg23 : memref<!tpu.dma_semaphore, #tpu.memory_space<semaphore_mem>>)
      } else {
      }
      %dma_wait3A_202 = arith.constant 0 : i32
      %dma_wait3A_203 = arith.constant 0 : i32
      %dma_wait3A_204 = tpu.memref_slice %arg8[%dma_wait3A_202, %dma_wait3A_203] : memref<160x128xi32, #tpu.memory_space<vmem>> -> memref<1x128xi32, #tpu.memory_space<vmem>>
      %dma_wait3A_205 = tpu.memref_squeeze %dma_wait3A_204 : memref<1x128xi32, #tpu.memory_space<vmem>> -> memref<128xi32, #tpu.memory_space<vmem>>
      %dma_wait3A_206 = arith.constant 0 : i32
      %dma_wait3A_207 = arith.constant 0 : i32
      %dma_wait3A_208 = tpu.memref_slice %arg19[%dma_wait3A_206, %dma_wait3A_207] : memref<10000x8xf32, #tpu.memory_space<vmem_shared>> -> memref<10000x8xf32, #tpu.memory_space<vmem_shared>>
      tpu.wait_indirect_dma semaphore(%arg24 : memref<!tpu.dma_semaphore, #tpu.memory_space<semaphore_mem>>) src(%dma_wait3A_208 : memref<10000x8xf32, #tpu.memory_space<vmem_shared>>) dst(%arg13 : memref<128x8xf32, #tpu.memory_space<vmem>>)
      %mul3A_209 = arith.constant 4 : i32
      %mul3A_210 = arith.muli %add3A_190, %mul3A_209 : i32
      %add3A_211 = arith.constant 0 : i32
      %add3A_212 = arith.addi %mul3A_210, %add3A_211 : i32
      %dma_start3A_213 = arith.constant 0 : i32
      %dma_start3A_214 = tpu.memref_slice %arg7[%add3A_212, %dma_start3A_213] : memref<160x128xi32, #tpu.memory_space<vmem>> -> memref<1x128xi32, #tpu.memory_space<vmem>>
      %dma_start3A_215 = tpu.memref_squeeze %dma_start3A_214 : memref<1x128xi32, #tpu.memory_space<vmem>> -> memref<128xi32, #tpu.memory_space<vmem>>
      %dma_start3A_216 = arith.constant 0 : i32
      %dma_start3A_217 = arith.constant 0 : i32
      %dma_start3A_218 = tpu.memref_slice %arg18[%dma_start3A_216, %dma_start3A_217] : memref<10240x8xf32, #tpu.memory_space<vmem_shared>> -> memref<10240x8xf32, #tpu.memory_space<vmem_shared>>
      tpu.enqueue_indirect_dma source(%arg13 : memref<128x8xf32, #tpu.memory_space<vmem>>) target(%dma_start3A_218 : memref<10240x8xf32, #tpu.memory_space<vmem_shared>>) offsets(%dma_start3A_215 : memref<128xi32, #tpu.memory_space<vmem>>) semaphore(%arg32 : memref<!tpu.dma_semaphore, #tpu.memory_space<semaphore_mem>>) {add = true}
      %dma_wait3A_219 = arith.constant 0 : i32
      %dma_wait3A_220 = arith.constant 0 : i32
      %dma_wait3A_221 = tpu.memref_slice %arg8[%dma_wait3A_219, %dma_wait3A_220] : memref<160x128xi32, #tpu.memory_space<vmem>> -> memref<1x128xi32, #tpu.memory_space<vmem>>
      %dma_wait3A_222 = tpu.memref_squeeze %dma_wait3A_221 : memref<1x128xi32, #tpu.memory_space<vmem>> -> memref<128xi32, #tpu.memory_space<vmem>>
      %dma_wait3A_223 = arith.constant 0 : i32
      %dma_wait3A_224 = arith.constant 0 : i32
      %dma_wait3A_225 = tpu.memref_slice %arg19[%dma_wait3A_223, %dma_wait3A_224] : memref<10000x8xf32, #tpu.memory_space<vmem_shared>> -> memref<10000x8xf32, #tpu.memory_space<vmem_shared>>
      tpu.wait_indirect_dma semaphore(%arg25 : memref<!tpu.dma_semaphore, #tpu.memory_space<semaphore_mem>>) src(%dma_wait3A_225 : memref<10000x8xf32, #tpu.memory_space<vmem_shared>>) dst(%arg14 : memref<128x8xf32, #tpu.memory_space<vmem>>)
      %mul3A_226 = arith.constant 4 : i32
      %mul3A_227 = arith.muli %add3A_190, %mul3A_226 : i32
      %add3A_228 = arith.constant 1 : i32
      %add3A_229 = arith.addi %mul3A_227, %add3A_228 : i32
      %dma_start3A_230 = arith.constant 0 : i32
      %dma_start3A_231 = tpu.memref_slice %arg7[%add3A_229, %dma_start3A_230] : memref<160x128xi32, #tpu.memory_space<vmem>> -> memref<1x128xi32, #tpu.memory_space<vmem>>
      %dma_start3A_232 = tpu.memref_squeeze %dma_start3A_231 : memref<1x128xi32, #tpu.memory_space<vmem>> -> memref<128xi32, #tpu.memory_space<vmem>>
      %dma_start3A_233 = arith.constant 0 : i32
      %dma_start3A_234 = arith.constant 0 : i32
      %dma_start3A_235 = tpu.memref_slice %arg18[%dma_start3A_233, %dma_start3A_234] : memref<10240x8xf32, #tpu.memory_space<vmem_shared>> -> memref<10240x8xf32, #tpu.memory_space<vmem_shared>>
      tpu.enqueue_indirect_dma source(%arg14 : memref<128x8xf32, #tpu.memory_space<vmem>>) target(%dma_start3A_235 : memref<10240x8xf32, #tpu.memory_space<vmem_shared>>) offsets(%dma_start3A_232 : memref<128xi32, #tpu.memory_space<vmem>>) semaphore(%arg33 : memref<!tpu.dma_semaphore, #tpu.memory_space<semaphore_mem>>) {add = true}
      %dma_wait3A_236 = arith.constant 0 : i32
      %dma_wait3A_237 = arith.constant 0 : i32
      %dma_wait3A_238 = tpu.memref_slice %arg8[%dma_wait3A_236, %dma_wait3A_237] : memref<160x128xi32, #tpu.memory_space<vmem>> -> memref<1x128xi32, #tpu.memory_space<vmem>>
      %dma_wait3A_239 = tpu.memref_squeeze %dma_wait3A_238 : memref<1x128xi32, #tpu.memory_space<vmem>> -> memref<128xi32, #tpu.memory_space<vmem>>
      %dma_wait3A_240 = arith.constant 0 : i32
      %dma_wait3A_241 = arith.constant 0 : i32
      %dma_wait3A_242 = tpu.memref_slice %arg19[%dma_wait3A_240, %dma_wait3A_241] : memref<10000x8xf32, #tpu.memory_space<vmem_shared>> -> memref<10000x8xf32, #tpu.memory_space<vmem_shared>>
      tpu.wait_indirect_dma semaphore(%arg26 : memref<!tpu.dma_semaphore, #tpu.memory_space<semaphore_mem>>) src(%dma_wait3A_242 : memref<10000x8xf32, #tpu.memory_space<vmem_shared>>) dst(%arg15 : memref<128x8xf32, #tpu.memory_space<vmem>>)
      %mul3A_243 = arith.constant 4 : i32
      %mul3A_244 = arith.muli %add3A_190, %mul3A_243 : i32
      %add3A_245 = arith.constant 2 : i32
      %add3A_246 = arith.addi %mul3A_244, %add3A_245 : i32
      %dma_start3A_247 = arith.constant 0 : i32
      %dma_start3A_248 = tpu.memref_slice %arg7[%add3A_246, %dma_start3A_247] : memref<160x128xi32, #tpu.memory_space<vmem>> -> memref<1x128xi32, #tpu.memory_space<vmem>>
      %dma_start3A_249 = tpu.memref_squeeze %dma_start3A_248 : memref<1x128xi32, #tpu.memory_space<vmem>> -> memref<128xi32, #tpu.memory_space<vmem>>
      %dma_start3A_250 = arith.constant 0 : i32
      %dma_start3A_251 = arith.constant 0 : i32
      %dma_start3A_252 = tpu.memref_slice %arg18[%dma_start3A_250, %dma_start3A_251] : memref<10240x8xf32, #tpu.memory_space<vmem_shared>> -> memref<10240x8xf32, #tpu.memory_space<vmem_shared>>
      tpu.enqueue_indirect_dma source(%arg15 : memref<128x8xf32, #tpu.memory_space<vmem>>) target(%dma_start3A_252 : memref<10240x8xf32, #tpu.memory_space<vmem_shared>>) offsets(%dma_start3A_249 : memref<128xi32, #tpu.memory_space<vmem>>) semaphore(%arg34 : memref<!tpu.dma_semaphore, #tpu.memory_space<semaphore_mem>>) {add = true}
      %dma_wait3A_253 = arith.constant 0 : i32
      %dma_wait3A_254 = arith.constant 0 : i32
      %dma_wait3A_255 = tpu.memref_slice %arg8[%dma_wait3A_253, %dma_wait3A_254] : memref<160x128xi32, #tpu.memory_space<vmem>> -> memref<1x128xi32, #tpu.memory_space<vmem>>
      %dma_wait3A_256 = tpu.memref_squeeze %dma_wait3A_255 : memref<1x128xi32, #tpu.memory_space<vmem>> -> memref<128xi32, #tpu.memory_space<vmem>>
      %dma_wait3A_257 = arith.constant 0 : i32
      %dma_wait3A_258 = arith.constant 0 : i32
      %dma_wait3A_259 = tpu.memref_slice %arg19[%dma_wait3A_257, %dma_wait3A_258] : memref<10000x8xf32, #tpu.memory_space<vmem_shared>> -> memref<10000x8xf32, #tpu.memory_space<vmem_shared>>
      tpu.wait_indirect_dma semaphore(%arg27 : memref<!tpu.dma_semaphore, #tpu.memory_space<semaphore_mem>>) src(%dma_wait3A_259 : memref<10000x8xf32, #tpu.memory_space<vmem_shared>>) dst(%arg16 : memref<128x8xf32, #tpu.memory_space<vmem>>)
      %mul3A_260 = arith.constant 4 : i32
      %mul3A_261 = arith.muli %add3A_190, %mul3A_260 : i32
      %add3A_262 = arith.constant 3 : i32
      %add3A_263 = arith.addi %mul3A_261, %add3A_262 : i32
      %dma_start3A_264 = arith.constant 0 : i32
      %dma_start3A_265 = tpu.memref_slice %arg7[%add3A_263, %dma_start3A_264] : memref<160x128xi32, #tpu.memory_space<vmem>> -> memref<1x128xi32, #tpu.memory_space<vmem>>
      %dma_start3A_266 = tpu.memref_squeeze %dma_start3A_265 : memref<1x128xi32, #tpu.memory_space<vmem>> -> memref<128xi32, #tpu.memory_space<vmem>>
      %dma_start3A_267 = arith.constant 0 : i32
      %dma_start3A_268 = arith.constant 0 : i32
      %dma_start3A_269 = tpu.memref_slice %arg18[%dma_start3A_267, %dma_start3A_268] : memref<10240x8xf32, #tpu.memory_space<vmem_shared>> -> memref<10240x8xf32, #tpu.memory_space<vmem_shared>>
      tpu.enqueue_indirect_dma source(%arg16 : memref<128x8xf32, #tpu.memory_space<vmem>>) target(%dma_start3A_269 : memref<10240x8xf32, #tpu.memory_space<vmem_shared>>) offsets(%dma_start3A_266 : memref<128xi32, #tpu.memory_space<vmem>>) semaphore(%arg35 : memref<!tpu.dma_semaphore, #tpu.memory_space<semaphore_mem>>) {add = true}
      %dma_wait3A_270 = arith.constant 0 : i32
      %dma_wait3A_271 = tpu.memref_slice %arg7[%add3A_212, %dma_wait3A_270] : memref<160x128xi32, #tpu.memory_space<vmem>> -> memref<1x128xi32, #tpu.memory_space<vmem>>
      %dma_wait3A_272 = tpu.memref_squeeze %dma_wait3A_271 : memref<1x128xi32, #tpu.memory_space<vmem>> -> memref<128xi32, #tpu.memory_space<vmem>>
      %dma_wait3A_273 = arith.constant 0 : i32
      %dma_wait3A_274 = arith.constant 0 : i32
      %dma_wait3A_275 = tpu.memref_slice %arg18[%dma_wait3A_273, %dma_wait3A_274] : memref<10240x8xf32, #tpu.memory_space<vmem_shared>> -> memref<10240x8xf32, #tpu.memory_space<vmem_shared>>
      tpu.wait_indirect_dma semaphore(%arg32 : memref<!tpu.dma_semaphore, #tpu.memory_space<semaphore_mem>>) src(%arg13 : memref<128x8xf32, #tpu.memory_space<vmem>>) dst(%dma_wait3A_275 : memref<10240x8xf32, #tpu.memory_space<vmem_shared>>)
      %dma_wait3A_276 = arith.constant 0 : i32
      %dma_wait3A_277 = tpu.memref_slice %arg7[%add3A_229, %dma_wait3A_276] : memref<160x128xi32, #tpu.memory_space<vmem>> -> memref<1x128xi32, #tpu.memory_space<vmem>>
      %dma_wait3A_278 = tpu.memref_squeeze %dma_wait3A_277 : memref<1x128xi32, #tpu.memory_space<vmem>> -> memref<128xi32, #tpu.memory_space<vmem>>
      %dma_wait3A_279 = arith.constant 0 : i32
      %dma_wait3A_280 = arith.constant 0 : i32
      %dma_wait3A_281 = tpu.memref_slice %arg18[%dma_wait3A_279, %dma_wait3A_280] : memref<10240x8xf32, #tpu.memory_space<vmem_shared>> -> memref<10240x8xf32, #tpu.memory_space<vmem_shared>>
      tpu.wait_indirect_dma semaphore(%arg33 : memref<!tpu.dma_semaphore, #tpu.memory_space<semaphore_mem>>) src(%arg14 : memref<128x8xf32, #tpu.memory_space<vmem>>) dst(%dma_wait3A_281 : memref<10240x8xf32, #tpu.memory_space<vmem_shared>>)
      %dma_wait3A_282 = arith.constant 0 : i32
      %dma_wait3A_283 = tpu.memref_slice %arg7[%add3A_246, %dma_wait3A_282] : memref<160x128xi32, #tpu.memory_space<vmem>> -> memref<1x128xi32, #tpu.memory_space<vmem>>
      %dma_wait3A_284 = tpu.memref_squeeze %dma_wait3A_283 : memref<1x128xi32, #tpu.memory_space<vmem>> -> memref<128xi32, #tpu.memory_space<vmem>>
      %dma_wait3A_285 = arith.constant 0 : i32
      %dma_wait3A_286 = arith.constant 0 : i32
      %dma_wait3A_287 = tpu.memref_slice %arg18[%dma_wait3A_285, %dma_wait3A_286] : memref<10240x8xf32, #tpu.memory_space<vmem_shared>> -> memref<10240x8xf32, #tpu.memory_space<vmem_shared>>
      tpu.wait_indirect_dma semaphore(%arg34 : memref<!tpu.dma_semaphore, #tpu.memory_space<semaphore_mem>>) src(%arg15 : memref<128x8xf32, #tpu.memory_space<vmem>>) dst(%dma_wait3A_287 : memref<10240x8xf32, #tpu.memory_space<vmem_shared>>)
      %dma_wait3A_288 = arith.constant 0 : i32
      %dma_wait3A_289 = tpu.memref_slice %arg7[%add3A_263, %dma_wait3A_288] : memref<160x128xi32, #tpu.memory_space<vmem>> -> memref<1x128xi32, #tpu.memory_space<vmem>>
      %dma_wait3A_290 = tpu.memref_squeeze %dma_wait3A_289 : memref<1x128xi32, #tpu.memory_space<vmem>> -> memref<128xi32, #tpu.memory_space<vmem>>
      %dma_wait3A_291 = arith.constant 0 : i32
      %dma_wait3A_292 = arith.constant 0 : i32
      %dma_wait3A_293 = tpu.memref_slice %arg18[%dma_wait3A_291, %dma_wait3A_292] : memref<10240x8xf32, #tpu.memory_space<vmem_shared>> -> memref<10240x8xf32, #tpu.memory_space<vmem_shared>>
      tpu.wait_indirect_dma semaphore(%arg35 : memref<!tpu.dma_semaphore, #tpu.memory_space<semaphore_mem>>) src(%arg16 : memref<128x8xf32, #tpu.memory_space<vmem>>) dst(%dma_wait3A_293 : memref<10240x8xf32, #tpu.memory_space<vmem_shared>>)
    }
    %scan3A_40 = arith.constant 20 : i32
    %barrier3A_41 = arith.constant 0 : index
    tpu.barrier barrier_id(%barrier3A_41)
    %mul3A_42 = arith.constant 640 : i32
    %mul3A_43 = arith.muli %arg1, %mul3A_42 : i32
    "tpu.region"() ({
      %run_scoped3A = tpu.sem_alloc : memref<!tpu.dma_semaphore, #tpu.memory_space<semaphore_mem>>
      %dma_start3A_46 = arith.constant 0 : i32
      %dma_start3A_47 = tpu.memref_slice %arg18[%mul3A_43, %dma_start3A_46] : memref<10240x8xf32, #tpu.memory_space<vmem_shared>> -> memref<640x8xf32, #tpu.memory_space<vmem_shared>>
      %dma_start3A_48 = arith.constant 0 : i32
      %dma_start3A_49 = tpu.memref_slice %arg18[%mul3A_43, %dma_start3A_48] : memref<10240x8xf32, #tpu.memory_space<vmem_shared>> -> memref<640x8xf32, #tpu.memory_space<vmem_shared>>
      tpu.enqueue_dma source(%dma_start3A_49 : memref<640x8xf32, #tpu.memory_space<vmem_shared>>) target(%arg17 : memref<640x8xf32, #tpu.memory_space<vmem>>) target_semaphore(%run_scoped3A : memref<!tpu.dma_semaphore, #tpu.memory_space<semaphore_mem>>)
      %dma_wait3A = arith.constant 0 : i32
      %dma_wait3A_50 = tpu.memref_slice %arg18[%mul3A_43, %dma_wait3A] : memref<10240x8xf32, #tpu.memory_space<vmem_shared>> -> memref<640x8xf32, #tpu.memory_space<vmem_shared>>
      %dma_wait3A_51 = arith.constant 0 : i32
      %dma_wait3A_52 = tpu.memref_slice %arg18[%mul3A_43, %dma_wait3A_51] : memref<10240x8xf32, #tpu.memory_space<vmem_shared>> -> memref<640x8xf32, #tpu.memory_space<vmem_shared>>
      tpu.wait_dma2 semaphore(%run_scoped3A : memref<!tpu.dma_semaphore, #tpu.memory_space<semaphore_mem>>) src(%dma_wait3A_52 : memref<640x8xf32, #tpu.memory_space<vmem_shared>>) dst(%arg17 : memref<640x8xf32, #tpu.memory_space<vmem>>)
      tpu.yield
    }) : () -> ()
    %mul3A_44 = arith.constant 640 : i32
    %mul3A_45 = arith.muli %arg1, %mul3A_44 : i32
    "tpu.region"() ({
      %run_scoped3A = tpu.sem_alloc : memref<!tpu.dma_semaphore, #tpu.memory_space<semaphore_mem>>
      %dma_start3A_46 = arith.constant 0 : i32
      %dma_start3A_47 = tpu.memref_slice %arg6[%arg0, %mul3A_45, %dma_start3A_46] : memref<2x10240x8xf32, #tpu.memory_space<hbm>> -> memref<1x640x8xf32, #tpu.memory_space<hbm>>
      %dma_start3A_48 = tpu.memref_squeeze %dma_start3A_47 : memref<1x640x8xf32, #tpu.memory_space<hbm>> -> memref<640x8xf32, #tpu.memory_space<hbm>>
      %dma_start3A_49 = arith.constant 0 : i32
      %dma_start3A_50 = tpu.memref_slice %arg6[%arg0, %mul3A_45, %dma_start3A_49] : memref<2x10240x8xf32, #tpu.memory_space<hbm>> -> memref<1x640x8xf32, #tpu.memory_space<hbm>>
      %dma_start3A_51 = tpu.memref_squeeze %dma_start3A_50 : memref<1x640x8xf32, #tpu.memory_space<hbm>> -> memref<640x8xf32, #tpu.memory_space<hbm>>
      tpu.enqueue_dma source(%arg17 : memref<640x8xf32, #tpu.memory_space<vmem>>) target(%dma_start3A_51 : memref<640x8xf32, #tpu.memory_space<hbm>>) target_semaphore(%run_scoped3A : memref<!tpu.dma_semaphore, #tpu.memory_space<semaphore_mem>>)
      %dma_wait3A = arith.constant 0 : i32
      %dma_wait3A_52 = tpu.memref_slice %arg6[%arg0, %mul3A_45, %dma_wait3A] : memref<2x10240x8xf32, #tpu.memory_space<hbm>> -> memref<1x640x8xf32, #tpu.memory_space<hbm>>
      %dma_wait3A_53 = tpu.memref_squeeze %dma_wait3A_52 : memref<1x640x8xf32, #tpu.memory_space<hbm>> -> memref<640x8xf32, #tpu.memory_space<hbm>>
      %dma_wait3A_54 = arith.constant 0 : i32
      %dma_wait3A_55 = tpu.memref_slice %arg6[%arg0, %mul3A_45, %dma_wait3A_54] : memref<2x10240x8xf32, #tpu.memory_space<hbm>> -> memref<1x640x8xf32, #tpu.memory_space<hbm>>
      %dma_wait3A_56 = tpu.memref_squeeze %dma_wait3A_55 : memref<1x640x8xf32, #tpu.memory_space<hbm>> -> memref<640x8xf32, #tpu.memory_space<hbm>>
      tpu.wait_dma2 semaphore(%run_scoped3A : memref<!tpu.dma_semaphore, #tpu.memory_space<semaphore_mem>>) src(%arg17 : memref<640x8xf32, #tpu.memory_space<vmem>>) dst(%dma_wait3A_56 : memref<640x8xf32, #tpu.memory_space<hbm>>)
      tpu.yield
    }) : () -> ()
    return
  }
}

#map = affine_map<(d0, d1) -> (0, 0, 0)>
#map1 = affine_map<(d0, d1) -> (0)>
module attributes {stable_mosaic.version = 14 : i64} {
  func.func @k(%arg0: i32, %arg1: i32, %arg2: memref<32x80x128xi32, #tpu.memory_space<hbm>>, %arg3: memref<10240xf32, #tpu.memory_space<hbm>>, %arg4: memref<20480xf32, #tpu.memory_space<hbm>>, %arg5: memref<80x128xi32, #tpu.memory_space<vmem>>, %arg6: memref<128xf32, #tpu.memory_space<vmem>>, %arg7: memref<640xf32, #tpu.memory_space<vmem>>, %arg8: memref<10240xf32, #tpu.memory_space<vmem_shared>>, %arg9: memref<!tpu.dma_semaphore, #tpu.memory_space<semaphore_mem>>) attributes {dimension_semantics = [#tpu.dimension_semantics<core_parallel>, #tpu.dimension_semantics<subcore_parallel>], iteration_bounds = array<i64: 2, 16>, scalar_prefetch = 0 : i64, scratch_operands = 5 : i64, tpu.core_type = #tpu.core_type<sc_vector_subcore>, window_params = [{transform_indices = #map}, {transform_indices = #map1}, {transform_indices = #map1}]} {
    %mul3A = arith.constant 16 : i32
    %mul3A_0 = arith.muli %arg0, %mul3A : i32
    %add3A = arith.addi %mul3A_0, %arg1 : i32
    %broadcast_in_dim3A = arith.constant 1.000000e+00 : f32
    %broadcast_in_dim3A_1 = vector.broadcast %broadcast_in_dim3A : f32 to vector<16xf32>
    %swap3A = arith.constant 0 : index
    %swap3A_2 = tpu.vector_load %arg6[%swap3A] {strides = array<i32>} : memref<128xf32, #tpu.memory_space<vmem>>, vector<16xf32>,
    %swap3A_3 = vector.shape_cast %swap3A_2 : vector<16xf32> to vector<16xf32>
    %swap3A_4 = vector.shape_cast %broadcast_in_dim3A_1 : vector<16xf32> to vector<16xf32>
    tpu.vector_store %arg6[%swap3A], %swap3A_4 {strides = array<i32>} : memref<128xf32, #tpu.memory_space<vmem>>, vector<16xf32>,
    %broadcast_in_dim3A_5 = arith.constant 1.000000e+00 : f32
    %broadcast_in_dim3A_6 = vector.broadcast %broadcast_in_dim3A_5 : f32 to vector<16xf32>
    %swap3A_7 = arith.constant 16 : index
    %swap3A_8 = tpu.vector_load %arg6[%swap3A_7] {strides = array<i32>} : memref<128xf32, #tpu.memory_space<vmem>>, vector<16xf32>,
    %swap3A_9 = vector.shape_cast %swap3A_8 : vector<16xf32> to vector<16xf32>
    %swap3A_10 = vector.shape_cast %broadcast_in_dim3A_6 : vector<16xf32> to vector<16xf32>
    tpu.vector_store %arg6[%swap3A_7], %swap3A_10 {strides = array<i32>} : memref<128xf32, #tpu.memory_space<vmem>>, vector<16xf32>,
    %broadcast_in_dim3A_11 = arith.constant 1.000000e+00 : f32
    %broadcast_in_dim3A_12 = vector.broadcast %broadcast_in_dim3A_11 : f32 to vector<16xf32>
    %swap3A_13 = arith.constant 32 : index
    %swap3A_14 = tpu.vector_load %arg6[%swap3A_13] {strides = array<i32>} : memref<128xf32, #tpu.memory_space<vmem>>, vector<16xf32>,
    %swap3A_15 = vector.shape_cast %swap3A_14 : vector<16xf32> to vector<16xf32>
    %swap3A_16 = vector.shape_cast %broadcast_in_dim3A_12 : vector<16xf32> to vector<16xf32>
    tpu.vector_store %arg6[%swap3A_13], %swap3A_16 {strides = array<i32>} : memref<128xf32, #tpu.memory_space<vmem>>, vector<16xf32>,
    %broadcast_in_dim3A_17 = arith.constant 1.000000e+00 : f32
    %broadcast_in_dim3A_18 = vector.broadcast %broadcast_in_dim3A_17 : f32 to vector<16xf32>
    %swap3A_19 = arith.constant 48 : index
    %swap3A_20 = tpu.vector_load %arg6[%swap3A_19] {strides = array<i32>} : memref<128xf32, #tpu.memory_space<vmem>>, vector<16xf32>,
    %swap3A_21 = vector.shape_cast %swap3A_20 : vector<16xf32> to vector<16xf32>
    %swap3A_22 = vector.shape_cast %broadcast_in_dim3A_18 : vector<16xf32> to vector<16xf32>
    tpu.vector_store %arg6[%swap3A_19], %swap3A_22 {strides = array<i32>} : memref<128xf32, #tpu.memory_space<vmem>>, vector<16xf32>,
    %broadcast_in_dim3A_23 = arith.constant 1.000000e+00 : f32
    %broadcast_in_dim3A_24 = vector.broadcast %broadcast_in_dim3A_23 : f32 to vector<16xf32>
    %swap3A_25 = arith.constant 64 : index
    %swap3A_26 = tpu.vector_load %arg6[%swap3A_25] {strides = array<i32>} : memref<128xf32, #tpu.memory_space<vmem>>, vector<16xf32>,
    %swap3A_27 = vector.shape_cast %swap3A_26 : vector<16xf32> to vector<16xf32>
    %swap3A_28 = vector.shape_cast %broadcast_in_dim3A_24 : vector<16xf32> to vector<16xf32>
    tpu.vector_store %arg6[%swap3A_25], %swap3A_28 {strides = array<i32>} : memref<128xf32, #tpu.memory_space<vmem>>, vector<16xf32>,
    %broadcast_in_dim3A_29 = arith.constant 1.000000e+00 : f32
    %broadcast_in_dim3A_30 = vector.broadcast %broadcast_in_dim3A_29 : f32 to vector<16xf32>
    %swap3A_31 = arith.constant 80 : index
    %swap3A_32 = tpu.vector_load %arg6[%swap3A_31] {strides = array<i32>} : memref<128xf32, #tpu.memory_space<vmem>>, vector<16xf32>,
    %swap3A_33 = vector.shape_cast %swap3A_32 : vector<16xf32> to vector<16xf32>
    %swap3A_34 = vector.shape_cast %broadcast_in_dim3A_30 : vector<16xf32> to vector<16xf32>
    tpu.vector_store %arg6[%swap3A_31], %swap3A_34 {strides = array<i32>} : memref<128xf32, #tpu.memory_space<vmem>>, vector<16xf32>,
    %broadcast_in_dim3A_35 = arith.constant 1.000000e+00 : f32
    %broadcast_in_dim3A_36 = vector.broadcast %broadcast_in_dim3A_35 : f32 to vector<16xf32>
    %swap3A_37 = arith.constant 96 : index
    %swap3A_38 = tpu.vector_load %arg6[%swap3A_37] {strides = array<i32>} : memref<128xf32, #tpu.memory_space<vmem>>, vector<16xf32>,
    %swap3A_39 = vector.shape_cast %swap3A_38 : vector<16xf32> to vector<16xf32>
    %swap3A_40 = vector.shape_cast %broadcast_in_dim3A_36 : vector<16xf32> to vector<16xf32>
    tpu.vector_store %arg6[%swap3A_37], %swap3A_40 {strides = array<i32>} : memref<128xf32, #tpu.memory_space<vmem>>, vector<16xf32>,
    %broadcast_in_dim3A_41 = arith.constant 1.000000e+00 : f32
    %broadcast_in_dim3A_42 = vector.broadcast %broadcast_in_dim3A_41 : f32 to vector<16xf32>
    %swap3A_43 = arith.constant 112 : index
    %swap3A_44 = tpu.vector_load %arg6[%swap3A_43] {strides = array<i32>} : memref<128xf32, #tpu.memory_space<vmem>>, vector<16xf32>,
    %swap3A_45 = vector.shape_cast %swap3A_44 : vector<16xf32> to vector<16xf32>
    %swap3A_46 = vector.shape_cast %broadcast_in_dim3A_42 : vector<16xf32> to vector<16xf32>
    tpu.vector_store %arg6[%swap3A_43], %swap3A_46 {strides = array<i32>} : memref<128xf32, #tpu.memory_space<vmem>>, vector<16xf32>,
    %mul3A_47 = arith.constant 640 : i32
    %mul3A_48 = arith.muli %arg1, %mul3A_47 : i32
    "tpu.region"() ({
      %run_scoped3A = tpu.sem_alloc : memref<!tpu.dma_semaphore, #tpu.memory_space<semaphore_mem>>
      %dma_start3A = tpu.memref_slice %arg3[%mul3A_48] : memref<10240xf32, #tpu.memory_space<hbm>> -> memref<640xf32, #tpu.memory_space<hbm>>
      %dma_start3A_64 = tpu.memref_slice %arg3[%mul3A_48] : memref<10240xf32, #tpu.memory_space<hbm>> -> memref<640xf32, #tpu.memory_space<hbm>>
      tpu.enqueue_dma source(%dma_start3A_64 : memref<640xf32, #tpu.memory_space<hbm>>) target(%arg7 : memref<640xf32, #tpu.memory_space<vmem>>) target_semaphore(%run_scoped3A : memref<!tpu.dma_semaphore, #tpu.memory_space<semaphore_mem>>)
      %dma_wait3A = tpu.memref_slice %arg3[%mul3A_48] : memref<10240xf32, #tpu.memory_space<hbm>> -> memref<640xf32, #tpu.memory_space<hbm>>
      %dma_wait3A_65 = tpu.memref_slice %arg3[%mul3A_48] : memref<10240xf32, #tpu.memory_space<hbm>> -> memref<640xf32, #tpu.memory_space<hbm>>
      tpu.wait_dma2 semaphore(%run_scoped3A : memref<!tpu.dma_semaphore, #tpu.memory_space<semaphore_mem>>) src(%dma_wait3A_65 : memref<640xf32, #tpu.memory_space<hbm>>) dst(%arg7 : memref<640xf32, #tpu.memory_space<vmem>>)
      tpu.yield
    }) : () -> ()
    %mul3A_49 = arith.constant 640 : i32
    %mul3A_50 = arith.muli %arg1, %mul3A_49 : i32
    "tpu.region"() ({
      %run_scoped3A = tpu.sem_alloc : memref<!tpu.dma_semaphore, #tpu.memory_space<semaphore_mem>>
      %dma_start3A = tpu.memref_slice %arg8[%mul3A_50] : memref<10240xf32, #tpu.memory_space<vmem_shared>> -> memref<640xf32, #tpu.memory_space<vmem_shared>>
      %dma_start3A_64 = tpu.memref_slice %arg8[%mul3A_50] : memref<10240xf32, #tpu.memory_space<vmem_shared>> -> memref<640xf32, #tpu.memory_space<vmem_shared>>
      tpu.enqueue_dma source(%arg7 : memref<640xf32, #tpu.memory_space<vmem>>) target(%dma_start3A_64 : memref<640xf32, #tpu.memory_space<vmem_shared>>) target_semaphore(%run_scoped3A : memref<!tpu.dma_semaphore, #tpu.memory_space<semaphore_mem>>)
      %dma_wait3A = tpu.memref_slice %arg8[%mul3A_50] : memref<10240xf32, #tpu.memory_space<vmem_shared>> -> memref<640xf32, #tpu.memory_space<vmem_shared>>
      %dma_wait3A_65 = tpu.memref_slice %arg8[%mul3A_50] : memref<10240xf32, #tpu.memory_space<vmem_shared>> -> memref<640xf32, #tpu.memory_space<vmem_shared>>
      tpu.wait_dma2 semaphore(%run_scoped3A : memref<!tpu.dma_semaphore, #tpu.memory_space<semaphore_mem>>) src(%arg7 : memref<640xf32, #tpu.memory_space<vmem>>) dst(%dma_wait3A_65 : memref<640xf32, #tpu.memory_space<vmem_shared>>)
      tpu.yield
    }) : () -> ()
    "tpu.region"() ({
      %run_scoped3A = tpu.sem_alloc : memref<!tpu.dma_semaphore, #tpu.memory_space<semaphore_mem>>
      %dma_start3A = arith.constant 0 : i32
      %dma_start3A_64 = arith.constant 0 : i32
      %dma_start3A_65 = tpu.memref_slice %arg2[%add3A, %dma_start3A, %dma_start3A_64] : memref<32x80x128xi32, #tpu.memory_space<hbm>> -> memref<1x80x128xi32, #tpu.memory_space<hbm>>
      %dma_start3A_66 = tpu.memref_squeeze %dma_start3A_65 : memref<1x80x128xi32, #tpu.memory_space<hbm>> -> memref<80x128xi32, #tpu.memory_space<hbm>>
      %dma_start3A_67 = arith.constant 0 : i32
      %dma_start3A_68 = arith.constant 0 : i32
      %dma_start3A_69 = tpu.memref_slice %arg2[%add3A, %dma_start3A_67, %dma_start3A_68] : memref<32x80x128xi32, #tpu.memory_space<hbm>> -> memref<1x80x128xi32, #tpu.memory_space<hbm>>
      %dma_start3A_70 = tpu.memref_squeeze %dma_start3A_69 : memref<1x80x128xi32, #tpu.memory_space<hbm>> -> memref<80x128xi32, #tpu.memory_space<hbm>>
      tpu.enqueue_dma source(%dma_start3A_70 : memref<80x128xi32, #tpu.memory_space<hbm>>) target(%arg5 : memref<80x128xi32, #tpu.memory_space<vmem>>) target_semaphore(%run_scoped3A : memref<!tpu.dma_semaphore, #tpu.memory_space<semaphore_mem>>)
      %dma_wait3A = arith.constant 0 : i32
      %dma_wait3A_71 = arith.constant 0 : i32
      %dma_wait3A_72 = tpu.memref_slice %arg2[%add3A, %dma_wait3A, %dma_wait3A_71] : memref<32x80x128xi32, #tpu.memory_space<hbm>> -> memref<1x80x128xi32, #tpu.memory_space<hbm>>
      %dma_wait3A_73 = tpu.memref_squeeze %dma_wait3A_72 : memref<1x80x128xi32, #tpu.memory_space<hbm>> -> memref<80x128xi32, #tpu.memory_space<hbm>>
      %dma_wait3A_74 = arith.constant 0 : i32
      %dma_wait3A_75 = arith.constant 0 : i32
      %dma_wait3A_76 = tpu.memref_slice %arg2[%add3A, %dma_wait3A_74, %dma_wait3A_75] : memref<32x80x128xi32, #tpu.memory_space<hbm>> -> memref<1x80x128xi32, #tpu.memory_space<hbm>>
      %dma_wait3A_77 = tpu.memref_squeeze %dma_wait3A_76 : memref<1x80x128xi32, #tpu.memory_space<hbm>> -> memref<80x128xi32, #tpu.memory_space<hbm>>
      tpu.wait_dma2 semaphore(%run_scoped3A : memref<!tpu.dma_semaphore, #tpu.memory_space<semaphore_mem>>) src(%dma_wait3A_77 : memref<80x128xi32, #tpu.memory_space<hbm>>) dst(%arg5 : memref<80x128xi32, #tpu.memory_space<vmem>>)
      tpu.yield
    }) : () -> ()
    %barrier3A = arith.constant 0 : index
    tpu.barrier barrier_id(%barrier3A)
    %scan3A = arith.constant 0 : i32
    %scan3A_51 = arith.constant 0 : i32
    %scan3A_52 = arith.constant 20 : i32
    %scan3A_53 = arith.addi %scan3A_51, %scan3A_52 : i32
    %scan3A_54 = arith.constant 1 : i32
    scf.for %scan3A_64 = %scan3A_51 to %scan3A_53 step %scan3A_54  : i32 {
      %mul3A_65 = arith.constant 4 : i32
      %mul3A_66 = arith.muli %scan3A_64, %mul3A_65 : i32
      %add3A_67 = arith.constant 0 : i32
      %add3A_68 = arith.addi %mul3A_66, %add3A_67 : i32
      %dma_start3A = arith.constant 0 : i32
      %dma_start3A_69 = tpu.memref_slice %arg5[%add3A_68, %dma_start3A] : memref<80x128xi32, #tpu.memory_space<vmem>> -> memref<1x128xi32, #tpu.memory_space<vmem>>
      %dma_start3A_70 = tpu.memref_squeeze %dma_start3A_69 : memref<1x128xi32, #tpu.memory_space<vmem>> -> memref<128xi32, #tpu.memory_space<vmem>>
      %dma_start3A_71 = arith.constant 0 : i32
      %dma_start3A_72 = tpu.memref_slice %arg8[%dma_start3A_71] : memref<10240xf32, #tpu.memory_space<vmem_shared>> -> memref<10240xf32, #tpu.memory_space<vmem_shared>>
      tpu.enqueue_indirect_dma source(%arg6 : memref<128xf32, #tpu.memory_space<vmem>>) target(%dma_start3A_72 : memref<10240xf32, #tpu.memory_space<vmem_shared>>) offsets(%dma_start3A_70 : memref<128xi32, #tpu.memory_space<vmem>>) semaphore(%arg9 : memref<!tpu.dma_semaphore, #tpu.memory_space<semaphore_mem>>) {add = true}
      %mul3A_73 = arith.constant 4 : i32
      %mul3A_74 = arith.muli %scan3A_64, %mul3A_73 : i32
      %add3A_75 = arith.constant 1 : i32
      %add3A_76 = arith.addi %mul3A_74, %add3A_75 : i32
      %dma_start3A_77 = arith.constant 0 : i32
      %dma_start3A_78 = tpu.memref_slice %arg5[%add3A_76, %dma_start3A_77] : memref<80x128xi32, #tpu.memory_space<vmem>> -> memref<1x128xi32, #tpu.memory_space<vmem>>
      %dma_start3A_79 = tpu.memref_squeeze %dma_start3A_78 : memref<1x128xi32, #tpu.memory_space<vmem>> -> memref<128xi32, #tpu.memory_space<vmem>>
      %dma_start3A_80 = arith.constant 0 : i32
      %dma_start3A_81 = tpu.memref_slice %arg8[%dma_start3A_80] : memref<10240xf32, #tpu.memory_space<vmem_shared>> -> memref<10240xf32, #tpu.memory_space<vmem_shared>>
      tpu.enqueue_indirect_dma source(%arg6 : memref<128xf32, #tpu.memory_space<vmem>>) target(%dma_start3A_81 : memref<10240xf32, #tpu.memory_space<vmem_shared>>) offsets(%dma_start3A_79 : memref<128xi32, #tpu.memory_space<vmem>>) semaphore(%arg9 : memref<!tpu.dma_semaphore, #tpu.memory_space<semaphore_mem>>) {add = true}
      %mul3A_82 = arith.constant 4 : i32
      %mul3A_83 = arith.muli %scan3A_64, %mul3A_82 : i32
      %add3A_84 = arith.constant 2 : i32
      %add3A_85 = arith.addi %mul3A_83, %add3A_84 : i32
      %dma_start3A_86 = arith.constant 0 : i32
      %dma_start3A_87 = tpu.memref_slice %arg5[%add3A_85, %dma_start3A_86] : memref<80x128xi32, #tpu.memory_space<vmem>> -> memref<1x128xi32, #tpu.memory_space<vmem>>
      %dma_start3A_88 = tpu.memref_squeeze %dma_start3A_87 : memref<1x128xi32, #tpu.memory_space<vmem>> -> memref<128xi32, #tpu.memory_space<vmem>>
      %dma_start3A_89 = arith.constant 0 : i32
      %dma_start3A_90 = tpu.memref_slice %arg8[%dma_start3A_89] : memref<10240xf32, #tpu.memory_space<vmem_shared>> -> memref<10240xf32, #tpu.memory_space<vmem_shared>>
      tpu.enqueue_indirect_dma source(%arg6 : memref<128xf32, #tpu.memory_space<vmem>>) target(%dma_start3A_90 : memref<10240xf32, #tpu.memory_space<vmem_shared>>) offsets(%dma_start3A_88 : memref<128xi32, #tpu.memory_space<vmem>>) semaphore(%arg9 : memref<!tpu.dma_semaphore, #tpu.memory_space<semaphore_mem>>) {add = true}
      %mul3A_91 = arith.constant 4 : i32
      %mul3A_92 = arith.muli %scan3A_64, %mul3A_91 : i32
      %add3A_93 = arith.constant 3 : i32
      %add3A_94 = arith.addi %mul3A_92, %add3A_93 : i32
      %dma_start3A_95 = arith.constant 0 : i32
      %dma_start3A_96 = tpu.memref_slice %arg5[%add3A_94, %dma_start3A_95] : memref<80x128xi32, #tpu.memory_space<vmem>> -> memref<1x128xi32, #tpu.memory_space<vmem>>
      %dma_start3A_97 = tpu.memref_squeeze %dma_start3A_96 : memref<1x128xi32, #tpu.memory_space<vmem>> -> memref<128xi32, #tpu.memory_space<vmem>>
      %dma_start3A_98 = arith.constant 0 : i32
      %dma_start3A_99 = tpu.memref_slice %arg8[%dma_start3A_98] : memref<10240xf32, #tpu.memory_space<vmem_shared>> -> memref<10240xf32, #tpu.memory_space<vmem_shared>>
      tpu.enqueue_indirect_dma source(%arg6 : memref<128xf32, #tpu.memory_space<vmem>>) target(%dma_start3A_99 : memref<10240xf32, #tpu.memory_space<vmem_shared>>) offsets(%dma_start3A_97 : memref<128xi32, #tpu.memory_space<vmem>>) semaphore(%arg9 : memref<!tpu.dma_semaphore, #tpu.memory_space<semaphore_mem>>) {add = true}
      %dma_wait3A = arith.constant 0 : i32
      %dma_wait3A_100 = tpu.memref_slice %arg5[%add3A_68, %dma_wait3A] : memref<80x128xi32, #tpu.memory_space<vmem>> -> memref<1x128xi32, #tpu.memory_space<vmem>>
      %dma_wait3A_101 = tpu.memref_squeeze %dma_wait3A_100 : memref<1x128xi32, #tpu.memory_space<vmem>> -> memref<128xi32, #tpu.memory_space<vmem>>
      %dma_wait3A_102 = arith.constant 0 : i32
      %dma_wait3A_103 = tpu.memref_slice %arg8[%dma_wait3A_102] : memref<10240xf32, #tpu.memory_space<vmem_shared>> -> memref<10240xf32, #tpu.memory_space<vmem_shared>>
      tpu.wait_indirect_dma semaphore(%arg9 : memref<!tpu.dma_semaphore, #tpu.memory_space<semaphore_mem>>) src(%arg6 : memref<128xf32, #tpu.memory_space<vmem>>) dst(%dma_wait3A_103 : memref<10240xf32, #tpu.memory_space<vmem_shared>>)
      %dma_wait3A_104 = arith.constant 0 : i32
      %dma_wait3A_105 = tpu.memref_slice %arg5[%add3A_76, %dma_wait3A_104] : memref<80x128xi32, #tpu.memory_space<vmem>> -> memref<1x128xi32, #tpu.memory_space<vmem>>
      %dma_wait3A_106 = tpu.memref_squeeze %dma_wait3A_105 : memref<1x128xi32, #tpu.memory_space<vmem>> -> memref<128xi32, #tpu.memory_space<vmem>>
      %dma_wait3A_107 = arith.constant 0 : i32
      %dma_wait3A_108 = tpu.memref_slice %arg8[%dma_wait3A_107] : memref<10240xf32, #tpu.memory_space<vmem_shared>> -> memref<10240xf32, #tpu.memory_space<vmem_shared>>
      tpu.wait_indirect_dma semaphore(%arg9 : memref<!tpu.dma_semaphore, #tpu.memory_space<semaphore_mem>>) src(%arg6 : memref<128xf32, #tpu.memory_space<vmem>>) dst(%dma_wait3A_108 : memref<10240xf32, #tpu.memory_space<vmem_shared>>)
      %dma_wait3A_109 = arith.constant 0 : i32
      %dma_wait3A_110 = tpu.memref_slice %arg5[%add3A_85, %dma_wait3A_109] : memref<80x128xi32, #tpu.memory_space<vmem>> -> memref<1x128xi32, #tpu.memory_space<vmem>>
      %dma_wait3A_111 = tpu.memref_squeeze %dma_wait3A_110 : memref<1x128xi32, #tpu.memory_space<vmem>> -> memref<128xi32, #tpu.memory_space<vmem>>
      %dma_wait3A_112 = arith.constant 0 : i32
      %dma_wait3A_113 = tpu.memref_slice %arg8[%dma_wait3A_112] : memref<10240xf32, #tpu.memory_space<vmem_shared>> -> memref<10240xf32, #tpu.memory_space<vmem_shared>>
      tpu.wait_indirect_dma semaphore(%arg9 : memref<!tpu.dma_semaphore, #tpu.memory_space<semaphore_mem>>) src(%arg6 : memref<128xf32, #tpu.memory_space<vmem>>) dst(%dma_wait3A_113 : memref<10240xf32, #tpu.memory_space<vmem_shared>>)
      %dma_wait3A_114 = arith.constant 0 : i32
      %dma_wait3A_115 = tpu.memref_slice %arg5[%add3A_94, %dma_wait3A_114] : memref<80x128xi32, #tpu.memory_space<vmem>> -> memref<1x128xi32, #tpu.memory_space<vmem>>
      %dma_wait3A_116 = tpu.memref_squeeze %dma_wait3A_115 : memref<1x128xi32, #tpu.memory_space<vmem>> -> memref<128xi32, #tpu.memory_space<vmem>>
      %dma_wait3A_117 = arith.constant 0 : i32
      %dma_wait3A_118 = tpu.memref_slice %arg8[%dma_wait3A_117] : memref<10240xf32, #tpu.memory_space<vmem_shared>> -> memref<10240xf32, #tpu.memory_space<vmem_shared>>
      tpu.wait_indirect_dma semaphore(%arg9 : memref<!tpu.dma_semaphore, #tpu.memory_space<semaphore_mem>>) src(%arg6 : memref<128xf32, #tpu.memory_space<vmem>>) dst(%dma_wait3A_118 : memref<10240xf32, #tpu.memory_space<vmem_shared>>)
    }
    %scan3A_55 = arith.constant 20 : i32
    %barrier3A_56 = arith.constant 0 : index
    tpu.barrier barrier_id(%barrier3A_56)
    %mul3A_57 = arith.constant 640 : i32
    %mul3A_58 = arith.muli %arg1, %mul3A_57 : i32
    "tpu.region"() ({
      %run_scoped3A = tpu.sem_alloc : memref<!tpu.dma_semaphore, #tpu.memory_space<semaphore_mem>>
      %dma_start3A = tpu.memref_slice %arg8[%mul3A_58] : memref<10240xf32, #tpu.memory_space<vmem_shared>> -> memref<640xf32, #tpu.memory_space<vmem_shared>>
      %dma_start3A_64 = tpu.memref_slice %arg8[%mul3A_58] : memref<10240xf32, #tpu.memory_space<vmem_shared>> -> memref<640xf32, #tpu.memory_space<vmem_shared>>
      tpu.enqueue_dma source(%dma_start3A_64 : memref<640xf32, #tpu.memory_space<vmem_shared>>) target(%arg7 : memref<640xf32, #tpu.memory_space<vmem>>) target_semaphore(%run_scoped3A : memref<!tpu.dma_semaphore, #tpu.memory_space<semaphore_mem>>)
      %dma_wait3A = tpu.memref_slice %arg8[%mul3A_58] : memref<10240xf32, #tpu.memory_space<vmem_shared>> -> memref<640xf32, #tpu.memory_space<vmem_shared>>
      %dma_wait3A_65 = tpu.memref_slice %arg8[%mul3A_58] : memref<10240xf32, #tpu.memory_space<vmem_shared>> -> memref<640xf32, #tpu.memory_space<vmem_shared>>
      tpu.wait_dma2 semaphore(%run_scoped3A : memref<!tpu.dma_semaphore, #tpu.memory_space<semaphore_mem>>) src(%dma_wait3A_65 : memref<640xf32, #tpu.memory_space<vmem_shared>>) dst(%arg7 : memref<640xf32, #tpu.memory_space<vmem>>)
      tpu.yield
    }) : () -> ()
    %mul3A_59 = arith.constant 10240 : i32
    %mul3A_60 = arith.muli %arg0, %mul3A_59 : i32
    %mul3A_61 = arith.constant 640 : i32
    %mul3A_62 = arith.muli %arg1, %mul3A_61 : i32
    %add3A_63 = arith.addi %mul3A_60, %mul3A_62 : i32
    "tpu.region"() ({
      %run_scoped3A = tpu.sem_alloc : memref<!tpu.dma_semaphore, #tpu.memory_space<semaphore_mem>>
      %dma_start3A = tpu.memref_slice %arg4[%add3A_63] : memref<20480xf32, #tpu.memory_space<hbm>> -> memref<640xf32, #tpu.memory_space<hbm>>
      %dma_start3A_64 = tpu.memref_slice %arg4[%add3A_63] : memref<20480xf32, #tpu.memory_space<hbm>> -> memref<640xf32, #tpu.memory_space<hbm>>
      tpu.enqueue_dma source(%arg7 : memref<640xf32, #tpu.memory_space<vmem>>) target(%dma_start3A_64 : memref<640xf32, #tpu.memory_space<hbm>>) target_semaphore(%run_scoped3A : memref<!tpu.dma_semaphore, #tpu.memory_space<semaphore_mem>>)
      %dma_wait3A = tpu.memref_slice %arg4[%add3A_63] : memref<20480xf32, #tpu.memory_space<hbm>> -> memref<640xf32, #tpu.memory_space<hbm>>
      %dma_wait3A_65 = tpu.memref_slice %arg4[%add3A_63] : memref<20480xf32, #tpu.memory_space<hbm>> -> memref<640xf32, #tpu.memory_space<hbm>>
      tpu.wait_dma2 semaphore(%run_scoped3A : memref<!tpu.dma_semaphore, #tpu.memory_space<semaphore_mem>>) src(%arg7 : memref<640xf32, #tpu.memory_space<vmem>>) dst(%dma_wait3A_65 : memref<640xf32, #tpu.memory_space<hbm>>)
      tpu.yield
    }) : () -> ()
    return
  }
}

#map = affine_map<(d0, d1) -> (0, 0, 0)>
#map1 = affine_map<(d0, d1) -> (0, 0)>
module attributes {stable_mosaic.version = 14 : i64} {
  func.func @k(%arg0: i32, %arg1: i32, %arg2: memref<16x160x128xi32, #tpu.memory_space<hbm>>, %arg3: memref<16x160x128xi32, #tpu.memory_space<hbm>>, %arg4: memref<10000x48xf32, #tpu.memory_space<hbm>>, %arg5: memref<10240x24xf32, #tpu.memory_space<hbm>>, %arg6: memref<2x10240x24xf32, #tpu.memory_space<hbm>>, %arg7: memref<160x128xi32, #tpu.memory_space<vmem>>, %arg8: memref<160x128xi32, #tpu.memory_space<vmem>>, %arg9: memref<128x24xf32, #tpu.memory_space<vmem>>, %arg10: memref<128x24xf32, #tpu.memory_space<vmem>>, %arg11: memref<128x24xf32, #tpu.memory_space<vmem>>, %arg12: memref<128x24xf32, #tpu.memory_space<vmem>>, %arg13: memref<128x24xf32, #tpu.memory_space<vmem>>, %arg14: memref<128x24xf32, #tpu.memory_space<vmem>>, %arg15: memref<128x24xf32, #tpu.memory_space<vmem>>, %arg16: memref<128x24xf32, #tpu.memory_space<vmem>>, %arg17: memref<640x24xf32, #tpu.memory_space<vmem>>, %arg18: memref<10240x24xf32, #tpu.memory_space<vmem_shared>>, %arg19: memref<10000x24xf32, #tpu.memory_space<vmem_shared>>, %arg20: memref<!tpu.dma_semaphore, #tpu.memory_space<semaphore_mem>>, %arg21: memref<!tpu.dma_semaphore, #tpu.memory_space<semaphore_mem>>, %arg22: memref<!tpu.dma_semaphore, #tpu.memory_space<semaphore_mem>>, %arg23: memref<!tpu.dma_semaphore, #tpu.memory_space<semaphore_mem>>, %arg24: memref<!tpu.dma_semaphore, #tpu.memory_space<semaphore_mem>>, %arg25: memref<!tpu.dma_semaphore, #tpu.memory_space<semaphore_mem>>, %arg26: memref<!tpu.dma_semaphore, #tpu.memory_space<semaphore_mem>>, %arg27: memref<!tpu.dma_semaphore, #tpu.memory_space<semaphore_mem>>, %arg28: memref<!tpu.dma_semaphore, #tpu.memory_space<semaphore_mem>>, %arg29: memref<!tpu.dma_semaphore, #tpu.memory_space<semaphore_mem>>, %arg30: memref<!tpu.dma_semaphore, #tpu.memory_space<semaphore_mem>>, %arg31: memref<!tpu.dma_semaphore, #tpu.memory_space<semaphore_mem>>, %arg32: memref<!tpu.dma_semaphore, #tpu.memory_space<semaphore_mem>>, %arg33: memref<!tpu.dma_semaphore, #tpu.memory_space<semaphore_mem>>, %arg34: memref<!tpu.dma_semaphore, #tpu.memory_space<semaphore_mem>>, %arg35: memref<!tpu.dma_semaphore, #tpu.memory_space<semaphore_mem>>) attributes {dimension_semantics = [#tpu.dimension_semantics<core_parallel>, #tpu.dimension_semantics<subcore_parallel>], iteration_bounds = array<i64: 2, 16>, scalar_prefetch = 0 : i64, scratch_operands = 29 : i64, tpu.core_type = #tpu.core_type<sc_vector_subcore>, window_params = [{transform_indices = #map}, {transform_indices = #map}, {transform_indices = #map1}, {transform_indices = #map1}, {transform_indices = #map}]} {
    %mul3A = arith.constant 625 : i32
    %mul3A_0 = arith.muli %arg1, %mul3A : i32
    %mul3A_1 = arith.constant 24 : i32
    %mul3A_2 = arith.muli %arg0, %mul3A_1 : i32
    "tpu.region"() ({
      %run_scoped3A = tpu.sem_alloc : memref<!tpu.dma_semaphore, #tpu.memory_space<semaphore_mem>>
      %dma_start3A_46 = arith.constant 0 : i32
      %dma_start3A_47 = arith.constant 0 : i32
      %dma_start3A_48 = tpu.memref_slice %arg17[%dma_start3A_46, %dma_start3A_47] : memref<640x24xf32, #tpu.memory_space<vmem>> -> memref<625x24xf32, #tpu.memory_space<vmem>>
      %dma_start3A_49 = tpu.memref_slice %arg4[%mul3A_0, %mul3A_2] : memref<10000x48xf32, #tpu.memory_space<hbm>> -> memref<625x24xf32, #tpu.memory_space<hbm>>
      %dma_start3A_50 = arith.constant 0 : i32
      %dma_start3A_51 = arith.constant 0 : i32
      %dma_start3A_52 = tpu.memref_slice %arg17[%dma_start3A_50, %dma_start3A_51] : memref<640x24xf32, #tpu.memory_space<vmem>> -> memref<625x24xf32, #tpu.memory_space<vmem>>
      %dma_start3A_53 = tpu.memref_slice %arg4[%mul3A_0, %mul3A_2] : memref<10000x48xf32, #tpu.memory_space<hbm>> -> memref<625x24xf32, #tpu.memory_space<hbm>>
      tpu.enqueue_dma source(%dma_start3A_53 : memref<625x24xf32, #tpu.memory_space<hbm>>) target(%dma_start3A_52 : memref<625x24xf32, #tpu.memory_space<vmem>>) target_semaphore(%run_scoped3A : memref<!tpu.dma_semaphore, #tpu.memory_space<semaphore_mem>>)
      %dma_wait3A = arith.constant 0 : i32
      %dma_wait3A_54 = arith.constant 0 : i32
      %dma_wait3A_55 = tpu.memref_slice %arg17[%dma_wait3A, %dma_wait3A_54] : memref<640x24xf32, #tpu.memory_space<vmem>> -> memref<625x24xf32, #tpu.memory_space<vmem>>
      %dma_wait3A_56 = tpu.memref_slice %arg4[%mul3A_0, %mul3A_2] : memref<10000x48xf32, #tpu.memory_space<hbm>> -> memref<625x24xf32, #tpu.memory_space<hbm>>
      %dma_wait3A_57 = arith.constant 0 : i32
      %dma_wait3A_58 = arith.constant 0 : i32
      %dma_wait3A_59 = tpu.memref_slice %arg17[%dma_wait3A_57, %dma_wait3A_58] : memref<640x24xf32, #tpu.memory_space<vmem>> -> memref<625x24xf32, #tpu.memory_space<vmem>>
      %dma_wait3A_60 = tpu.memref_slice %arg4[%mul3A_0, %mul3A_2] : memref<10000x48xf32, #tpu.memory_space<hbm>> -> memref<625x24xf32, #tpu.memory_space<hbm>>
      tpu.wait_dma2 semaphore(%run_scoped3A : memref<!tpu.dma_semaphore, #tpu.memory_space<semaphore_mem>>) src(%dma_wait3A_60 : memref<625x24xf32, #tpu.memory_space<hbm>>) dst(%dma_wait3A_59 : memref<625x24xf32, #tpu.memory_space<vmem>>)
      tpu.yield
    }) : () -> ()
    %mul3A_3 = arith.constant 625 : i32
    %mul3A_4 = arith.muli %arg1, %mul3A_3 : i32
    "tpu.region"() ({
      %run_scoped3A = tpu.sem_alloc : memref<!tpu.dma_semaphore, #tpu.memory_space<semaphore_mem>>
      %dma_start3A_46 = arith.constant 0 : i32
      %dma_start3A_47 = arith.constant 0 : i32
      %dma_start3A_48 = tpu.memref_slice %arg17[%dma_start3A_46, %dma_start3A_47] : memref<640x24xf32, #tpu.memory_space<vmem>> -> memref<625x24xf32, #tpu.memory_space<vmem>>
      %dma_start3A_49 = arith.constant 0 : i32
      %dma_start3A_50 = tpu.memref_slice %arg19[%mul3A_4, %dma_start3A_49] : memref<10000x24xf32, #tpu.memory_space<vmem_shared>> -> memref<625x24xf32, #tpu.memory_space<vmem_shared>>
      %dma_start3A_51 = arith.constant 0 : i32
      %dma_start3A_52 = tpu.memref_slice %arg19[%mul3A_4, %dma_start3A_51] : memref<10000x24xf32, #tpu.memory_space<vmem_shared>> -> memref<625x24xf32, #tpu.memory_space<vmem_shared>>
      %dma_start3A_53 = arith.constant 0 : i32
      %dma_start3A_54 = arith.constant 0 : i32
      %dma_start3A_55 = tpu.memref_slice %arg17[%dma_start3A_53, %dma_start3A_54] : memref<640x24xf32, #tpu.memory_space<vmem>> -> memref<625x24xf32, #tpu.memory_space<vmem>>
      tpu.enqueue_dma source(%dma_start3A_55 : memref<625x24xf32, #tpu.memory_space<vmem>>) target(%dma_start3A_52 : memref<625x24xf32, #tpu.memory_space<vmem_shared>>) target_semaphore(%run_scoped3A : memref<!tpu.dma_semaphore, #tpu.memory_space<semaphore_mem>>)
      %dma_wait3A = arith.constant 0 : i32
      %dma_wait3A_56 = arith.constant 0 : i32
      %dma_wait3A_57 = tpu.memref_slice %arg17[%dma_wait3A, %dma_wait3A_56] : memref<640x24xf32, #tpu.memory_space<vmem>> -> memref<625x24xf32, #tpu.memory_space<vmem>>
      %dma_wait3A_58 = arith.constant 0 : i32
      %dma_wait3A_59 = tpu.memref_slice %arg19[%mul3A_4, %dma_wait3A_58] : memref<10000x24xf32, #tpu.memory_space<vmem_shared>> -> memref<625x24xf32, #tpu.memory_space<vmem_shared>>
      %dma_wait3A_60 = arith.constant 0 : i32
      %dma_wait3A_61 = tpu.memref_slice %arg19[%mul3A_4, %dma_wait3A_60] : memref<10000x24xf32, #tpu.memory_space<vmem_shared>> -> memref<625x24xf32, #tpu.memory_space<vmem_shared>>
      %dma_wait3A_62 = arith.constant 0 : i32
      %dma_wait3A_63 = arith.constant 0 : i32
      %dma_wait3A_64 = tpu.memref_slice %arg17[%dma_wait3A_62, %dma_wait3A_63] : memref<640x24xf32, #tpu.memory_space<vmem>> -> memref<625x24xf32, #tpu.memory_space<vmem>>
      tpu.wait_dma2 semaphore(%run_scoped3A : memref<!tpu.dma_semaphore, #tpu.memory_space<semaphore_mem>>) src(%dma_wait3A_64 : memref<625x24xf32, #tpu.memory_space<vmem>>) dst(%dma_wait3A_61 : memref<625x24xf32, #tpu.memory_space<vmem_shared>>)
      tpu.yield
    }) : () -> ()
    %mul3A_5 = arith.constant 640 : i32
    %mul3A_6 = arith.muli %arg1, %mul3A_5 : i32
    "tpu.region"() ({
      %run_scoped3A = tpu.sem_alloc : memref<!tpu.dma_semaphore, #tpu.memory_space<semaphore_mem>>
      %dma_start3A_46 = arith.constant 0 : i32
      %dma_start3A_47 = tpu.memref_slice %arg5[%mul3A_6, %dma_start3A_46] : memref<10240x24xf32, #tpu.memory_space<hbm>> -> memref<640x24xf32, #tpu.memory_space<hbm>>
      %dma_start3A_48 = arith.constant 0 : i32
      %dma_start3A_49 = tpu.memref_slice %arg5[%mul3A_6, %dma_start3A_48] : memref<10240x24xf32, #tpu.memory_space<hbm>> -> memref<640x24xf32, #tpu.memory_space<hbm>>
      tpu.enqueue_dma source(%dma_start3A_49 : memref<640x24xf32, #tpu.memory_space<hbm>>) target(%arg17 : memref<640x24xf32, #tpu.memory_space<vmem>>) target_semaphore(%run_scoped3A : memref<!tpu.dma_semaphore, #tpu.memory_space<semaphore_mem>>)
      %dma_wait3A = arith.constant 0 : i32
      %dma_wait3A_50 = tpu.memref_slice %arg5[%mul3A_6, %dma_wait3A] : memref<10240x24xf32, #tpu.memory_space<hbm>> -> memref<640x24xf32, #tpu.memory_space<hbm>>
      %dma_wait3A_51 = arith.constant 0 : i32
      %dma_wait3A_52 = tpu.memref_slice %arg5[%mul3A_6, %dma_wait3A_51] : memref<10240x24xf32, #tpu.memory_space<hbm>> -> memref<640x24xf32, #tpu.memory_space<hbm>>
      tpu.wait_dma2 semaphore(%run_scoped3A : memref<!tpu.dma_semaphore, #tpu.memory_space<semaphore_mem>>) src(%dma_wait3A_52 : memref<640x24xf32, #tpu.memory_space<hbm>>) dst(%arg17 : memref<640x24xf32, #tpu.memory_space<vmem>>)
      tpu.yield
    }) : () -> ()
    %mul3A_7 = arith.constant 640 : i32
    %mul3A_8 = arith.muli %arg1, %mul3A_7 : i32
    "tpu.region"() ({
      %run_scoped3A = tpu.sem_alloc : memref<!tpu.dma_semaphore, #tpu.memory_space<semaphore_mem>>
      %dma_start3A_46 = arith.constant 0 : i32
      %dma_start3A_47 = tpu.memref_slice %arg18[%mul3A_8, %dma_start3A_46] : memref<10240x24xf32, #tpu.memory_space<vmem_shared>> -> memref<640x24xf32, #tpu.memory_space<vmem_shared>>
      %dma_start3A_48 = arith.constant 0 : i32
      %dma_start3A_49 = tpu.memref_slice %arg18[%mul3A_8, %dma_start3A_48] : memref<10240x24xf32, #tpu.memory_space<vmem_shared>> -> memref<640x24xf32, #tpu.memory_space<vmem_shared>>
      tpu.enqueue_dma source(%arg17 : memref<640x24xf32, #tpu.memory_space<vmem>>) target(%dma_start3A_49 : memref<640x24xf32, #tpu.memory_space<vmem_shared>>) target_semaphore(%run_scoped3A : memref<!tpu.dma_semaphore, #tpu.memory_space<semaphore_mem>>)
      %dma_wait3A = arith.constant 0 : i32
      %dma_wait3A_50 = tpu.memref_slice %arg18[%mul3A_8, %dma_wait3A] : memref<10240x24xf32, #tpu.memory_space<vmem_shared>> -> memref<640x24xf32, #tpu.memory_space<vmem_shared>>
      %dma_wait3A_51 = arith.constant 0 : i32
      %dma_wait3A_52 = tpu.memref_slice %arg18[%mul3A_8, %dma_wait3A_51] : memref<10240x24xf32, #tpu.memory_space<vmem_shared>> -> memref<640x24xf32, #tpu.memory_space<vmem_shared>>
      tpu.wait_dma2 semaphore(%run_scoped3A : memref<!tpu.dma_semaphore, #tpu.memory_space<semaphore_mem>>) src(%arg17 : memref<640x24xf32, #tpu.memory_space<vmem>>) dst(%dma_wait3A_52 : memref<640x24xf32, #tpu.memory_space<vmem_shared>>)
      tpu.yield
    }) : () -> ()
    "tpu.region"() ({
      %run_scoped3A = tpu.sem_alloc : memref<!tpu.dma_semaphore, #tpu.memory_space<semaphore_mem>>
      %dma_start3A_46 = arith.constant 0 : i32
      %dma_start3A_47 = arith.constant 0 : i32
      %dma_start3A_48 = tpu.memref_slice %arg2[%arg1, %dma_start3A_46, %dma_start3A_47] : memref<16x160x128xi32, #tpu.memory_space<hbm>> -> memref<1x160x128xi32, #tpu.memory_space<hbm>>
      %dma_start3A_49 = tpu.memref_squeeze %dma_start3A_48 : memref<1x160x128xi32, #tpu.memory_space<hbm>> -> memref<160x128xi32, #tpu.memory_space<hbm>>
      %dma_start3A_50 = arith.constant 0 : i32
      %dma_start3A_51 = arith.constant 0 : i32
      %dma_start3A_52 = tpu.memref_slice %arg2[%arg1, %dma_start3A_50, %dma_start3A_51] : memref<16x160x128xi32, #tpu.memory_space<hbm>> -> memref<1x160x128xi32, #tpu.memory_space<hbm>>
      %dma_start3A_53 = tpu.memref_squeeze %dma_start3A_52 : memref<1x160x128xi32, #tpu.memory_space<hbm>> -> memref<160x128xi32, #tpu.memory_space<hbm>>
      tpu.enqueue_dma source(%dma_start3A_53 : memref<160x128xi32, #tpu.memory_space<hbm>>) target(%arg7 : memref<160x128xi32, #tpu.memory_space<vmem>>) target_semaphore(%run_scoped3A : memref<!tpu.dma_semaphore, #tpu.memory_space<semaphore_mem>>)
      %dma_wait3A = arith.constant 0 : i32
      %dma_wait3A_54 = arith.constant 0 : i32
      %dma_wait3A_55 = tpu.memref_slice %arg2[%arg1, %dma_wait3A, %dma_wait3A_54] : memref<16x160x128xi32, #tpu.memory_space<hbm>> -> memref<1x160x128xi32, #tpu.memory_space<hbm>>
      %dma_wait3A_56 = tpu.memref_squeeze %dma_wait3A_55 : memref<1x160x128xi32, #tpu.memory_space<hbm>> -> memref<160x128xi32, #tpu.memory_space<hbm>>
      %dma_wait3A_57 = arith.constant 0 : i32
      %dma_wait3A_58 = arith.constant 0 : i32
      %dma_wait3A_59 = tpu.memref_slice %arg2[%arg1, %dma_wait3A_57, %dma_wait3A_58] : memref<16x160x128xi32, #tpu.memory_space<hbm>> -> memref<1x160x128xi32, #tpu.memory_space<hbm>>
      %dma_wait3A_60 = tpu.memref_squeeze %dma_wait3A_59 : memref<1x160x128xi32, #tpu.memory_space<hbm>> -> memref<160x128xi32, #tpu.memory_space<hbm>>
      tpu.wait_dma2 semaphore(%run_scoped3A : memref<!tpu.dma_semaphore, #tpu.memory_space<semaphore_mem>>) src(%dma_wait3A_60 : memref<160x128xi32, #tpu.memory_space<hbm>>) dst(%arg7 : memref<160x128xi32, #tpu.memory_space<vmem>>)
      tpu.yield
    }) : () -> ()
    "tpu.region"() ({
      %run_scoped3A = tpu.sem_alloc : memref<!tpu.dma_semaphore, #tpu.memory_space<semaphore_mem>>
      %dma_start3A_46 = arith.constant 0 : i32
      %dma_start3A_47 = arith.constant 0 : i32
      %dma_start3A_48 = tpu.memref_slice %arg3[%arg1, %dma_start3A_46, %dma_start3A_47] : memref<16x160x128xi32, #tpu.memory_space<hbm>> -> memref<1x160x128xi32, #tpu.memory_space<hbm>>
      %dma_start3A_49 = tpu.memref_squeeze %dma_start3A_48 : memref<1x160x128xi32, #tpu.memory_space<hbm>> -> memref<160x128xi32, #tpu.memory_space<hbm>>
      %dma_start3A_50 = arith.constant 0 : i32
      %dma_start3A_51 = arith.constant 0 : i32
      %dma_start3A_52 = tpu.memref_slice %arg3[%arg1, %dma_start3A_50, %dma_start3A_51] : memref<16x160x128xi32, #tpu.memory_space<hbm>> -> memref<1x160x128xi32, #tpu.memory_space<hbm>>
      %dma_start3A_53 = tpu.memref_squeeze %dma_start3A_52 : memref<1x160x128xi32, #tpu.memory_space<hbm>> -> memref<160x128xi32, #tpu.memory_space<hbm>>
      tpu.enqueue_dma source(%dma_start3A_53 : memref<160x128xi32, #tpu.memory_space<hbm>>) target(%arg8 : memref<160x128xi32, #tpu.memory_space<vmem>>) target_semaphore(%run_scoped3A : memref<!tpu.dma_semaphore, #tpu.memory_space<semaphore_mem>>)
      %dma_wait3A = arith.constant 0 : i32
      %dma_wait3A_54 = arith.constant 0 : i32
      %dma_wait3A_55 = tpu.memref_slice %arg3[%arg1, %dma_wait3A, %dma_wait3A_54] : memref<16x160x128xi32, #tpu.memory_space<hbm>> -> memref<1x160x128xi32, #tpu.memory_space<hbm>>
      %dma_wait3A_56 = tpu.memref_squeeze %dma_wait3A_55 : memref<1x160x128xi32, #tpu.memory_space<hbm>> -> memref<160x128xi32, #tpu.memory_space<hbm>>
      %dma_wait3A_57 = arith.constant 0 : i32
      %dma_wait3A_58 = arith.constant 0 : i32
      %dma_wait3A_59 = tpu.memref_slice %arg3[%arg1, %dma_wait3A_57, %dma_wait3A_58] : memref<16x160x128xi32, #tpu.memory_space<hbm>> -> memref<1x160x128xi32, #tpu.memory_space<hbm>>
      %dma_wait3A_60 = tpu.memref_squeeze %dma_wait3A_59 : memref<1x160x128xi32, #tpu.memory_space<hbm>> -> memref<160x128xi32, #tpu.memory_space<hbm>>
      tpu.wait_dma2 semaphore(%run_scoped3A : memref<!tpu.dma_semaphore, #tpu.memory_space<semaphore_mem>>) src(%dma_wait3A_60 : memref<160x128xi32, #tpu.memory_space<hbm>>) dst(%arg8 : memref<160x128xi32, #tpu.memory_space<vmem>>)
      tpu.yield
    }) : () -> ()
    %barrier3A = arith.constant 0 : index
    tpu.barrier barrier_id(%barrier3A)
    %dma_start3A = arith.constant 0 : i32
    %dma_start3A_9 = arith.constant 0 : i32
    %dma_start3A_10 = tpu.memref_slice %arg8[%dma_start3A, %dma_start3A_9] : memref<160x128xi32, #tpu.memory_space<vmem>> -> memref<1x128xi32, #tpu.memory_space<vmem>>
    %dma_start3A_11 = tpu.memref_squeeze %dma_start3A_10 : memref<1x128xi32, #tpu.memory_space<vmem>> -> memref<128xi32, #tpu.memory_space<vmem>>
    %dma_start3A_12 = arith.constant 0 : i32
    %dma_start3A_13 = arith.constant 0 : i32
    %dma_start3A_14 = tpu.memref_slice %arg19[%dma_start3A_12, %dma_start3A_13] : memref<10000x24xf32, #tpu.memory_space<vmem_shared>> -> memref<10000x24xf32, #tpu.memory_space<vmem_shared>>
    tpu.enqueue_indirect_dma source(%dma_start3A_14 : memref<10000x24xf32, #tpu.memory_space<vmem_shared>>) target(%arg9 : memref<128x24xf32, #tpu.memory_space<vmem>>) offsets(%dma_start3A_11 : memref<128xi32, #tpu.memory_space<vmem>>) semaphore(%arg20 : memref<!tpu.dma_semaphore, #tpu.memory_space<semaphore_mem>>)
    %dma_start3A_15 = arith.constant 1 : i32
    %dma_start3A_16 = arith.constant 0 : i32
    %dma_start3A_17 = tpu.memref_slice %arg8[%dma_start3A_15, %dma_start3A_16] : memref<160x128xi32, #tpu.memory_space<vmem>> -> memref<1x128xi32, #tpu.memory_space<vmem>>
    %dma_start3A_18 = tpu.memref_squeeze %dma_start3A_17 : memref<1x128xi32, #tpu.memory_space<vmem>> -> memref<128xi32, #tpu.memory_space<vmem>>
    %dma_start3A_19 = arith.constant 0 : i32
    %dma_start3A_20 = arith.constant 0 : i32
    %dma_start3A_21 = tpu.memref_slice %arg19[%dma_start3A_19, %dma_start3A_20] : memref<10000x24xf32, #tpu.memory_space<vmem_shared>> -> memref<10000x24xf32, #tpu.memory_space<vmem_shared>>
    tpu.enqueue_indirect_dma source(%dma_start3A_21 : memref<10000x24xf32, #tpu.memory_space<vmem_shared>>) target(%arg10 : memref<128x24xf32, #tpu.memory_space<vmem>>) offsets(%dma_start3A_18 : memref<128xi32, #tpu.memory_space<vmem>>) semaphore(%arg21 : memref<!tpu.dma_semaphore, #tpu.memory_space<semaphore_mem>>)
    %dma_start3A_22 = arith.constant 2 : i32
    %dma_start3A_23 = arith.constant 0 : i32
    %dma_start3A_24 = tpu.memref_slice %arg8[%dma_start3A_22, %dma_start3A_23] : memref<160x128xi32, #tpu.memory_space<vmem>> -> memref<1x128xi32, #tpu.memory_space<vmem>>
    %dma_start3A_25 = tpu.memref_squeeze %dma_start3A_24 : memref<1x128xi32, #tpu.memory_space<vmem>> -> memref<128xi32, #tpu.memory_space<vmem>>
    %dma_start3A_26 = arith.constant 0 : i32
    %dma_start3A_27 = arith.constant 0 : i32
    %dma_start3A_28 = tpu.memref_slice %arg19[%dma_start3A_26, %dma_start3A_27] : memref<10000x24xf32, #tpu.memory_space<vmem_shared>> -> memref<10000x24xf32, #tpu.memory_space<vmem_shared>>
    tpu.enqueue_indirect_dma source(%dma_start3A_28 : memref<10000x24xf32, #tpu.memory_space<vmem_shared>>) target(%arg11 : memref<128x24xf32, #tpu.memory_space<vmem>>) offsets(%dma_start3A_25 : memref<128xi32, #tpu.memory_space<vmem>>) semaphore(%arg22 : memref<!tpu.dma_semaphore, #tpu.memory_space<semaphore_mem>>)
    %dma_start3A_29 = arith.constant 3 : i32
    %dma_start3A_30 = arith.constant 0 : i32
    %dma_start3A_31 = tpu.memref_slice %arg8[%dma_start3A_29, %dma_start3A_30] : memref<160x128xi32, #tpu.memory_space<vmem>> -> memref<1x128xi32, #tpu.memory_space<vmem>>
    %dma_start3A_32 = tpu.memref_squeeze %dma_start3A_31 : memref<1x128xi32, #tpu.memory_space<vmem>> -> memref<128xi32, #tpu.memory_space<vmem>>
    %dma_start3A_33 = arith.constant 0 : i32
    %dma_start3A_34 = arith.constant 0 : i32
    %dma_start3A_35 = tpu.memref_slice %arg19[%dma_start3A_33, %dma_start3A_34] : memref<10000x24xf32, #tpu.memory_space<vmem_shared>> -> memref<10000x24xf32, #tpu.memory_space<vmem_shared>>
    tpu.enqueue_indirect_dma source(%dma_start3A_35 : memref<10000x24xf32, #tpu.memory_space<vmem_shared>>) target(%arg12 : memref<128x24xf32, #tpu.memory_space<vmem>>) offsets(%dma_start3A_32 : memref<128xi32, #tpu.memory_space<vmem>>) semaphore(%arg23 : memref<!tpu.dma_semaphore, #tpu.memory_space<semaphore_mem>>)
    %scan3A = arith.constant 0 : i32
    %scan3A_36 = arith.constant 0 : i32
    %scan3A_37 = arith.constant 20 : i32
    %scan3A_38 = arith.addi %scan3A_36, %scan3A_37 : i32
    %scan3A_39 = arith.constant 1 : i32
    scf.for %scan3A_46 = %scan3A_36 to %scan3A_38 step %scan3A_39  : i32 {
      %mul3A_47 = arith.constant 2 : i32
      %mul3A_48 = arith.muli %mul3A_47, %scan3A_46 : i32
      %add3A = arith.constant 1 : i32
      %add3A_49 = arith.addi %mul3A_48, %add3A : i32
      %mul3A_50 = arith.constant 4 : i32
      %mul3A_51 = arith.muli %add3A_49, %mul3A_50 : i32
      %add3A_52 = arith.constant 0 : i32
      %add3A_53 = arith.addi %mul3A_51, %add3A_52 : i32
      %dma_start3A_54 = arith.constant 0 : i32
      %dma_start3A_55 = tpu.memref_slice %arg8[%add3A_53, %dma_start3A_54] : memref<160x128xi32, #tpu.memory_space<vmem>> -> memref<1x128xi32, #tpu.memory_space<vmem>>
      %dma_start3A_56 = tpu.memref_squeeze %dma_start3A_55 : memref<1x128xi32, #tpu.memory_space<vmem>> -> memref<128xi32, #tpu.memory_space<vmem>>
      %dma_start3A_57 = arith.constant 0 : i32
      %dma_start3A_58 = arith.constant 0 : i32
      %dma_start3A_59 = tpu.memref_slice %arg19[%dma_start3A_57, %dma_start3A_58] : memref<10000x24xf32, #tpu.memory_space<vmem_shared>> -> memref<10000x24xf32, #tpu.memory_space<vmem_shared>>
      tpu.enqueue_indirect_dma source(%dma_start3A_59 : memref<10000x24xf32, #tpu.memory_space<vmem_shared>>) target(%arg13 : memref<128x24xf32, #tpu.memory_space<vmem>>) offsets(%dma_start3A_56 : memref<128xi32, #tpu.memory_space<vmem>>) semaphore(%arg24 : memref<!tpu.dma_semaphore, #tpu.memory_space<semaphore_mem>>)
      %add3A_60 = arith.constant 1 : i32
      %add3A_61 = arith.addi %mul3A_48, %add3A_60 : i32
      %mul3A_62 = arith.constant 4 : i32
      %mul3A_63 = arith.muli %add3A_61, %mul3A_62 : i32
      %add3A_64 = arith.constant 1 : i32
      %add3A_65 = arith.addi %mul3A_63, %add3A_64 : i32
      %dma_start3A_66 = arith.constant 0 : i32
      %dma_start3A_67 = tpu.memref_slice %arg8[%add3A_65, %dma_start3A_66] : memref<160x128xi32, #tpu.memory_space<vmem>> -> memref<1x128xi32, #tpu.memory_space<vmem>>
      %dma_start3A_68 = tpu.memref_squeeze %dma_start3A_67 : memref<1x128xi32, #tpu.memory_space<vmem>> -> memref<128xi32, #tpu.memory_space<vmem>>
      %dma_start3A_69 = arith.constant 0 : i32
      %dma_start3A_70 = arith.constant 0 : i32
      %dma_start3A_71 = tpu.memref_slice %arg19[%dma_start3A_69, %dma_start3A_70] : memref<10000x24xf32, #tpu.memory_space<vmem_shared>> -> memref<10000x24xf32, #tpu.memory_space<vmem_shared>>
      tpu.enqueue_indirect_dma source(%dma_start3A_71 : memref<10000x24xf32, #tpu.memory_space<vmem_shared>>) target(%arg14 : memref<128x24xf32, #tpu.memory_space<vmem>>) offsets(%dma_start3A_68 : memref<128xi32, #tpu.memory_space<vmem>>) semaphore(%arg25 : memref<!tpu.dma_semaphore, #tpu.memory_space<semaphore_mem>>)
      %add3A_72 = arith.constant 1 : i32
      %add3A_73 = arith.addi %mul3A_48, %add3A_72 : i32
      %mul3A_74 = arith.constant 4 : i32
      %mul3A_75 = arith.muli %add3A_73, %mul3A_74 : i32
      %add3A_76 = arith.constant 2 : i32
      %add3A_77 = arith.addi %mul3A_75, %add3A_76 : i32
      %dma_start3A_78 = arith.constant 0 : i32
      %dma_start3A_79 = tpu.memref_slice %arg8[%add3A_77, %dma_start3A_78] : memref<160x128xi32, #tpu.memory_space<vmem>> -> memref<1x128xi32, #tpu.memory_space<vmem>>
      %dma_start3A_80 = tpu.memref_squeeze %dma_start3A_79 : memref<1x128xi32, #tpu.memory_space<vmem>> -> memref<128xi32, #tpu.memory_space<vmem>>
      %dma_start3A_81 = arith.constant 0 : i32
      %dma_start3A_82 = arith.constant 0 : i32
      %dma_start3A_83 = tpu.memref_slice %arg19[%dma_start3A_81, %dma_start3A_82] : memref<10000x24xf32, #tpu.memory_space<vmem_shared>> -> memref<10000x24xf32, #tpu.memory_space<vmem_shared>>
      tpu.enqueue_indirect_dma source(%dma_start3A_83 : memref<10000x24xf32, #tpu.memory_space<vmem_shared>>) target(%arg15 : memref<128x24xf32, #tpu.memory_space<vmem>>) offsets(%dma_start3A_80 : memref<128xi32, #tpu.memory_space<vmem>>) semaphore(%arg26 : memref<!tpu.dma_semaphore, #tpu.memory_space<semaphore_mem>>)
      %add3A_84 = arith.constant 1 : i32
      %add3A_85 = arith.addi %mul3A_48, %add3A_84 : i32
      %mul3A_86 = arith.constant 4 : i32
      %mul3A_87 = arith.muli %add3A_85, %mul3A_86 : i32
      %add3A_88 = arith.constant 3 : i32
      %add3A_89 = arith.addi %mul3A_87, %add3A_88 : i32
      %dma_start3A_90 = arith.constant 0 : i32
      %dma_start3A_91 = tpu.memref_slice %arg8[%add3A_89, %dma_start3A_90] : memref<160x128xi32, #tpu.memory_space<vmem>> -> memref<1x128xi32, #tpu.memory_space<vmem>>
      %dma_start3A_92 = tpu.memref_squeeze %dma_start3A_91 : memref<1x128xi32, #tpu.memory_space<vmem>> -> memref<128xi32, #tpu.memory_space<vmem>>
      %dma_start3A_93 = arith.constant 0 : i32
      %dma_start3A_94 = arith.constant 0 : i32
      %dma_start3A_95 = tpu.memref_slice %arg19[%dma_start3A_93, %dma_start3A_94] : memref<10000x24xf32, #tpu.memory_space<vmem_shared>> -> memref<10000x24xf32, #tpu.memory_space<vmem_shared>>
      tpu.enqueue_indirect_dma source(%dma_start3A_95 : memref<10000x24xf32, #tpu.memory_space<vmem_shared>>) target(%arg16 : memref<128x24xf32, #tpu.memory_space<vmem>>) offsets(%dma_start3A_92 : memref<128xi32, #tpu.memory_space<vmem>>) semaphore(%arg27 : memref<!tpu.dma_semaphore, #tpu.memory_space<semaphore_mem>>)
      %dma_wait3A = arith.constant 0 : i32
      %dma_wait3A_96 = arith.constant 0 : i32
      %dma_wait3A_97 = tpu.memref_slice %arg8[%dma_wait3A, %dma_wait3A_96] : memref<160x128xi32, #tpu.memory_space<vmem>> -> memref<1x128xi32, #tpu.memory_space<vmem>>
      %dma_wait3A_98 = tpu.memref_squeeze %dma_wait3A_97 : memref<1x128xi32, #tpu.memory_space<vmem>> -> memref<128xi32, #tpu.memory_space<vmem>>
      %dma_wait3A_99 = arith.constant 0 : i32
      %dma_wait3A_100 = arith.constant 0 : i32
      %dma_wait3A_101 = tpu.memref_slice %arg19[%dma_wait3A_99, %dma_wait3A_100] : memref<10000x24xf32, #tpu.memory_space<vmem_shared>> -> memref<10000x24xf32, #tpu.memory_space<vmem_shared>>
      tpu.wait_indirect_dma semaphore(%arg20 : memref<!tpu.dma_semaphore, #tpu.memory_space<semaphore_mem>>) src(%dma_wait3A_101 : memref<10000x24xf32, #tpu.memory_space<vmem_shared>>) dst(%arg9 : memref<128x24xf32, #tpu.memory_space<vmem>>)
      %mul3A_102 = arith.constant 4 : i32
      %mul3A_103 = arith.muli %mul3A_48, %mul3A_102 : i32
      %add3A_104 = arith.constant 0 : i32
      %add3A_105 = arith.addi %mul3A_103, %add3A_104 : i32
      %dma_start3A_106 = arith.constant 0 : i32
      %dma_start3A_107 = tpu.memref_slice %arg7[%add3A_105, %dma_start3A_106] : memref<160x128xi32, #tpu.memory_space<vmem>> -> memref<1x128xi32, #tpu.memory_space<vmem>>
      %dma_start3A_108 = tpu.memref_squeeze %dma_start3A_107 : memref<1x128xi32, #tpu.memory_space<vmem>> -> memref<128xi32, #tpu.memory_space<vmem>>
      %dma_start3A_109 = arith.constant 0 : i32
      %dma_start3A_110 = arith.constant 0 : i32
      %dma_start3A_111 = tpu.memref_slice %arg18[%dma_start3A_109, %dma_start3A_110] : memref<10240x24xf32, #tpu.memory_space<vmem_shared>> -> memref<10240x24xf32, #tpu.memory_space<vmem_shared>>
      tpu.enqueue_indirect_dma source(%arg9 : memref<128x24xf32, #tpu.memory_space<vmem>>) target(%dma_start3A_111 : memref<10240x24xf32, #tpu.memory_space<vmem_shared>>) offsets(%dma_start3A_108 : memref<128xi32, #tpu.memory_space<vmem>>) semaphore(%arg28 : memref<!tpu.dma_semaphore, #tpu.memory_space<semaphore_mem>>) {add = true}
      %dma_wait3A_112 = arith.constant 0 : i32
      %dma_wait3A_113 = arith.constant 0 : i32
      %dma_wait3A_114 = tpu.memref_slice %arg8[%dma_wait3A_112, %dma_wait3A_113] : memref<160x128xi32, #tpu.memory_space<vmem>> -> memref<1x128xi32, #tpu.memory_space<vmem>>
      %dma_wait3A_115 = tpu.memref_squeeze %dma_wait3A_114 : memref<1x128xi32, #tpu.memory_space<vmem>> -> memref<128xi32, #tpu.memory_space<vmem>>
      %dma_wait3A_116 = arith.constant 0 : i32
      %dma_wait3A_117 = arith.constant 0 : i32
      %dma_wait3A_118 = tpu.memref_slice %arg19[%dma_wait3A_116, %dma_wait3A_117] : memref<10000x24xf32, #tpu.memory_space<vmem_shared>> -> memref<10000x24xf32, #tpu.memory_space<vmem_shared>>
      tpu.wait_indirect_dma semaphore(%arg21 : memref<!tpu.dma_semaphore, #tpu.memory_space<semaphore_mem>>) src(%dma_wait3A_118 : memref<10000x24xf32, #tpu.memory_space<vmem_shared>>) dst(%arg10 : memref<128x24xf32, #tpu.memory_space<vmem>>)
      %mul3A_119 = arith.constant 4 : i32
      %mul3A_120 = arith.muli %mul3A_48, %mul3A_119 : i32
      %add3A_121 = arith.constant 1 : i32
      %add3A_122 = arith.addi %mul3A_120, %add3A_121 : i32
      %dma_start3A_123 = arith.constant 0 : i32
      %dma_start3A_124 = tpu.memref_slice %arg7[%add3A_122, %dma_start3A_123] : memref<160x128xi32, #tpu.memory_space<vmem>> -> memref<1x128xi32, #tpu.memory_space<vmem>>
      %dma_start3A_125 = tpu.memref_squeeze %dma_start3A_124 : memref<1x128xi32, #tpu.memory_space<vmem>> -> memref<128xi32, #tpu.memory_space<vmem>>
      %dma_start3A_126 = arith.constant 0 : i32
      %dma_start3A_127 = arith.constant 0 : i32
      %dma_start3A_128 = tpu.memref_slice %arg18[%dma_start3A_126, %dma_start3A_127] : memref<10240x24xf32, #tpu.memory_space<vmem_shared>> -> memref<10240x24xf32, #tpu.memory_space<vmem_shared>>
      tpu.enqueue_indirect_dma source(%arg10 : memref<128x24xf32, #tpu.memory_space<vmem>>) target(%dma_start3A_128 : memref<10240x24xf32, #tpu.memory_space<vmem_shared>>) offsets(%dma_start3A_125 : memref<128xi32, #tpu.memory_space<vmem>>) semaphore(%arg29 : memref<!tpu.dma_semaphore, #tpu.memory_space<semaphore_mem>>) {add = true}
      %dma_wait3A_129 = arith.constant 0 : i32
      %dma_wait3A_130 = arith.constant 0 : i32
      %dma_wait3A_131 = tpu.memref_slice %arg8[%dma_wait3A_129, %dma_wait3A_130] : memref<160x128xi32, #tpu.memory_space<vmem>> -> memref<1x128xi32, #tpu.memory_space<vmem>>
      %dma_wait3A_132 = tpu.memref_squeeze %dma_wait3A_131 : memref<1x128xi32, #tpu.memory_space<vmem>> -> memref<128xi32, #tpu.memory_space<vmem>>
      %dma_wait3A_133 = arith.constant 0 : i32
      %dma_wait3A_134 = arith.constant 0 : i32
      %dma_wait3A_135 = tpu.memref_slice %arg19[%dma_wait3A_133, %dma_wait3A_134] : memref<10000x24xf32, #tpu.memory_space<vmem_shared>> -> memref<10000x24xf32, #tpu.memory_space<vmem_shared>>
      tpu.wait_indirect_dma semaphore(%arg22 : memref<!tpu.dma_semaphore, #tpu.memory_space<semaphore_mem>>) src(%dma_wait3A_135 : memref<10000x24xf32, #tpu.memory_space<vmem_shared>>) dst(%arg11 : memref<128x24xf32, #tpu.memory_space<vmem>>)
      %mul3A_136 = arith.constant 4 : i32
      %mul3A_137 = arith.muli %mul3A_48, %mul3A_136 : i32
      %add3A_138 = arith.constant 2 : i32
      %add3A_139 = arith.addi %mul3A_137, %add3A_138 : i32
      %dma_start3A_140 = arith.constant 0 : i32
      %dma_start3A_141 = tpu.memref_slice %arg7[%add3A_139, %dma_start3A_140] : memref<160x128xi32, #tpu.memory_space<vmem>> -> memref<1x128xi32, #tpu.memory_space<vmem>>
      %dma_start3A_142 = tpu.memref_squeeze %dma_start3A_141 : memref<1x128xi32, #tpu.memory_space<vmem>> -> memref<128xi32, #tpu.memory_space<vmem>>
      %dma_start3A_143 = arith.constant 0 : i32
      %dma_start3A_144 = arith.constant 0 : i32
      %dma_start3A_145 = tpu.memref_slice %arg18[%dma_start3A_143, %dma_start3A_144] : memref<10240x24xf32, #tpu.memory_space<vmem_shared>> -> memref<10240x24xf32, #tpu.memory_space<vmem_shared>>
      tpu.enqueue_indirect_dma source(%arg11 : memref<128x24xf32, #tpu.memory_space<vmem>>) target(%dma_start3A_145 : memref<10240x24xf32, #tpu.memory_space<vmem_shared>>) offsets(%dma_start3A_142 : memref<128xi32, #tpu.memory_space<vmem>>) semaphore(%arg30 : memref<!tpu.dma_semaphore, #tpu.memory_space<semaphore_mem>>) {add = true}
      %dma_wait3A_146 = arith.constant 0 : i32
      %dma_wait3A_147 = arith.constant 0 : i32
      %dma_wait3A_148 = tpu.memref_slice %arg8[%dma_wait3A_146, %dma_wait3A_147] : memref<160x128xi32, #tpu.memory_space<vmem>> -> memref<1x128xi32, #tpu.memory_space<vmem>>
      %dma_wait3A_149 = tpu.memref_squeeze %dma_wait3A_148 : memref<1x128xi32, #tpu.memory_space<vmem>> -> memref<128xi32, #tpu.memory_space<vmem>>
      %dma_wait3A_150 = arith.constant 0 : i32
      %dma_wait3A_151 = arith.constant 0 : i32
      %dma_wait3A_152 = tpu.memref_slice %arg19[%dma_wait3A_150, %dma_wait3A_151] : memref<10000x24xf32, #tpu.memory_space<vmem_shared>> -> memref<10000x24xf32, #tpu.memory_space<vmem_shared>>
      tpu.wait_indirect_dma semaphore(%arg23 : memref<!tpu.dma_semaphore, #tpu.memory_space<semaphore_mem>>) src(%dma_wait3A_152 : memref<10000x24xf32, #tpu.memory_space<vmem_shared>>) dst(%arg12 : memref<128x24xf32, #tpu.memory_space<vmem>>)
      %mul3A_153 = arith.constant 4 : i32
      %mul3A_154 = arith.muli %mul3A_48, %mul3A_153 : i32
      %add3A_155 = arith.constant 3 : i32
      %add3A_156 = arith.addi %mul3A_154, %add3A_155 : i32
      %dma_start3A_157 = arith.constant 0 : i32
      %dma_start3A_158 = tpu.memref_slice %arg7[%add3A_156, %dma_start3A_157] : memref<160x128xi32, #tpu.memory_space<vmem>> -> memref<1x128xi32, #tpu.memory_space<vmem>>
      %dma_start3A_159 = tpu.memref_squeeze %dma_start3A_158 : memref<1x128xi32, #tpu.memory_space<vmem>> -> memref<128xi32, #tpu.memory_space<vmem>>
      %dma_start3A_160 = arith.constant 0 : i32
      %dma_start3A_161 = arith.constant 0 : i32
      %dma_start3A_162 = tpu.memref_slice %arg18[%dma_start3A_160, %dma_start3A_161] : memref<10240x24xf32, #tpu.memory_space<vmem_shared>> -> memref<10240x24xf32, #tpu.memory_space<vmem_shared>>
      tpu.enqueue_indirect_dma source(%arg12 : memref<128x24xf32, #tpu.memory_space<vmem>>) target(%dma_start3A_162 : memref<10240x24xf32, #tpu.memory_space<vmem_shared>>) offsets(%dma_start3A_159 : memref<128xi32, #tpu.memory_space<vmem>>) semaphore(%arg31 : memref<!tpu.dma_semaphore, #tpu.memory_space<semaphore_mem>>) {add = true}
      %dma_wait3A_163 = arith.constant 0 : i32
      %dma_wait3A_164 = tpu.memref_slice %arg7[%add3A_105, %dma_wait3A_163] : memref<160x128xi32, #tpu.memory_space<vmem>> -> memref<1x128xi32, #tpu.memory_space<vmem>>
      %dma_wait3A_165 = tpu.memref_squeeze %dma_wait3A_164 : memref<1x128xi32, #tpu.memory_space<vmem>> -> memref<128xi32, #tpu.memory_space<vmem>>
      %dma_wait3A_166 = arith.constant 0 : i32
      %dma_wait3A_167 = arith.constant 0 : i32
      %dma_wait3A_168 = tpu.memref_slice %arg18[%dma_wait3A_166, %dma_wait3A_167] : memref<10240x24xf32, #tpu.memory_space<vmem_shared>> -> memref<10240x24xf32, #tpu.memory_space<vmem_shared>>
      tpu.wait_indirect_dma semaphore(%arg28 : memref<!tpu.dma_semaphore, #tpu.memory_space<semaphore_mem>>) src(%arg9 : memref<128x24xf32, #tpu.memory_space<vmem>>) dst(%dma_wait3A_168 : memref<10240x24xf32, #tpu.memory_space<vmem_shared>>)
      %dma_wait3A_169 = arith.constant 0 : i32
      %dma_wait3A_170 = tpu.memref_slice %arg7[%add3A_122, %dma_wait3A_169] : memref<160x128xi32, #tpu.memory_space<vmem>> -> memref<1x128xi32, #tpu.memory_space<vmem>>
      %dma_wait3A_171 = tpu.memref_squeeze %dma_wait3A_170 : memref<1x128xi32, #tpu.memory_space<vmem>> -> memref<128xi32, #tpu.memory_space<vmem>>
      %dma_wait3A_172 = arith.constant 0 : i32
      %dma_wait3A_173 = arith.constant 0 : i32
      %dma_wait3A_174 = tpu.memref_slice %arg18[%dma_wait3A_172, %dma_wait3A_173] : memref<10240x24xf32, #tpu.memory_space<vmem_shared>> -> memref<10240x24xf32, #tpu.memory_space<vmem_shared>>
      tpu.wait_indirect_dma semaphore(%arg29 : memref<!tpu.dma_semaphore, #tpu.memory_space<semaphore_mem>>) src(%arg10 : memref<128x24xf32, #tpu.memory_space<vmem>>) dst(%dma_wait3A_174 : memref<10240x24xf32, #tpu.memory_space<vmem_shared>>)
      %dma_wait3A_175 = arith.constant 0 : i32
      %dma_wait3A_176 = tpu.memref_slice %arg7[%add3A_139, %dma_wait3A_175] : memref<160x128xi32, #tpu.memory_space<vmem>> -> memref<1x128xi32, #tpu.memory_space<vmem>>
      %dma_wait3A_177 = tpu.memref_squeeze %dma_wait3A_176 : memref<1x128xi32, #tpu.memory_space<vmem>> -> memref<128xi32, #tpu.memory_space<vmem>>
      %dma_wait3A_178 = arith.constant 0 : i32
      %dma_wait3A_179 = arith.constant 0 : i32
      %dma_wait3A_180 = tpu.memref_slice %arg18[%dma_wait3A_178, %dma_wait3A_179] : memref<10240x24xf32, #tpu.memory_space<vmem_shared>> -> memref<10240x24xf32, #tpu.memory_space<vmem_shared>>
      tpu.wait_indirect_dma semaphore(%arg30 : memref<!tpu.dma_semaphore, #tpu.memory_space<semaphore_mem>>) src(%arg11 : memref<128x24xf32, #tpu.memory_space<vmem>>) dst(%dma_wait3A_180 : memref<10240x24xf32, #tpu.memory_space<vmem_shared>>)
      %dma_wait3A_181 = arith.constant 0 : i32
      %dma_wait3A_182 = tpu.memref_slice %arg7[%add3A_156, %dma_wait3A_181] : memref<160x128xi32, #tpu.memory_space<vmem>> -> memref<1x128xi32, #tpu.memory_space<vmem>>
      %dma_wait3A_183 = tpu.memref_squeeze %dma_wait3A_182 : memref<1x128xi32, #tpu.memory_space<vmem>> -> memref<128xi32, #tpu.memory_space<vmem>>
      %dma_wait3A_184 = arith.constant 0 : i32
      %dma_wait3A_185 = arith.constant 0 : i32
      %dma_wait3A_186 = tpu.memref_slice %arg18[%dma_wait3A_184, %dma_wait3A_185] : memref<10240x24xf32, #tpu.memory_space<vmem_shared>> -> memref<10240x24xf32, #tpu.memory_space<vmem_shared>>
      tpu.wait_indirect_dma semaphore(%arg31 : memref<!tpu.dma_semaphore, #tpu.memory_space<semaphore_mem>>) src(%arg12 : memref<128x24xf32, #tpu.memory_space<vmem>>) dst(%dma_wait3A_186 : memref<10240x24xf32, #tpu.memory_space<vmem_shared>>)
      %mul3A_187 = arith.constant 2 : i32
      %mul3A_188 = arith.muli %mul3A_187, %scan3A_46 : i32
      %add3A_189 = arith.constant 1 : i32
      %add3A_190 = arith.addi %mul3A_188, %add3A_189 : i32
      %lt3A = arith.constant 19 : i32
      %lt3A_191 = arith.cmpi slt, %scan3A_46, %lt3A : i32
      %convert_element_type3A = arith.extui %lt3A_191 : i1 to i32
      %cond3A = arith.constant 0 : i32
      %cond3A_192 = arith.cmpi ne, %convert_element_type3A, %cond3A : i32
      scf.if %cond3A_192 {
        %add3A_294 = arith.constant 1 : i32
        %add3A_295 = arith.addi %add3A_190, %add3A_294 : i32
        %mul3A_296 = arith.constant 4 : i32
        %mul3A_297 = arith.muli %add3A_295, %mul3A_296 : i32
        %add3A_298 = arith.constant 0 : i32
        %add3A_299 = arith.addi %mul3A_297, %add3A_298 : i32
        %dma_start3A_300 = arith.constant 0 : i32
        %dma_start3A_301 = tpu.memref_slice %arg8[%add3A_299, %dma_start3A_300] : memref<160x128xi32, #tpu.memory_space<vmem>> -> memref<1x128xi32, #tpu.memory_space<vmem>>
        %dma_start3A_302 = tpu.memref_squeeze %dma_start3A_301 : memref<1x128xi32, #tpu.memory_space<vmem>> -> memref<128xi32, #tpu.memory_space<vmem>>
        %dma_start3A_303 = arith.constant 0 : i32
        %dma_start3A_304 = arith.constant 0 : i32
        %dma_start3A_305 = tpu.memref_slice %arg19[%dma_start3A_303, %dma_start3A_304] : memref<10000x24xf32, #tpu.memory_space<vmem_shared>> -> memref<10000x24xf32, #tpu.memory_space<vmem_shared>>
        tpu.enqueue_indirect_dma source(%dma_start3A_305 : memref<10000x24xf32, #tpu.memory_space<vmem_shared>>) target(%arg9 : memref<128x24xf32, #tpu.memory_space<vmem>>) offsets(%dma_start3A_302 : memref<128xi32, #tpu.memory_space<vmem>>) semaphore(%arg20 : memref<!tpu.dma_semaphore, #tpu.memory_space<semaphore_mem>>)
      } else {
      }
      %convert_element_type3A_193 = arith.extui %lt3A_191 : i1 to i32
      %cond3A_194 = arith.constant 0 : i32
      %cond3A_195 = arith.cmpi ne, %convert_element_type3A_193, %cond3A_194 : i32
      scf.if %cond3A_195 {
        %add3A_294 = arith.constant 1 : i32
        %add3A_295 = arith.addi %add3A_190, %add3A_294 : i32
        %mul3A_296 = arith.constant 4 : i32
        %mul3A_297 = arith.muli %add3A_295, %mul3A_296 : i32
        %add3A_298 = arith.constant 1 : i32
        %add3A_299 = arith.addi %mul3A_297, %add3A_298 : i32
        %dma_start3A_300 = arith.constant 0 : i32
        %dma_start3A_301 = tpu.memref_slice %arg8[%add3A_299, %dma_start3A_300] : memref<160x128xi32, #tpu.memory_space<vmem>> -> memref<1x128xi32, #tpu.memory_space<vmem>>
        %dma_start3A_302 = tpu.memref_squeeze %dma_start3A_301 : memref<1x128xi32, #tpu.memory_space<vmem>> -> memref<128xi32, #tpu.memory_space<vmem>>
        %dma_start3A_303 = arith.constant 0 : i32
        %dma_start3A_304 = arith.constant 0 : i32
        %dma_start3A_305 = tpu.memref_slice %arg19[%dma_start3A_303, %dma_start3A_304] : memref<10000x24xf32, #tpu.memory_space<vmem_shared>> -> memref<10000x24xf32, #tpu.memory_space<vmem_shared>>
        tpu.enqueue_indirect_dma source(%dma_start3A_305 : memref<10000x24xf32, #tpu.memory_space<vmem_shared>>) target(%arg10 : memref<128x24xf32, #tpu.memory_space<vmem>>) offsets(%dma_start3A_302 : memref<128xi32, #tpu.memory_space<vmem>>) semaphore(%arg21 : memref<!tpu.dma_semaphore, #tpu.memory_space<semaphore_mem>>)
      } else {
      }
      %convert_element_type3A_196 = arith.extui %lt3A_191 : i1 to i32
      %cond3A_197 = arith.constant 0 : i32
      %cond3A_198 = arith.cmpi ne, %convert_element_type3A_196, %cond3A_197 : i32
      scf.if %cond3A_198 {
        %add3A_294 = arith.constant 1 : i32
        %add3A_295 = arith.addi %add3A_190, %add3A_294 : i32
        %mul3A_296 = arith.constant 4 : i32
        %mul3A_297 = arith.muli %add3A_295, %mul3A_296 : i32
        %add3A_298 = arith.constant 2 : i32
        %add3A_299 = arith.addi %mul3A_297, %add3A_298 : i32
        %dma_start3A_300 = arith.constant 0 : i32
        %dma_start3A_301 = tpu.memref_slice %arg8[%add3A_299, %dma_start3A_300] : memref<160x128xi32, #tpu.memory_space<vmem>> -> memref<1x128xi32, #tpu.memory_space<vmem>>
        %dma_start3A_302 = tpu.memref_squeeze %dma_start3A_301 : memref<1x128xi32, #tpu.memory_space<vmem>> -> memref<128xi32, #tpu.memory_space<vmem>>
        %dma_start3A_303 = arith.constant 0 : i32
        %dma_start3A_304 = arith.constant 0 : i32
        %dma_start3A_305 = tpu.memref_slice %arg19[%dma_start3A_303, %dma_start3A_304] : memref<10000x24xf32, #tpu.memory_space<vmem_shared>> -> memref<10000x24xf32, #tpu.memory_space<vmem_shared>>
        tpu.enqueue_indirect_dma source(%dma_start3A_305 : memref<10000x24xf32, #tpu.memory_space<vmem_shared>>) target(%arg11 : memref<128x24xf32, #tpu.memory_space<vmem>>) offsets(%dma_start3A_302 : memref<128xi32, #tpu.memory_space<vmem>>) semaphore(%arg22 : memref<!tpu.dma_semaphore, #tpu.memory_space<semaphore_mem>>)
      } else {
      }
      %convert_element_type3A_199 = arith.extui %lt3A_191 : i1 to i32
      %cond3A_200 = arith.constant 0 : i32
      %cond3A_201 = arith.cmpi ne, %convert_element_type3A_199, %cond3A_200 : i32
      scf.if %cond3A_201 {
        %add3A_294 = arith.constant 1 : i32
        %add3A_295 = arith.addi %add3A_190, %add3A_294 : i32
        %mul3A_296 = arith.constant 4 : i32
        %mul3A_297 = arith.muli %add3A_295, %mul3A_296 : i32
        %add3A_298 = arith.constant 3 : i32
        %add3A_299 = arith.addi %mul3A_297, %add3A_298 : i32
        %dma_start3A_300 = arith.constant 0 : i32
        %dma_start3A_301 = tpu.memref_slice %arg8[%add3A_299, %dma_start3A_300] : memref<160x128xi32, #tpu.memory_space<vmem>> -> memref<1x128xi32, #tpu.memory_space<vmem>>
        %dma_start3A_302 = tpu.memref_squeeze %dma_start3A_301 : memref<1x128xi32, #tpu.memory_space<vmem>> -> memref<128xi32, #tpu.memory_space<vmem>>
        %dma_start3A_303 = arith.constant 0 : i32
        %dma_start3A_304 = arith.constant 0 : i32
        %dma_start3A_305 = tpu.memref_slice %arg19[%dma_start3A_303, %dma_start3A_304] : memref<10000x24xf32, #tpu.memory_space<vmem_shared>> -> memref<10000x24xf32, #tpu.memory_space<vmem_shared>>
        tpu.enqueue_indirect_dma source(%dma_start3A_305 : memref<10000x24xf32, #tpu.memory_space<vmem_shared>>) target(%arg12 : memref<128x24xf32, #tpu.memory_space<vmem>>) offsets(%dma_start3A_302 : memref<128xi32, #tpu.memory_space<vmem>>) semaphore(%arg23 : memref<!tpu.dma_semaphore, #tpu.memory_space<semaphore_mem>>)
      } else {
      }
      %dma_wait3A_202 = arith.constant 0 : i32
      %dma_wait3A_203 = arith.constant 0 : i32
      %dma_wait3A_204 = tpu.memref_slice %arg8[%dma_wait3A_202, %dma_wait3A_203] : memref<160x128xi32, #tpu.memory_space<vmem>> -> memref<1x128xi32, #tpu.memory_space<vmem>>
      %dma_wait3A_205 = tpu.memref_squeeze %dma_wait3A_204 : memref<1x128xi32, #tpu.memory_space<vmem>> -> memref<128xi32, #tpu.memory_space<vmem>>
      %dma_wait3A_206 = arith.constant 0 : i32
      %dma_wait3A_207 = arith.constant 0 : i32
      %dma_wait3A_208 = tpu.memref_slice %arg19[%dma_wait3A_206, %dma_wait3A_207] : memref<10000x24xf32, #tpu.memory_space<vmem_shared>> -> memref<10000x24xf32, #tpu.memory_space<vmem_shared>>
      tpu.wait_indirect_dma semaphore(%arg24 : memref<!tpu.dma_semaphore, #tpu.memory_space<semaphore_mem>>) src(%dma_wait3A_208 : memref<10000x24xf32, #tpu.memory_space<vmem_shared>>) dst(%arg13 : memref<128x24xf32, #tpu.memory_space<vmem>>)
      %mul3A_209 = arith.constant 4 : i32
      %mul3A_210 = arith.muli %add3A_190, %mul3A_209 : i32
      %add3A_211 = arith.constant 0 : i32
      %add3A_212 = arith.addi %mul3A_210, %add3A_211 : i32
      %dma_start3A_213 = arith.constant 0 : i32
      %dma_start3A_214 = tpu.memref_slice %arg7[%add3A_212, %dma_start3A_213] : memref<160x128xi32, #tpu.memory_space<vmem>> -> memref<1x128xi32, #tpu.memory_space<vmem>>
      %dma_start3A_215 = tpu.memref_squeeze %dma_start3A_214 : memref<1x128xi32, #tpu.memory_space<vmem>> -> memref<128xi32, #tpu.memory_space<vmem>>
      %dma_start3A_216 = arith.constant 0 : i32
      %dma_start3A_217 = arith.constant 0 : i32
      %dma_start3A_218 = tpu.memref_slice %arg18[%dma_start3A_216, %dma_start3A_217] : memref<10240x24xf32, #tpu.memory_space<vmem_shared>> -> memref<10240x24xf32, #tpu.memory_space<vmem_shared>>
      tpu.enqueue_indirect_dma source(%arg13 : memref<128x24xf32, #tpu.memory_space<vmem>>) target(%dma_start3A_218 : memref<10240x24xf32, #tpu.memory_space<vmem_shared>>) offsets(%dma_start3A_215 : memref<128xi32, #tpu.memory_space<vmem>>) semaphore(%arg32 : memref<!tpu.dma_semaphore, #tpu.memory_space<semaphore_mem>>) {add = true}
      %dma_wait3A_219 = arith.constant 0 : i32
      %dma_wait3A_220 = arith.constant 0 : i32
      %dma_wait3A_221 = tpu.memref_slice %arg8[%dma_wait3A_219, %dma_wait3A_220] : memref<160x128xi32, #tpu.memory_space<vmem>> -> memref<1x128xi32, #tpu.memory_space<vmem>>
      %dma_wait3A_222 = tpu.memref_squeeze %dma_wait3A_221 : memref<1x128xi32, #tpu.memory_space<vmem>> -> memref<128xi32, #tpu.memory_space<vmem>>
      %dma_wait3A_223 = arith.constant 0 : i32
      %dma_wait3A_224 = arith.constant 0 : i32
      %dma_wait3A_225 = tpu.memref_slice %arg19[%dma_wait3A_223, %dma_wait3A_224] : memref<10000x24xf32, #tpu.memory_space<vmem_shared>> -> memref<10000x24xf32, #tpu.memory_space<vmem_shared>>
      tpu.wait_indirect_dma semaphore(%arg25 : memref<!tpu.dma_semaphore, #tpu.memory_space<semaphore_mem>>) src(%dma_wait3A_225 : memref<10000x24xf32, #tpu.memory_space<vmem_shared>>) dst(%arg14 : memref<128x24xf32, #tpu.memory_space<vmem>>)
      %mul3A_226 = arith.constant 4 : i32
      %mul3A_227 = arith.muli %add3A_190, %mul3A_226 : i32
      %add3A_228 = arith.constant 1 : i32
      %add3A_229 = arith.addi %mul3A_227, %add3A_228 : i32
      %dma_start3A_230 = arith.constant 0 : i32
      %dma_start3A_231 = tpu.memref_slice %arg7[%add3A_229, %dma_start3A_230] : memref<160x128xi32, #tpu.memory_space<vmem>> -> memref<1x128xi32, #tpu.memory_space<vmem>>
      %dma_start3A_232 = tpu.memref_squeeze %dma_start3A_231 : memref<1x128xi32, #tpu.memory_space<vmem>> -> memref<128xi32, #tpu.memory_space<vmem>>
      %dma_start3A_233 = arith.constant 0 : i32
      %dma_start3A_234 = arith.constant 0 : i32
      %dma_start3A_235 = tpu.memref_slice %arg18[%dma_start3A_233, %dma_start3A_234] : memref<10240x24xf32, #tpu.memory_space<vmem_shared>> -> memref<10240x24xf32, #tpu.memory_space<vmem_shared>>
      tpu.enqueue_indirect_dma source(%arg14 : memref<128x24xf32, #tpu.memory_space<vmem>>) target(%dma_start3A_235 : memref<10240x24xf32, #tpu.memory_space<vmem_shared>>) offsets(%dma_start3A_232 : memref<128xi32, #tpu.memory_space<vmem>>) semaphore(%arg33 : memref<!tpu.dma_semaphore, #tpu.memory_space<semaphore_mem>>) {add = true}
      %dma_wait3A_236 = arith.constant 0 : i32
      %dma_wait3A_237 = arith.constant 0 : i32
      %dma_wait3A_238 = tpu.memref_slice %arg8[%dma_wait3A_236, %dma_wait3A_237] : memref<160x128xi32, #tpu.memory_space<vmem>> -> memref<1x128xi32, #tpu.memory_space<vmem>>
      %dma_wait3A_239 = tpu.memref_squeeze %dma_wait3A_238 : memref<1x128xi32, #tpu.memory_space<vmem>> -> memref<128xi32, #tpu.memory_space<vmem>>
      %dma_wait3A_240 = arith.constant 0 : i32
      %dma_wait3A_241 = arith.constant 0 : i32
      %dma_wait3A_242 = tpu.memref_slice %arg19[%dma_wait3A_240, %dma_wait3A_241] : memref<10000x24xf32, #tpu.memory_space<vmem_shared>> -> memref<10000x24xf32, #tpu.memory_space<vmem_shared>>
      tpu.wait_indirect_dma semaphore(%arg26 : memref<!tpu.dma_semaphore, #tpu.memory_space<semaphore_mem>>) src(%dma_wait3A_242 : memref<10000x24xf32, #tpu.memory_space<vmem_shared>>) dst(%arg15 : memref<128x24xf32, #tpu.memory_space<vmem>>)
      %mul3A_243 = arith.constant 4 : i32
      %mul3A_244 = arith.muli %add3A_190, %mul3A_243 : i32
      %add3A_245 = arith.constant 2 : i32
      %add3A_246 = arith.addi %mul3A_244, %add3A_245 : i32
      %dma_start3A_247 = arith.constant 0 : i32
      %dma_start3A_248 = tpu.memref_slice %arg7[%add3A_246, %dma_start3A_247] : memref<160x128xi32, #tpu.memory_space<vmem>> -> memref<1x128xi32, #tpu.memory_space<vmem>>
      %dma_start3A_249 = tpu.memref_squeeze %dma_start3A_248 : memref<1x128xi32, #tpu.memory_space<vmem>> -> memref<128xi32, #tpu.memory_space<vmem>>
      %dma_start3A_250 = arith.constant 0 : i32
      %dma_start3A_251 = arith.constant 0 : i32
      %dma_start3A_252 = tpu.memref_slice %arg18[%dma_start3A_250, %dma_start3A_251] : memref<10240x24xf32, #tpu.memory_space<vmem_shared>> -> memref<10240x24xf32, #tpu.memory_space<vmem_shared>>
      tpu.enqueue_indirect_dma source(%arg15 : memref<128x24xf32, #tpu.memory_space<vmem>>) target(%dma_start3A_252 : memref<10240x24xf32, #tpu.memory_space<vmem_shared>>) offsets(%dma_start3A_249 : memref<128xi32, #tpu.memory_space<vmem>>) semaphore(%arg34 : memref<!tpu.dma_semaphore, #tpu.memory_space<semaphore_mem>>) {add = true}
      %dma_wait3A_253 = arith.constant 0 : i32
      %dma_wait3A_254 = arith.constant 0 : i32
      %dma_wait3A_255 = tpu.memref_slice %arg8[%dma_wait3A_253, %dma_wait3A_254] : memref<160x128xi32, #tpu.memory_space<vmem>> -> memref<1x128xi32, #tpu.memory_space<vmem>>
      %dma_wait3A_256 = tpu.memref_squeeze %dma_wait3A_255 : memref<1x128xi32, #tpu.memory_space<vmem>> -> memref<128xi32, #tpu.memory_space<vmem>>
      %dma_wait3A_257 = arith.constant 0 : i32
      %dma_wait3A_258 = arith.constant 0 : i32
      %dma_wait3A_259 = tpu.memref_slice %arg19[%dma_wait3A_257, %dma_wait3A_258] : memref<10000x24xf32, #tpu.memory_space<vmem_shared>> -> memref<10000x24xf32, #tpu.memory_space<vmem_shared>>
      tpu.wait_indirect_dma semaphore(%arg27 : memref<!tpu.dma_semaphore, #tpu.memory_space<semaphore_mem>>) src(%dma_wait3A_259 : memref<10000x24xf32, #tpu.memory_space<vmem_shared>>) dst(%arg16 : memref<128x24xf32, #tpu.memory_space<vmem>>)
      %mul3A_260 = arith.constant 4 : i32
      %mul3A_261 = arith.muli %add3A_190, %mul3A_260 : i32
      %add3A_262 = arith.constant 3 : i32
      %add3A_263 = arith.addi %mul3A_261, %add3A_262 : i32
      %dma_start3A_264 = arith.constant 0 : i32
      %dma_start3A_265 = tpu.memref_slice %arg7[%add3A_263, %dma_start3A_264] : memref<160x128xi32, #tpu.memory_space<vmem>> -> memref<1x128xi32, #tpu.memory_space<vmem>>
      %dma_start3A_266 = tpu.memref_squeeze %dma_start3A_265 : memref<1x128xi32, #tpu.memory_space<vmem>> -> memref<128xi32, #tpu.memory_space<vmem>>
      %dma_start3A_267 = arith.constant 0 : i32
      %dma_start3A_268 = arith.constant 0 : i32
      %dma_start3A_269 = tpu.memref_slice %arg18[%dma_start3A_267, %dma_start3A_268] : memref<10240x24xf32, #tpu.memory_space<vmem_shared>> -> memref<10240x24xf32, #tpu.memory_space<vmem_shared>>
      tpu.enqueue_indirect_dma source(%arg16 : memref<128x24xf32, #tpu.memory_space<vmem>>) target(%dma_start3A_269 : memref<10240x24xf32, #tpu.memory_space<vmem_shared>>) offsets(%dma_start3A_266 : memref<128xi32, #tpu.memory_space<vmem>>) semaphore(%arg35 : memref<!tpu.dma_semaphore, #tpu.memory_space<semaphore_mem>>) {add = true}
      %dma_wait3A_270 = arith.constant 0 : i32
      %dma_wait3A_271 = tpu.memref_slice %arg7[%add3A_212, %dma_wait3A_270] : memref<160x128xi32, #tpu.memory_space<vmem>> -> memref<1x128xi32, #tpu.memory_space<vmem>>
      %dma_wait3A_272 = tpu.memref_squeeze %dma_wait3A_271 : memref<1x128xi32, #tpu.memory_space<vmem>> -> memref<128xi32, #tpu.memory_space<vmem>>
      %dma_wait3A_273 = arith.constant 0 : i32
      %dma_wait3A_274 = arith.constant 0 : i32
      %dma_wait3A_275 = tpu.memref_slice %arg18[%dma_wait3A_273, %dma_wait3A_274] : memref<10240x24xf32, #tpu.memory_space<vmem_shared>> -> memref<10240x24xf32, #tpu.memory_space<vmem_shared>>
      tpu.wait_indirect_dma semaphore(%arg32 : memref<!tpu.dma_semaphore, #tpu.memory_space<semaphore_mem>>) src(%arg13 : memref<128x24xf32, #tpu.memory_space<vmem>>) dst(%dma_wait3A_275 : memref<10240x24xf32, #tpu.memory_space<vmem_shared>>)
      %dma_wait3A_276 = arith.constant 0 : i32
      %dma_wait3A_277 = tpu.memref_slice %arg7[%add3A_229, %dma_wait3A_276] : memref<160x128xi32, #tpu.memory_space<vmem>> -> memref<1x128xi32, #tpu.memory_space<vmem>>
      %dma_wait3A_278 = tpu.memref_squeeze %dma_wait3A_277 : memref<1x128xi32, #tpu.memory_space<vmem>> -> memref<128xi32, #tpu.memory_space<vmem>>
      %dma_wait3A_279 = arith.constant 0 : i32
      %dma_wait3A_280 = arith.constant 0 : i32
      %dma_wait3A_281 = tpu.memref_slice %arg18[%dma_wait3A_279, %dma_wait3A_280] : memref<10240x24xf32, #tpu.memory_space<vmem_shared>> -> memref<10240x24xf32, #tpu.memory_space<vmem_shared>>
      tpu.wait_indirect_dma semaphore(%arg33 : memref<!tpu.dma_semaphore, #tpu.memory_space<semaphore_mem>>) src(%arg14 : memref<128x24xf32, #tpu.memory_space<vmem>>) dst(%dma_wait3A_281 : memref<10240x24xf32, #tpu.memory_space<vmem_shared>>)
      %dma_wait3A_282 = arith.constant 0 : i32
      %dma_wait3A_283 = tpu.memref_slice %arg7[%add3A_246, %dma_wait3A_282] : memref<160x128xi32, #tpu.memory_space<vmem>> -> memref<1x128xi32, #tpu.memory_space<vmem>>
      %dma_wait3A_284 = tpu.memref_squeeze %dma_wait3A_283 : memref<1x128xi32, #tpu.memory_space<vmem>> -> memref<128xi32, #tpu.memory_space<vmem>>
      %dma_wait3A_285 = arith.constant 0 : i32
      %dma_wait3A_286 = arith.constant 0 : i32
      %dma_wait3A_287 = tpu.memref_slice %arg18[%dma_wait3A_285, %dma_wait3A_286] : memref<10240x24xf32, #tpu.memory_space<vmem_shared>> -> memref<10240x24xf32, #tpu.memory_space<vmem_shared>>
      tpu.wait_indirect_dma semaphore(%arg34 : memref<!tpu.dma_semaphore, #tpu.memory_space<semaphore_mem>>) src(%arg15 : memref<128x24xf32, #tpu.memory_space<vmem>>) dst(%dma_wait3A_287 : memref<10240x24xf32, #tpu.memory_space<vmem_shared>>)
      %dma_wait3A_288 = arith.constant 0 : i32
      %dma_wait3A_289 = tpu.memref_slice %arg7[%add3A_263, %dma_wait3A_288] : memref<160x128xi32, #tpu.memory_space<vmem>> -> memref<1x128xi32, #tpu.memory_space<vmem>>
      %dma_wait3A_290 = tpu.memref_squeeze %dma_wait3A_289 : memref<1x128xi32, #tpu.memory_space<vmem>> -> memref<128xi32, #tpu.memory_space<vmem>>
      %dma_wait3A_291 = arith.constant 0 : i32
      %dma_wait3A_292 = arith.constant 0 : i32
      %dma_wait3A_293 = tpu.memref_slice %arg18[%dma_wait3A_291, %dma_wait3A_292] : memref<10240x24xf32, #tpu.memory_space<vmem_shared>> -> memref<10240x24xf32, #tpu.memory_space<vmem_shared>>
      tpu.wait_indirect_dma semaphore(%arg35 : memref<!tpu.dma_semaphore, #tpu.memory_space<semaphore_mem>>) src(%arg16 : memref<128x24xf32, #tpu.memory_space<vmem>>) dst(%dma_wait3A_293 : memref<10240x24xf32, #tpu.memory_space<vmem_shared>>)
    }
    %scan3A_40 = arith.constant 20 : i32
    %barrier3A_41 = arith.constant 0 : index
    tpu.barrier barrier_id(%barrier3A_41)
    %mul3A_42 = arith.constant 640 : i32
    %mul3A_43 = arith.muli %arg1, %mul3A_42 : i32
    "tpu.region"() ({
      %run_scoped3A = tpu.sem_alloc : memref<!tpu.dma_semaphore, #tpu.memory_space<semaphore_mem>>
      %dma_start3A_46 = arith.constant 0 : i32
      %dma_start3A_47 = tpu.memref_slice %arg18[%mul3A_43, %dma_start3A_46] : memref<10240x24xf32, #tpu.memory_space<vmem_shared>> -> memref<640x24xf32, #tpu.memory_space<vmem_shared>>
      %dma_start3A_48 = arith.constant 0 : i32
      %dma_start3A_49 = tpu.memref_slice %arg18[%mul3A_43, %dma_start3A_48] : memref<10240x24xf32, #tpu.memory_space<vmem_shared>> -> memref<640x24xf32, #tpu.memory_space<vmem_shared>>
      tpu.enqueue_dma source(%dma_start3A_49 : memref<640x24xf32, #tpu.memory_space<vmem_shared>>) target(%arg17 : memref<640x24xf32, #tpu.memory_space<vmem>>) target_semaphore(%run_scoped3A : memref<!tpu.dma_semaphore, #tpu.memory_space<semaphore_mem>>)
      %dma_wait3A = arith.constant 0 : i32
      %dma_wait3A_50 = tpu.memref_slice %arg18[%mul3A_43, %dma_wait3A] : memref<10240x24xf32, #tpu.memory_space<vmem_shared>> -> memref<640x24xf32, #tpu.memory_space<vmem_shared>>
      %dma_wait3A_51 = arith.constant 0 : i32
      %dma_wait3A_52 = tpu.memref_slice %arg18[%mul3A_43, %dma_wait3A_51] : memref<10240x24xf32, #tpu.memory_space<vmem_shared>> -> memref<640x24xf32, #tpu.memory_space<vmem_shared>>
      tpu.wait_dma2 semaphore(%run_scoped3A : memref<!tpu.dma_semaphore, #tpu.memory_space<semaphore_mem>>) src(%dma_wait3A_52 : memref<640x24xf32, #tpu.memory_space<vmem_shared>>) dst(%arg17 : memref<640x24xf32, #tpu.memory_space<vmem>>)
      tpu.yield
    }) : () -> ()
    %mul3A_44 = arith.constant 640 : i32
    %mul3A_45 = arith.muli %arg1, %mul3A_44 : i32
    "tpu.region"() ({
      %run_scoped3A = tpu.sem_alloc : memref<!tpu.dma_semaphore, #tpu.memory_space<semaphore_mem>>
      %dma_start3A_46 = arith.constant 0 : i32
      %dma_start3A_47 = tpu.memref_slice %arg6[%arg0, %mul3A_45, %dma_start3A_46] : memref<2x10240x24xf32, #tpu.memory_space<hbm>> -> memref<1x640x24xf32, #tpu.memory_space<hbm>>
      %dma_start3A_48 = tpu.memref_squeeze %dma_start3A_47 : memref<1x640x24xf32, #tpu.memory_space<hbm>> -> memref<640x24xf32, #tpu.memory_space<hbm>>
      %dma_start3A_49 = arith.constant 0 : i32
      %dma_start3A_50 = tpu.memref_slice %arg6[%arg0, %mul3A_45, %dma_start3A_49] : memref<2x10240x24xf32, #tpu.memory_space<hbm>> -> memref<1x640x24xf32, #tpu.memory_space<hbm>>
      %dma_start3A_51 = tpu.memref_squeeze %dma_start3A_50 : memref<1x640x24xf32, #tpu.memory_space<hbm>> -> memref<640x24xf32, #tpu.memory_space<hbm>>
      tpu.enqueue_dma source(%arg17 : memref<640x24xf32, #tpu.memory_space<vmem>>) target(%dma_start3A_51 : memref<640x24xf32, #tpu.memory_space<hbm>>) target_semaphore(%run_scoped3A : memref<!tpu.dma_semaphore, #tpu.memory_space<semaphore_mem>>)
      %dma_wait3A = arith.constant 0 : i32
      %dma_wait3A_52 = tpu.memref_slice %arg6[%arg0, %mul3A_45, %dma_wait3A] : memref<2x10240x24xf32, #tpu.memory_space<hbm>> -> memref<1x640x24xf32, #tpu.memory_space<hbm>>
      %dma_wait3A_53 = tpu.memref_squeeze %dma_wait3A_52 : memref<1x640x24xf32, #tpu.memory_space<hbm>> -> memref<640x24xf32, #tpu.memory_space<hbm>>
      %dma_wait3A_54 = arith.constant 0 : i32
      %dma_wait3A_55 = tpu.memref_slice %arg6[%arg0, %mul3A_45, %dma_wait3A_54] : memref<2x10240x24xf32, #tpu.memory_space<hbm>> -> memref<1x640x24xf32, #tpu.memory_space<hbm>>
      %dma_wait3A_56 = tpu.memref_squeeze %dma_wait3A_55 : memref<1x640x24xf32, #tpu.memory_space<hbm>> -> memref<640x24xf32, #tpu.memory_space<hbm>>
      tpu.wait_dma2 semaphore(%run_scoped3A : memref<!tpu.dma_semaphore, #tpu.memory_space<semaphore_mem>>) src(%arg17 : memref<640x24xf32, #tpu.memory_space<vmem>>) dst(%dma_wait3A_56 : memref<640x24xf32, #tpu.memory_space<hbm>>)
      tpu.yield
    }) : () -> ()
    return
  }
}

module attributes {stable_mosaic.version = 14 : i64} {
  func.func @_mm_scale_body(%arg0: i32, %arg1: memref<2000x2xf32, #tpu.memory_space<vmem>>, %arg2: memref<2000x128xf32, #tpu.memory_space<vmem>>, %arg3: memref<128x16xf32, #tpu.memory_space<vmem>>, %arg4: memref<2000x16xf32, #tpu.memory_space<vmem>>) attributes {dimension_semantics = [#tpu.dimension_semantics<arbitrary>], iteration_bounds = array<i64: 5>, scalar_prefetch = 0 : i64, scratch_operands = 0 : i64, tpu.core_type = #tpu.core_type<tc>, window_params = [{transform_indices = @transform_0, window_bounds = array<i64: 2000, 2>}, {transform_indices = @transform_1, window_bounds = array<i64: 2000, 128>}, {pipeline_mode = #tpu.pipeline_mode<synchronous>, transform_indices = @transform_2, window_bounds = array<i64: 128, 16>}, {transform_indices = @transform_3, window_bounds = array<i64: 2000, 16>}]} {
    %get3A = arith.constant 0 : index
    %get3A_0 = arith.constant 0 : index
    %get3A_1 = vector.load %arg1[%get3A, %get3A_0] : memref<2000x2xf32, #tpu.memory_space<vmem>>, vector<2000x1xf32>
    %get3A_2 = vector.shape_cast %get3A_1 : vector<2000x1xf32> to vector<2000xf32>
    %add3A = arith.constant 1.000000e+00 : f32
    %add3A_3 = vector.broadcast %add3A : f32 to vector<2000xf32>
    %add3A_4 = arith.addf %add3A_3, %get3A_2 : vector<2000xf32>
    %get3A_5 = arith.constant 0 : index
    %get3A_6 = arith.constant 1 : index
    %get3A_7 = vector.load %arg1[%get3A_5, %get3A_6] : memref<2000x2xf32, #tpu.memory_space<vmem>>, vector<2000x1xf32>
    %get3A_8 = vector.shape_cast %get3A_7 : vector<2000x1xf32> to vector<2000xf32>
    %add3A_9 = arith.addf %add3A_4, %get3A_8 : vector<2000xf32>
    %rsqrt3A = math.rsqrt %add3A_9 : vector<2000xf32>
    %get3A_10 = arith.constant 0 : index
    %get3A_11 = arith.constant 0 : index
    %get3A_12 = vector.load %arg2[%get3A_10, %get3A_11] : memref<2000x128xf32, #tpu.memory_space<vmem>>, vector<2000x128xf32>
    %get3A_13 = arith.constant 0 : index
    %get3A_14 = arith.constant 0 : index
    %get3A_15 = vector.load %arg3[%get3A_13, %get3A_14] : memref<128x16xf32, #tpu.memory_space<vmem>>, vector<128x16xf32>
    %dot_general3A = arith.constant dense<0.000000e+00> : vector<2000x16xf32>
    %dot_general3A_16 = tpu.matmul %get3A_12, %get3A_15, %dot_general3A {dimension_numbers = #tpu.dot_dimension_numbers<[1], [0], [0], [1], [0, 0, 1, 1], [], []>, transpose_lhs_hint = false} : vector<2000x128xf32>, vector<128x16xf32>, vector<2000x16xf32> -> vector<2000x16xf32>
    %broadcast_in_dim3A = vector.shape_cast %rsqrt3A : vector<2000xf32> to vector<2000x1xf32>
    %mul3A = vector.broadcast %broadcast_in_dim3A : vector<2000x1xf32> to vector<2000x16xf32>
    %mul3A_17 = arith.mulf %dot_general3A_16, %mul3A : vector<2000x16xf32>
    %swap3A = arith.constant 0 : index
    %swap3A_18 = arith.constant 0 : index
    %swap3A_19 = vector.load %arg4[%swap3A, %swap3A_18] : memref<2000x16xf32, #tpu.memory_space<vmem>>, vector<2000x16xf32>
    tpu.vector_store %arg4[%swap3A, %swap3A_18], %mul3A_17 {strides = array<i32>} : memref<2000x16xf32, #tpu.memory_space<vmem>>, vector<2000x16xf32>,
    return
  }
  func.func @transform_0(%arg0: i32) -> (i32, i32) {
    %c0_i32 = arith.constant 0 : i32
    %c0_i32_0 = arith.constant 0 : i32
    return %arg0, %c0_i32 : i32, i32
  }
  func.func @transform_1(%arg0: i32) -> (i32, i32) {
    %c0_i32 = arith.constant 0 : i32
    %c0_i32_0 = arith.constant 0 : i32
    return %arg0, %c0_i32 : i32, i32
  }
  func.func @transform_2(%arg0: i32) -> (i32, i32) {
    %c0_i32 = arith.constant 0 : i32
    %c0_i32_0 = arith.constant 0 : i32
    %c0_i32_1 = arith.constant 0 : i32
    return %c0_i32, %c0_i32_0 : i32, i32
  }
  func.func @transform_3(%arg0: i32) -> (i32, i32) {
    %c0_i32 = arith.constant 0 : i32
    %c0_i32_0 = arith.constant 0 : i32
    return %arg0, %c0_i32 : i32, i32
  }
}

module attributes {stable_mosaic.version = 14 : i64} {
  func.func @_layer1_body(%arg0: i32, %arg1: memref<2000x2xf32, #tpu.memory_space<vmem>>, %arg2: memref<2x2000x8xf32, #tpu.memory_space<vmem>>, %arg3: memref<2000x16xf32, #tpu.memory_space<vmem>>, %arg4: memref<1x16xf32, #tpu.memory_space<vmem>>, %arg5: memref<16x48xf32, #tpu.memory_space<vmem>>, %arg6: memref<2000x48xf32, #tpu.memory_space<vmem>>) attributes {dimension_semantics = [#tpu.dimension_semantics<arbitrary>], iteration_bounds = array<i64: 5>, scalar_prefetch = 0 : i64, scratch_operands = 0 : i64, tpu.core_type = #tpu.core_type<tc>, window_params = [{transform_indices = @transform_0, window_bounds = array<i64: 2000, 2>}, {transform_indices = @transform_1, window_bounds = array<i64: 2, 2000, 8>}, {transform_indices = @transform_2, window_bounds = array<i64: 2000, 16>}, {pipeline_mode = #tpu.pipeline_mode<synchronous>, transform_indices = @transform_3, window_bounds = array<i64: 1, 16>}, {pipeline_mode = #tpu.pipeline_mode<synchronous>, transform_indices = @transform_4, window_bounds = array<i64: 16, 48>}, {transform_indices = @transform_5, window_bounds = array<i64: 2000, 48>}]} {
    %get3A = arith.constant 0 : index
    %get3A_0 = arith.constant 0 : index
    %get3A_1 = vector.load %arg1[%get3A, %get3A_0] : memref<2000x2xf32, #tpu.memory_space<vmem>>, vector<2000x1xf32>
    %get3A_2 = vector.shape_cast %get3A_1 : vector<2000x1xf32> to vector<2000xf32>
    %add3A = arith.constant 1.000000e+00 : f32
    %add3A_3 = vector.broadcast %add3A : f32 to vector<2000xf32>
    %add3A_4 = arith.addf %add3A_3, %get3A_2 : vector<2000xf32>
    %get3A_5 = arith.constant 0 : index
    %get3A_6 = arith.constant 1 : index
    %get3A_7 = vector.load %arg1[%get3A_5, %get3A_6] : memref<2000x2xf32, #tpu.memory_space<vmem>>, vector<2000x1xf32>
    %get3A_8 = vector.shape_cast %get3A_7 : vector<2000x1xf32> to vector<2000xf32>
    %add3A_9 = arith.addf %add3A_4, %get3A_8 : vector<2000xf32>
    %rsqrt3A = math.rsqrt %add3A_9 : vector<2000xf32>
    %get3A_10 = arith.constant 0 : index
    %get3A_11 = arith.constant 0 : index
    %get3A_12 = arith.constant 0 : index
    %get3A_13 = vector.load %arg2[%get3A_10, %get3A_11, %get3A_12] : memref<2x2000x8xf32, #tpu.memory_space<vmem>>, vector<1x2000x8xf32>
    %get3A_14 = vector.shape_cast %get3A_13 : vector<1x2000x8xf32> to vector<2000x8xf32>
    %get3A_15 = arith.constant 1 : index
    %get3A_16 = arith.constant 0 : index
    %get3A_17 = arith.constant 0 : index
    %get3A_18 = vector.load %arg2[%get3A_15, %get3A_16, %get3A_17] : memref<2x2000x8xf32, #tpu.memory_space<vmem>>, vector<1x2000x8xf32>
    %get3A_19 = vector.shape_cast %get3A_18 : vector<1x2000x8xf32> to vector<2000x8xf32>
    %concatenate3A = tpu.concatenate %get3A_14, %get3A_19 in 1 : vector<2000x8xf32>, vector<2000x8xf32> -> vector<2000x16xf32>
    %get3A_20 = arith.constant 0 : index
    %get3A_21 = arith.constant 0 : index
    %get3A_22 = vector.load %arg3[%get3A_20, %get3A_21] : memref<2000x16xf32, #tpu.memory_space<vmem>>, vector<2000x16xf32>
    %add3A_23 = arith.addf %concatenate3A, %get3A_22 : vector<2000x16xf32>
    %broadcast_in_dim3A = vector.shape_cast %rsqrt3A : vector<2000xf32> to vector<2000x1xf32>
    %mul3A = vector.broadcast %broadcast_in_dim3A : vector<2000x1xf32> to vector<2000x16xf32>
    %mul3A_24 = arith.mulf %add3A_23, %mul3A : vector<2000x16xf32>
    %get3A_25 = arith.constant 0 : index
    %get3A_26 = arith.constant 0 : index
    %get3A_27 = vector.load %arg4[%get3A_25, %get3A_26] : memref<1x16xf32, #tpu.memory_space<vmem>>, vector<1x16xf32>
    %add3A_28 = vector.broadcast %get3A_27 : vector<1x16xf32> to vector<2000x16xf32>
    %add3A_29 = arith.addf %mul3A_24, %add3A_28 : vector<2000x16xf32>
    %max3A = arith.constant 0.000000e+00 : f32
    %max3A_30 = vector.broadcast %max3A : f32 to vector<2000x16xf32>
    %max3A_31 = arith.maximumf %add3A_29, %max3A_30 : vector<2000x16xf32>
    %get3A_32 = arith.constant 0 : index
    %get3A_33 = arith.constant 0 : index
    %get3A_34 = vector.load %arg5[%get3A_32, %get3A_33] : memref<16x48xf32, #tpu.memory_space<vmem>>, vector<16x48xf32>
    %dot_general3A = arith.constant dense<0.000000e+00> : vector<2000x48xf32>
    %dot_general3A_35 = tpu.matmul %max3A_31, %get3A_34, %dot_general3A {dimension_numbers = #tpu.dot_dimension_numbers<[1], [0], [0], [1], [0, 0, 1, 1], [], []>, transpose_lhs_hint = false} : vector<2000x16xf32>, vector<16x48xf32>, vector<2000x48xf32> -> vector<2000x48xf32>
    %broadcast_in_dim3A_36 = vector.shape_cast %rsqrt3A : vector<2000xf32> to vector<2000x1xf32>
    %mul3A_37 = vector.broadcast %broadcast_in_dim3A_36 : vector<2000x1xf32> to vector<2000x48xf32>
    %mul3A_38 = arith.mulf %dot_general3A_35, %mul3A_37 : vector<2000x48xf32>
    %swap3A = arith.constant 0 : index
    %swap3A_39 = arith.constant 0 : index
    %swap3A_40 = vector.load %arg6[%swap3A, %swap3A_39] : memref<2000x48xf32, #tpu.memory_space<vmem>>, vector<2000x48xf32>
    tpu.vector_store %arg6[%swap3A, %swap3A_39], %mul3A_38 {strides = array<i32>} : memref<2000x48xf32, #tpu.memory_space<vmem>>, vector<2000x48xf32>,
    return
  }
  func.func @transform_0(%arg0: i32) -> (i32, i32) {
    %c0_i32 = arith.constant 0 : i32
    %c0_i32_0 = arith.constant 0 : i32
    return %arg0, %c0_i32 : i32, i32
  }
  func.func @transform_1(%arg0: i32) -> (i32, i32, i32) {
    %c0_i32 = arith.constant 0 : i32
    %c0_i32_0 = arith.constant 0 : i32
    %c0_i32_1 = arith.constant 0 : i32
    return %c0_i32, %arg0, %c0_i32_0 : i32, i32, i32
  }
  func.func @transform_2(%arg0: i32) -> (i32, i32) {
    %c0_i32 = arith.constant 0 : i32
    %c0_i32_0 = arith.constant 0 : i32
    return %arg0, %c0_i32 : i32, i32
  }
  func.func @transform_3(%arg0: i32) -> (i32, i32) {
    %c0_i32 = arith.constant 0 : i32
    %c0_i32_0 = arith.constant 0 : i32
    %c0_i32_1 = arith.constant 0 : i32
    return %c0_i32, %c0_i32_0 : i32, i32
  }
  func.func @transform_4(%arg0: i32) -> (i32, i32) {
    %c0_i32 = arith.constant 0 : i32
    %c0_i32_0 = arith.constant 0 : i32
    %c0_i32_1 = arith.constant 0 : i32
    return %c0_i32, %c0_i32_0 : i32, i32
  }
  func.func @transform_5(%arg0: i32) -> (i32, i32) {
    %c0_i32 = arith.constant 0 : i32
    %c0_i32_0 = arith.constant 0 : i32
    return %arg0, %c0_i32 : i32, i32
  }
}

module attributes {stable_mosaic.version = 14 : i64} {
  func.func @_layer2_body(%arg0: i32, %arg1: memref<2000x2xf32, #tpu.memory_space<vmem>>, %arg2: memref<2x2000x24xf32, #tpu.memory_space<vmem>>, %arg3: memref<2000x48xf32, #tpu.memory_space<vmem>>, %arg4: memref<1x40xf32, #tpu.memory_space<vmem>>, %arg5: memref<2000x40xf32, #tpu.memory_space<vmem>>) attributes {dimension_semantics = [#tpu.dimension_semantics<arbitrary>], iteration_bounds = array<i64: 5>, scalar_prefetch = 0 : i64, scratch_operands = 0 : i64, tpu.core_type = #tpu.core_type<tc>, window_params = [{transform_indices = @transform_0, window_bounds = array<i64: 2000, 2>}, {transform_indices = @transform_1, window_bounds = array<i64: 2, 2000, 24>}, {transform_indices = @transform_2, window_bounds = array<i64: 2000, 48>}, {pipeline_mode = #tpu.pipeline_mode<synchronous>, transform_indices = @transform_3, window_bounds = array<i64: 1, 40>}, {transform_indices = @transform_4, window_bounds = array<i64: 2000, 40>}]} {
    %get3A = arith.constant 0 : index
    %get3A_0 = arith.constant 0 : index
    %get3A_1 = vector.load %arg1[%get3A, %get3A_0] : memref<2000x2xf32, #tpu.memory_space<vmem>>, vector<2000x1xf32>
    %get3A_2 = vector.shape_cast %get3A_1 : vector<2000x1xf32> to vector<2000xf32>
    %add3A = arith.constant 1.000000e+00 : f32
    %add3A_3 = vector.broadcast %add3A : f32 to vector<2000xf32>
    %add3A_4 = arith.addf %add3A_3, %get3A_2 : vector<2000xf32>
    %get3A_5 = arith.constant 0 : index
    %get3A_6 = arith.constant 1 : index
    %get3A_7 = vector.load %arg1[%get3A_5, %get3A_6] : memref<2000x2xf32, #tpu.memory_space<vmem>>, vector<2000x1xf32>
    %get3A_8 = vector.shape_cast %get3A_7 : vector<2000x1xf32> to vector<2000xf32>
    %add3A_9 = arith.addf %add3A_4, %get3A_8 : vector<2000xf32>
    %rsqrt3A = math.rsqrt %add3A_9 : vector<2000xf32>
    %get3A_10 = arith.constant 0 : index
    %get3A_11 = arith.constant 0 : index
    %get3A_12 = arith.constant 0 : index
    %get3A_13 = vector.load %arg2[%get3A_10, %get3A_11, %get3A_12] : memref<2x2000x24xf32, #tpu.memory_space<vmem>>, vector<1x2000x24xf32>
    %get3A_14 = vector.shape_cast %get3A_13 : vector<1x2000x24xf32> to vector<2000x24xf32>
    %get3A_15 = arith.constant 1 : index
    %get3A_16 = arith.constant 0 : index
    %get3A_17 = arith.constant 0 : index
    %get3A_18 = vector.load %arg2[%get3A_15, %get3A_16, %get3A_17] : memref<2x2000x24xf32, #tpu.memory_space<vmem>>, vector<1x2000x24xf32>
    %get3A_19 = vector.shape_cast %get3A_18 : vector<1x2000x24xf32> to vector<2000x24xf32>
    %concatenate3A = tpu.concatenate %get3A_14, %get3A_19 in 1 : vector<2000x24xf32>, vector<2000x24xf32> -> vector<2000x48xf32>
    %slice3A = vector.extract_strided_slice %concatenate3A {offsets = [0, 0], sizes = [2000, 40], strides = [1, 1]} : vector<2000x48xf32> to vector<2000x40xf32>
    %get3A_20 = arith.constant 0 : index
    %get3A_21 = arith.constant 0 : index
    %get3A_22 = vector.load %arg3[%get3A_20, %get3A_21] : memref<2000x48xf32, #tpu.memory_space<vmem>>, vector<2000x40xf32>
    %add3A_23 = arith.addf %slice3A, %get3A_22 : vector<2000x40xf32>
    %broadcast_in_dim3A = vector.shape_cast %rsqrt3A : vector<2000xf32> to vector<2000x1xf32>
    %mul3A = vector.broadcast %broadcast_in_dim3A : vector<2000x1xf32> to vector<2000x40xf32>
    %mul3A_24 = arith.mulf %add3A_23, %mul3A : vector<2000x40xf32>
    %get3A_25 = arith.constant 0 : index
    %get3A_26 = arith.constant 0 : index
    %get3A_27 = vector.load %arg4[%get3A_25, %get3A_26] : memref<1x40xf32, #tpu.memory_space<vmem>>, vector<1x40xf32>
    %add3A_28 = vector.broadcast %get3A_27 : vector<1x40xf32> to vector<2000x40xf32>
    %add3A_29 = arith.addf %mul3A_24, %add3A_28 : vector<2000x40xf32>
    %reduce_max3A = arith.constant dense<0xFF800000> : vector<2000xf32>
    %reduce_max3A_30 = vector.multi_reduction <maximumf>, %add3A_29, %reduce_max3A [1] : vector<2000x40xf32> to vector<2000xf32>
    %broadcast_in_dim3A_31 = vector.shape_cast %reduce_max3A_30 : vector<2000xf32> to vector<2000x1xf32>
    %sub3A = vector.broadcast %broadcast_in_dim3A_31 : vector<2000x1xf32> to vector<2000x40xf32>
    %sub3A_32 = arith.subf %add3A_29, %sub3A : vector<2000x40xf32>
    %exp3A = math.exp %sub3A_32 : vector<2000x40xf32>
    %reduce_sum3A = arith.constant dense<0.000000e+00> : vector<2000xf32>
    %reduce_sum3A_33 = vector.multi_reduction <add>, %exp3A, %reduce_sum3A [1] : vector<2000x40xf32> to vector<2000xf32>
    %broadcast_in_dim3A_34 = vector.shape_cast %reduce_sum3A_33 : vector<2000xf32> to vector<2000x1xf32>
    %log3A = math.log %broadcast_in_dim3A_34 : vector<2000x1xf32>
    %add3A_35 = arith.addf %log3A, %broadcast_in_dim3A_31 : vector<2000x1xf32>
    %sub3A_36 = vector.broadcast %add3A_35 : vector<2000x1xf32> to vector<2000x40xf32>
    %sub3A_37 = arith.subf %add3A_29, %sub3A_36 : vector<2000x40xf32>
    %swap3A = arith.constant 0 : index
    %swap3A_38 = arith.constant 0 : index
    %swap3A_39 = vector.load %arg5[%swap3A, %swap3A_38] : memref<2000x40xf32, #tpu.memory_space<vmem>>, vector<2000x40xf32>
    tpu.vector_store %arg5[%swap3A, %swap3A_38], %sub3A_37 {strides = array<i32>} : memref<2000x40xf32, #tpu.memory_space<vmem>>, vector<2000x40xf32>,
    return
  }
  func.func @transform_0(%arg0: i32) -> (i32, i32) {
    %c0_i32 = arith.constant 0 : i32
    %c0_i32_0 = arith.constant 0 : i32
    return %arg0, %c0_i32 : i32, i32
  }
  func.func @transform_1(%arg0: i32) -> (i32, i32, i32) {
    %c0_i32 = arith.constant 0 : i32
    %c0_i32_0 = arith.constant 0 : i32
    %c0_i32_1 = arith.constant 0 : i32
    return %c0_i32, %arg0, %c0_i32_0 : i32, i32, i32
  }
  func.func @transform_2(%arg0: i32) -> (i32, i32) {
    %c0_i32 = arith.constant 0 : i32
    %c0_i32_0 = arith.constant 0 : i32
    return %arg0, %c0_i32 : i32, i32
  }
  func.func @transform_3(%arg0: i32) -> (i32, i32) {
    %c0_i32 = arith.constant 0 : i32
    %c0_i32_0 = arith.constant 0 : i32
    %c0_i32_1 = arith.constant 0 : i32
    return %c0_i32, %c0_i32_0 : i32, i32
  }
  func.func @transform_4(%arg0: i32) -> (i32, i32) {
    %c0_i32 = arith.constant 0 : i32
    %c0_i32_0 = arith.constant 0 : i32
    return %arg0, %c0_i32 : i32, i32
  }
}

</mosaic_0001>

<sc_bundles>
// kernel: kernel.11.cloned.1.call-start
scs
__scs_entry_jumppad:
0x0: {  	(pc) =	sbr.rel $0x88, $3  }
0x1: {  	(tag) =	ssettag $0x0;
	lr =	simm.s32 $0x1  }
0x2: {  	[smem:$0x3F9B] =	sst lr;
	_ =	strace $0xD0000000  }
0x3: {  	_ = 	snop  }
0x4: {  	_ = 	snop  }
0x5: {  	_ = 	snop  }
0x6: {  	_ = 	snop  }
0x7: {  	_ = 	snop  }
__scs_overlays_trampoline_lowered:
0x8: {  	[smem:$0x3FAA] =	sst s0  }
0x9: {  	[smem:$0x3FAB] =	sst s1  }
0xa: {  	[smem:$0x3FAC] =	sst s2  }
0xb: {  	[smem:$0x3FAD] =	sst s3  }
0xc: {  	[smem:$0x3FAE] =	sst s4  }
0xd: {  	[smem:$0x3FAF] =	sst s5  }
0xe: {  	[smem:$0x3FB0] =	sst s6  }
0xf: {  	[smem:$0x3FB1] =	sst s7  }
0x10: {  	[smem:$0x3FB2] =	sst s8  }
0x11: {  	[smem:$0x3FB3] =	sst s9;
	s0 =	simm.s32 @!p0 $0x0  }
0x12: {  	s1 =	sld [smem:$0x3F99];
	s0 =	simm.s32 @p0 $0x1  }
0x13: {  	[smem:$0x3FB4] =	sst s0;
	s0 =	simm.s32 @!p1 $0x0  }
0x14: {  	s2 =	sld [smem:$0x3F98];
	s0 =	simm.s32 @p1 $0x1  }
0x15: {  	[smem:$0x3FB5] =	sst s0;
	s0 =	simm.s32 @!p2 $0x0  }
0x16: {  	s3 =	sld [smem:$0x3FDB];
	s0 =	simm.s32 @p2 $0x1  }
0x17: {  	s4 =	simm.s32 $0x1BF5;
	[smem:$0x3FB7] =	sst s0  }
0x18: {  	s0 =	sld [smem:$0x3F9A];
	_ =	swait.ge [sflag:s4], $0x0  }
0x19: {  	s7 =	sld [smem:$0x3F9B]  }
0x1a: {  	s8 =	sadd.s32 $0xFFFFE003, lr  }
0x1b: {  	s9 =	sadd.s32 $0xFFFFFEF7, lr;
	s5 =	simm.s32 $0xFFFFFFFF;
	p2 =	slt.u32 s8, $0xFFFFF086  }
0x1c: {  	p1 =	slt.u32 s9, $0xF7A;
	s5 =	simm.s32 @!p2 $0x0  }
0x1d: {  	s5 =	simm.s32 @p1 $0x1;
	p0 =	seq.s32 s7, s2  }
0x1e: {  	s7 =	smul.u32 @!p0 $0xF7A, s2;
	p2 =	seq.s32 @!p0 s5, $0x0  }
0x1f: {  	s9 =	smul.u32 $0xF7A, s1;
	s8 =	simm.s32 @!p0 $0x1BF5;
	p2 =	por !p2, p0  }
0x20: {  	[sflag:s8] =	ssyncset.s32 @!p0 $0xFFFFF086;
	s6 =	sadd.s32 @!p0 s3, s7;
	s7 =	simm.s32 @!p0 $0x108  }
0x21: {  	s3 =	sadd.s32 s3, s9;
	s6 =	sadd.s32 @!p0 $0x88, s6;
	s7 =	simm.s32 @p2 $0x1082  }
0x22: {  	[simem:s7], [sflag:s8] =	dma.local @!p0 [hbm:s6], $0xF7A  }
0x23: {  	s9 =	sor.u32 $0xD0000000, s2;
	s6 =	simm.s32 $0x108;
	_ =	swait.ge @!p0 [sflag:s8], $0x0  }
0x24: {  	s3 =	sadd.s32 $0x88, s3;
	s6 =	simm.s32 @!p1 $0x1082;
	[sflag:s4] =	ssyncset.s32 $0xFFFFF086  }
0x25: {  	[simem:s6], [sflag:s4] =	dma.local [hbm:s3], $0xF7A  }
0x26: {  	[smem:$0x3F9B] =	sst s1;
	(tag) =	ssettag s2;
	_ =	strace s9  }
0x27: {  	s1 =	sld [smem:$0x3FAB]  }
0x28: {  	s2 =	sld [smem:$0x3FAC]  }
0x29: {  	s4 =	sld [smem:$0x3FAE]  }
0x2a: {  	p0 =	seq.s32 s5, $0x0;
	s5 =	sld [smem:$0x3FAF]  }
0x2b: {  	s6 =	sld [smem:$0x3FB0]  }
0x2c: {  	s7 =	sld [smem:$0x3FB1]  }
0x2d: {  	s3 =	simm.s32 $0x108;
	s8 =	sld [smem:$0x3FB2]  }
0x2e: {  	s3 =	simm.s32 @!p0 $0x1082;
	s9 =	sld [smem:$0x3FB3]  }
0x2f: {  	lr =	sadd.s32 s0, s3;
	s0 =	sld [smem:$0x3FAA]  }
0x30: {  	s3 =	sld [smem:$0x3FAD]  }
0x31: {  	[smem:$0x3FB6] =	sst s10  }
0x32: {  	s10 =	sld [smem:$0x3FB4];
	_ =	sdelay $0x3  }
0x33: {  	p0 =	seq.s32 s10, $0x1;
	s10 =	sld [smem:$0x3FB6];
	_ =	sdelay $0x3  }
0x34: {  	[smem:$0x3FB6] =	sst s10  }
0x35: {  	s10 =	sld [smem:$0x3FB5];
	_ =	sdelay $0x3  }
0x36: {  	p1 =	seq.s32 s10, $0x1;
	s10 =	sld [smem:$0x3FB6];
	_ =	sdelay $0x3  }
0x37: {  	[smem:$0x3FB6] =	sst s10  }
0x38: {  	s10 =	sld [smem:$0x3FB7]  }
0x39: {  	_ = 	snop;
	(pc) =	sbr.ind lr, $3  }
0x3a: {  	_ = 	snop  }
0x3b: {  	_ = 	snop  }
0x3c: {  	p2 =	seq.s32 s10, $0x1;
	s10 =	sld [smem:$0x3FB6]  }
0x3d: {  	_ =	shalt  }
0x3e: {  	_ =	shalt  }
0x3f: {  	_ =	shalt  }
0x40: {  	_ =	shalt  }
0x41: {  	_ =	shalt  }
0x42: {  	_ =	shalt  }
0x43: {  	_ =	shalt  }
0x44: {  	_ =	shalt  }
0x45: {  	_ =	shalt  }
0x46: {  	_ =	shalt  }
0x47: {  	_ =	shalt  }
0x48: {  	_ =	shalt  }
0x49: {  	_ =	shalt  }
0x4a: {  	_ =	shalt  }
0x4b: {  	_ =	shalt  }
0x4c: {  	_ =	shalt  }
0x4d: {  	_ =	shalt  }
0x4e: {  	_ =	shalt  }
0x4f: {  	_ =	shalt  }
0x50: {  	_ =	shalt  }
0x51: {  	_ =	shalt  }
0x52: {  	_ =	shalt  }
0x53: {  	_ =	shalt  }
0x54: {  	_ =	shalt  }
0x55: {  	_ =	shalt  }
0x56: {  	_ =	shalt  }
0x57: {  	_ =	shalt  }
0x58: {  	_ =	shalt  }
0x59: {  	_ =	shalt  }
0x5a: {  	_ =	shalt  }
0x5b: {  	_ =	shalt  }
0x5c: {  	_ =	shalt  }
0x5d: {  	_ =	shalt  }
0x5e: {  	_ =	shalt  }
0x5f: {  	_ =	shalt  }
0x60: {  	_ =	shalt  }
0x61: {  	_ =	shalt  }
0x62: {  	_ =	shalt  }
0x63: {  	_ =	shalt  }
0x64: {  	_ =	shalt  }
0x65: {  	_ =	shalt  }
0x66: {  	_ =	shalt  }
0x67: {  	_ =	shalt  }
0x68: {  	_ =	shalt  }
0x69: {  	_ =	shalt  }
0x6a: {  	_ =	shalt  }
0x6b: {  	_ =	shalt  }
0x6c: {  	_ =	shalt  }
0x6d: {  	_ =	shalt  }
0x6e: {  	_ =	shalt  }
0x6f: {  	_ =	shalt  }
0x70: {  	_ =	shalt  }
0x71: {  	_ =	shalt  }
0x72: {  	_ =	shalt  }
0x73: {  	_ =	shalt  }
0x74: {  	_ =	shalt  }
0x75: {  	_ =	shalt  }
0x76: {  	_ =	shalt  }
0x77: {  	_ =	shalt  }
0x78: {  	_ =	shalt  }
0x79: {  	_ =	shalt  }
0x7a: {  	_ =	shalt  }
0x7b: {  	_ =	shalt  }
0x7c: {  	_ =	shalt  }
0x7d: {  	_ =	shalt  }
0x7e: {  	_ =	shalt  }
0x7f: {  	_ =	shalt  }
0x80: {  	_ =	shalt  }
0x81: {  	_ =	shalt  }
0x82: {  	_ =	shalt  }
0x83: {  	_ =	shalt  }
0x84: {  	_ =	shalt  }
0x85: {  	_ =	shalt  }
0x86: {  	_ =	shalt  }
0x87: {  	_ =	shalt  }
.Lfunc_end0:
.L_simem_size_0:
called_computation.1_lowered:
.L_overlay_start_0:
0x88: {  	s2 =	sld [smem:$0x3FD9]  }
0x89: {  	s3 =	sld [smem:$0x3FFE];
	_ =	sdelay $0x1  }
0x8a: {  	s1 =	srdreg.scid  }
0x8b: {  	s0 =	sand.u32 $0x1, s1  }
0x8c: {  	s17 =	sshll.u32 s0, $0xA;
	s2 =	sadd.s32 s3, s2  }
0x8d: {  	s2 =	sadd.s32 s2, s17  }
0x8e: {  	[smem:$0x3FC2] =	sst s2  }
0x8f: {  	_ = 	snop  }
0x90: {  	s2 =	sld [smem:$0x3FD0];
	(tm) =	ssettm $0x1  }
0x91: {  	s18 =	sld [smem:$0x3FFB];
	_ =	sdelay $0x3  }
0x92: {  	_ =	strace s18  }
0x93: {  	s3 =	sld [smem:$0x3FFC];
	_ =	sdelay $0x3  }
0x94: {  	_ =	strace s3  }
0x95: {  	s3 =	sld [smem:$0x3FFD];
	_ =	sdelay $0x3  }
0x96: {  	_ =	strace s3  }
0x97: {  	_ =	strace $0x8FFFFFFF  }
0x98: {  	s19 =	sld [smem:$0x3FDB];
	_ =	sdelay $0x1  }
0x99: {  	s4 =	simm.s32 $_scs_section_size  }
0x9a: {  	s5 =	simm.s32 $_size__tile_overlayer_lowered;
	s6 =	simm.s32 $_tile_overlayer_lowered  }
0x9b: {  	s22 =	simm.s32 $0x1BFF;
	s21 =	sshll.u32 s6, $0x1;
	s3 =	sadd.s32 s4, s19  }
0x9c: {  	s7 =	simm.s32 $0x0;
	s20 =	sshll.u32 s5, $0x1;
	s5 =	sadd.s32 s21, s3  }
0x9d: {  	[timem:s7], [sflag:s22] =	dma.local [hbm:s5], s20  }
0x9e: {  	_ =	swait.ge [sflag:s22], s20  }
0x9f: {  	s4 =	ssub.s32 $0x0, s20;
	[sflag:s22] =	ssyncset.done $0x0  }
0xa0: {  	[sflag:s22] =	ssyncadd.s32 s4;
	_ =	sdelay $0x1  }
0xa1: {  	s23 =	simm.s32 $0x1B8B  }
0xa2: {  	_ =	swait.ge [sflag:s23], $0x1  }
0xa3: {  	[sflag:s23] =	ssyncset.done $0x0  }
0xa4: {  	s25 =	simm.s32 $0x1B8E;
	s24 =	sld [smem:$0x3FFE];
	[sflag:s23] =	ssyncadd.s32 $0xFFFFFFFF  }
0xa5: {  	s26 =	simm.s32 $execute0_lowered;
	[smem:$0x3FD2] =	sst s25  }
0xa6: {  	s5 =	sshll.u32 s26, $0x1;
	_ =	strace $0x80000049;
	[dreg:$0x1] =	wrdreg $0xFFFFFFFF  }
0xa7: {  	s28 =	simm.s32 $_size_execute0_lowered;
	s3 =	sadd.s32 s3, s5;
	[dreg:$0x0] =	wrdreg $0x0  }
0xa8: {  	s5 =	sshll.u32 s28, $0x1;
	[dreg:$0x2] =	wrdreg s3  }
0xa9: {  	[dreg:$0x3] =	wrdreg s5  }
0xaa: {  	[dreg:$0x4] =	wrdreg $0xC0  }
0xab: {  	_ =	task [dreg:s7], $0x5FFFF  }
0xac: {  	[dreg:$0x1] =	wrdreg $0xFFFFFFFF  }
0xad: {  	[dreg:$0x0] =	wrdreg $0x60  }
0xae: {  	[dreg:$0x2] =	wrdreg s2  }
0xaf: {  	[dreg:$0x3] =	wrdreg s24  }
0xb0: {  	[dreg:$0x4] =	wrdreg $0xE8000  }
0xb1: {  	[dreg:$0x5] =	wrdreg $0xD4000  }
0xb2: {  	[dreg:$0x6] =	wrdreg $0x9  }
0xb3: {  	_ =	task.clear_ibuf [dreg:s7], $0x7FFFF;
	_ =	strace $0x90000049  }
0xb4: {  	s29 =	simm.s32 $0x9;
	_ =	strace $0x8000004B  }
0xb5: {  	_ =	swait.ge [sflag:s29], $0x1  }
0xb6: {  	[sflag:s29] =	ssyncadd.s32 $0xFFFFFFFF  }
0xb7: {  	_ =	strace $0x9000004B  }
0xb8: {  	_ =	sfence  }
0xb9: {  	s30 =	sld [smem:$0x0];
	_ =	sdelay $0x2  }
0xba: {  	s31 =	sshll.u32 s1, $0xD;
	s1 =	sshrl.u32 s1, $0x2  }
0xbb: {  	s3 =	sand.u32 $0x4000, s31;
	s1 =	sadd.s32 s1, s30  }
0xbc: {  	s0 =	sor.u32 s3, s0;
	s1 =	sshll.u32 s1, $0x11  }
0xbd: {  	s0 =	sor.u32 s1, s0  }
0xbe: {  	s0 =	sadd.s32 $0x8F2B, s0  }
0xbf: {  	[sflag:s0] =	ssyncadd.remote.s32 $0x1  }
0xc0: {  	_ =	sfence.sel $0xFFFF  }
0xc1: {  	[dreg:$0x0] =	wrdreg $0xFFFFFFFF;
	(pc) =	sbr.abs _section_cstart, $3  }
0xc2: {  	[dreg:$0x1] =	wrdreg $0xFFFFFFFF  }
0xc3: {  	_ =	task.clear_ibuf [dreg:s7], $0x2FFFF;
	_ =	strace $0x9FFFFFFF  }
0xc4: {  	(tm) =	ssettm $0x7FFFFFFF  }
0xc5: {  	_ =	shalt  }
tec
execute0_lowered:
.L_overlay_start_1:
0x0: {  	(tag) =	ssettag $0x1  }
0x1: {  	s0 =	rddreg [dreg:$0x0]  }
0x2: {  	s1 =	rddreg [dreg:$0x1]  }
0x3: {  	s2 =	rddreg [dreg:$0x2]  }
0x4: {  	s3 =	rddreg [dreg:$0x3]  }
0x5: {  	s12 =	stileid.u32;
	s15 =	simm.s32 $0x0;
	s5 =	srdreg.scid  }
0x6: {  	s13 =	simm.s32 $0x8;
	s14 =	simm.s32 $0x10;
	s19 =	simm.s32 $0x11  }
0x7: {  	s18 =	simm.s32 $0x80;
	s28 =	simm.s32 $0xB400;
	s4 =	smul.u32 $0xA00, s12  }
0x8: {  	s29 =	simm.s32 $0xB800;
	s30 =	simm.s32 $0xBC00;
	s6 =	smul.u32 $0x1400, s12  }
0x9: {  	s31 =	simm.s32 $0x1;
	s17 =	simm.s32 $0xD;
	s11 =	smul.u32 $0x4E2, s12  }
0xa: {  	[smem:$0x7FF] =	sst s15;
	s5 =	sand.u32 $0x1, s5;
	s12 =	smul.u32 $0x4E20, s12  }
0xb: {  	_ =	strace $0x8000004A;
	s7 =	smul.u32 $0x14000, s5;
	s9 =	sadd.s32 s5, s1  }
0xc: {  	s5 =	ssub.s32 $0x2, s5;
	s8 =	sadd.s32 s4, s1;
	s10 =	sshrl.u32 s6, $0x3  }
0xd: {  	s20 =	sshrl.u32 s5, $0x1;
	s9 =	sadd.s32 s11, s9;
	s22 =	sshrl.u32 s12, $0x2  }
0xe: {  	s16 =	sadd.s32 s6, s3;
	s0 =	sadd.s32 s0, s4;
	s11 =	simm.s32 $0xE  }
0xf: {  	s12 =	simm.s32 $0xF;
	s10 =	sadd.s32 s10, s1;
	s7 =	sadd.s32 s6, s7  }
0x10: {  	s5 =	ssub.s32 s5, s20;
	s21 =	sadd.s32 $0xC400, s9;
	[dreg:$0x9] =	wrdreg s0  }
0x11: {  	s24 =	sadd.s32 $0x2400, s8;
	s8 =	simm.s32 $0xC000;
	s0 =	simm.s32 $0x2  }
0x12: {  	s20 =	simm.s32 $0x4;
	s6 =	simm.s32 $0xC;
	[dreg:$0x8] =	wrdreg s16  }
0x13: {  	s9 =	simm.s32 $0x6;
	s7 =	sshrl.u32 s7, $0x3;
	[dreg:$0x5] =	wrdreg s21  }
0x14: {  	s23 =	sadd.s32 $0x11400, s10;
	[dreg:$0xa] =	wrdreg s24;
	s26 =	smax.u32 s5, $0x1  }
0x15: {  	s24 =	simm.s32 $0xA;
	s5 =	simm.s32 $0xB;
	s10 =	simm.s32 $0x7  }
0x16: {  	s21 =	simm.s32 $0x0;
	s1 =	sadd.s32 s7, s1;
	[dreg:$0x7] =	wrdreg s23  }
0x17: {  	s7 =	sadd.s32 s22, s2;
	[dreg:$0xc] =	wrdreg s26;
	s26 =	simm.s32 $0xB000  }
0x18: {  	s22 =	simm.s32 $0x9;
	[dreg:$0x6] =	wrdreg s7;
	s25 =	sadd.s32 $0x13C00, s1  }
0x19: {  	s1 =	simm.s32 $0x3;
	s7 =	simm.s32 $0x5;
	[dreg:$0xb] =	wrdreg s25  }
.LBB2_1:
0x1a: {  	[dreg:$0xd] =	wrdreg s21  }
0x1b: {  	s4 =	rddreg [dreg:$0x5]  }
0x1c: {  	[tilespmem:s8], [sflag:$0x11] =	stream.strided.gather [hbm4b:s4+s13], $0x1388, s14, s13, $0x38;
	[tilespmem:$0xFB88] =	vst v63  }
0x1d: {  	_ =	swait.ge [sflag:s19], $0x1388  }
0x1e: {  	[sflag:s19] =	ssyncset.done $0x0  }
0x1f: {  	s21 =	rddreg [dreg:$0x6];
	[sflag:s19] =	ssyncadd.s32 $0xFFFFEC78  }
0x20: {  	[spmem:s21] =	stream.linear.scatter [tilespmem:s8], [sflag:$0x11], $0x1388, $0x38;
	[tilespmem:$0xFB88] =	vst v63  }
0x21: {  	_ =	swait.ge [sflag:s19], $0x1388  }
0x22: {  	[sflag:s19] =	ssyncset.done $0x0  }
0x23: {  	s23 =	rddreg [dreg:$0x7];
	[sflag:s19] =	ssyncadd.s32 $0xFFFFEC78  }
0x24: {  	[tilespmem:s8], [sflag:$0x11] =	stream.linear.gather [hbm4b:s23+s15], $0x1400, $0x38;
	[tilespmem:$0xFB88] =	vst v63  }
0x25: {  	_ =	swait.ge [sflag:s19], $0x1400  }
0x26: {  	[sflag:s19] =	ssyncset.done $0x0  }
0x27: {  	[sflag:s19] =	ssyncadd.s32 $0xFFFFEC00  }
0x28: {  	[spmem:s16] =	stream.linear.scatter [tilespmem:s8], [sflag:$0x11], $0x1400, $0x38;
	[tilespmem:$0xFB88] =	vst v63  }
0x29: {  	_ =	swait.ge [sflag:s19], $0x1400  }
0x2a: {  	[sflag:s19] =	ssyncset.done $0x0  }
0x2b: {  	s25 =	rddreg [dreg:$0x9];
	[sflag:s19] =	ssyncadd.s32 $0xFFFFEC00  }
0x2c: {  	[tilespmem:s15], [sflag:$0x11] =	stream.linear.gather [hbm4b:s25+s15], $0x5000, $0x38;
	[tilespmem:$0xFB88] =	vst v63  }
0x2d: {  	_ =	swait.ge [sflag:s19], $0x5000  }
0x2e: {  	[sflag:s19] =	ssyncset.done $0x0  }
0x2f: {  	s16 =	simm.s32 $0x5000;
	s8 =	rddreg [dreg:$0xa];
	[sflag:s19] =	ssyncadd.s32 $0xFFFFB000  }
0x30: {  	[tilespmem:s16], [sflag:$0x11] =	stream.linear.gather [hbm4b:s8+s15], $0x5000, $0x38;
	[tilespmem:$0xFB88] =	vst v63  }
0x31: {  	_ =	swait.ge [sflag:s19], $0x5000  }
0x32: {  	[sflag:s19] =	ssyncset.done $0x0  }
0x33: {  	[sflag:s19] =	ssyncadd.s32 $0xFFFFB000  }
0x34: {  	s15 =	simm.s32 $0xA000;
	[bflag:$0x0] =	sbarrier.arrive $0xFFFF  }
0x35: {  	[tilespmem:s15], [sflag:$0x1] =	stream.indirect.gather [spmem:s2], $0x8, s16, s18, $0xb8;
	[tilespmem:$0xFB88] =	vst v63  }
0x36: {  	s21 =	simm.s32 $0x5080;
	s8 =	simm.s32 $0xA400  }
0x37: {  	[tilespmem:s8], [sflag:$0x2] =	stream.indirect.gather [spmem:s2], $0x8, s21, s18, $0xb8;
	[tilespmem:$0xFB88] =	vst v63  }
0x38: {  	s23 =	simm.s32 $0x5100;
	s16 =	simm.s32 $0xA800  }
0x39: {  	[tilespmem:s16], [sflag:$0x3] =	stream.indirect.gather [spmem:s2], $0x8, s23, s18, $0xb8;
	[tilespmem:$0xFB88] =	vst v63  }
0x3a: {  	s25 =	simm.s32 $0x5180;
	s19 =	simm.s32 $0xAC00  }
0x3b: {  	[tilespmem:s19], [sflag:$0x4] =	stream.indirect.gather [spmem:s2], $0x8, s25, s18, $0xb8;
	[tilespmem:$0xFB88] =	vst v63  }
0x3c: {  	s21 =	simm.s32 $0x5200  }
0x3d: {  	[tilespmem:s26], [sflag:$0x5] =	stream.indirect.gather [spmem:s2], $0x8, s21, s18, $0xb8;
	[tilespmem:$0xFB88] =	vst v63  }
0x3e: {  	s23 =	simm.s32 $0x5280  }
0x3f: {  	[tilespmem:s28], [sflag:$0x6] =	stream.indirect.gather [spmem:s2], $0x8, s23, s18, $0xb8;
	[tilespmem:$0xFB88] =	vst v63  }
0x40: {  	s25 =	simm.s32 $0x5300  }
0x41: {  	[tilespmem:s29], [sflag:$0x7] =	stream.indirect.gather [spmem:s2], $0x8, s25, s18, $0xb8;
	[tilespmem:$0xFB88] =	vst v63  }
0x42: {  	s21 =	simm.s32 $0x5380  }
0x43: {  	[tilespmem:s30], [sflag:$0x8] =	stream.indirect.gather [spmem:s2], $0x8, s21, s18, $0xb8;
	[tilespmem:$0xFB88] =	vst v63  }
0x44: {  	_ =	swait.ge [sflag:s31], $0x400  }
0x45: {  	[sflag:s31] =	ssyncset.done $0x0  }
0x46: {  	s23 =	simm.s32 $0x0;
	[sflag:s31] =	ssyncadd.s32 $0xFFFFFC00  }
0x47: {  	[spmem:s3] =	stream.indirect.scatter.add.f32 [tilespmem:s15], [sflag:$0x9], $0x8, s23, s18, $0xb8;
	[tilespmem:$0xFB88] =	vst v63  }
0x48: {  	_ =	swait.ge [sflag:s0], $0x400  }
0x49: {  	[sflag:s0] =	ssyncset.done $0x0  }
0x4a: {  	s25 =	simm.s32 $0x80;
	[sflag:s0] =	ssyncadd.s32 $0xFFFFFC00  }
0x4b: {  	[spmem:s3] =	stream.indirect.scatter.add.f32 [tilespmem:s8], [sflag:$0xA], $0x8, s25, s18, $0xb8;
	[tilespmem:$0xFB88] =	vst v63  }
0x4c: {  	_ =	swait.ge [sflag:s1], $0x400  }
0x4d: {  	[sflag:s1] =	ssyncset.done $0x0  }
0x4e: {  	s15 =	simm.s32 $0x100;
	[sflag:s1] =	ssyncadd.s32 $0xFFFFFC00  }
0x4f: {  	[spmem:s3] =	stream.indirect.scatter.add.f32 [tilespmem:s16], [sflag:$0xB], $0x8, s15, s18, $0xb8;
	[tilespmem:$0xFB88] =	vst v63  }
0x50: {  	_ =	swait.ge [sflag:s20], $0x400  }
0x51: {  	[sflag:s20] =	ssyncset.done $0x0  }
0x52: {  	s16 =	simm.s32 $0x180;
	[sflag:s20] =	ssyncadd.s32 $0xFFFFFC00  }
0x53: {  	[spmem:s3] =	stream.indirect.scatter.add.f32 [tilespmem:s19], [sflag:$0xC], $0x8, s16, s18, $0xb8;
	[tilespmem:$0xFB88] =	vst v63  }
0x54: {  	_ =	swait.ge [sflag:s22], $0x400  }
0x55: {  	[sflag:s22] =	ssyncset.done $0x0  }
0x56: {  	[sflag:s22] =	ssyncadd.s32 $0xFFFFFC00  }
0x57: {  	_ =	swait.ge [sflag:s24], $0x400  }
0x58: {  	[sflag:s24] =	ssyncset.done $0x0  }
0x59: {  	[sflag:s24] =	ssyncadd.s32 $0xFFFFFC00  }
0x5a: {  	_ =	swait.ge [sflag:s5], $0x400  }
0x5b: {  	[sflag:s5] =	ssyncset.done $0x0  }
0x5c: {  	[sflag:s5] =	ssyncadd.s32 $0xFFFFFC00  }
0x5d: {  	p0 =	por $0x0, $0x0;
	_ =	swait.ge [sflag:s6], $0x400  }
0x5e: {  	s4 =	simm.s32 @!p0 $0xA000;
	[sflag:s6] =	ssyncset.done $0x0  }
0x5f: {  	s8 =	simm.s32 @!p0 $0x5400;
	s15 =	simm.s32 @!p0 $0x80;
	[sflag:s6] =	ssyncadd.s32 $0xFFFFFC00  }
0x60: {  	[tilespmem:s4], [sflag:$0x1] =	stream.indirect.gather @!p0 [spmem:s2], $0x8, s8, s15, $0xb8;
	[tilespmem:$0xFB88] =	vst v63  }
0x61: {  	s4 =	simm.s32 @!p0 $0x5480;
	s8 =	simm.s32 @!p0 $0xA400  }
0x62: {  	[tilespmem:s8], [sflag:$0x2] =	stream.indirect.gather @!p0 [spmem:s2], $0x8, s4, s15, $0xb8;
	[tilespmem:$0xFB88] =	vst v63  }
0x63: {  	s4 =	simm.s32 @!p0 $0x5500;
	s8 =	simm.s32 @!p0 $0xA800  }
0x64: {  	[tilespmem:s8], [sflag:$0x3] =	stream.indirect.gather @!p0 [spmem:s2], $0x8, s4, s15, $0xb8;
	[tilespmem:$0xFB88] =	vst v63  }
0x65: {  	s4 =	simm.s32 @!p0 $0x5580;
	s8 =	simm.s32 @!p0 $0xAC00  }
0x66: {  	[tilespmem:s8], [sflag:$0x4] =	stream.indirect.gather @!p0 [spmem:s2], $0x8, s4, s15, $0xb8;
	[tilespmem:$0xFB88] =	vst v63  }
0x67: {  	_ =	swait.ge [sflag:s7], $0x400  }
0x68: {  	[sflag:s7] =	ssyncset.done $0x0  }
0x69: {  	s19 =	simm.s32 $0x200;
	[sflag:s7] =	ssyncadd.s32 $0xFFFFFC00  }
0x6a: {  	[spmem:s3] =	stream.indirect.scatter.add.f32 [tilespmem:s26], [sflag:$0xD], $0x8, s19, s18, $0xb8;
	[tilespmem:$0xFB88] =	vst v63  }
0x6b: {  	_ =	swait.ge [sflag:s9], $0x400  }
0x6c: {  	[sflag:s9] =	ssyncset.done $0x0  }
0x6d: {  	s21 =	simm.s32 $0x280;
	[sflag:s9] =	ssyncadd.s32 $0xFFFFFC00  }
0x6e: {  	[spmem:s3] =	stream.indirect.scatter.add.f32 [tilespmem:s28], [sflag:$0xE], $0x8, s21, s18, $0xb8;
	[tilespmem:$0xFB88] =	vst v63  }
0x6f: {  	_ =	swait.ge [sflag:s10], $0x400  }
0x70: {  	[sflag:s10] =	ssyncset.done $0x0  }
0x71: {  	s23 =	simm.s32 $0x300;
	[sflag:s10] =	ssyncadd.s32 $0xFFFFFC00  }
0x72: {  	[spmem:s3] =	stream.indirect.scatter.add.f32 [tilespmem:s29], [sflag:$0xF], $0x8, s23, s18, $0xb8;
	[tilespmem:$0xFB88] =	vst v63  }
0x73: {  	_ =	swait.ge [sflag:s13], $0x400  }
0x74: {  	[sflag:s13] =	ssyncset.done $0x0  }
0x75: {  	s25 =	simm.s32 $0x380;
	[sflag:s13] =	ssyncadd.s32 $0xFFFFFC00  }
0x76: {  	[spmem:s3] =	stream.indirect.scatter.add.f32 [tilespmem:s30], [sflag:$0x10], $0x8, s25, s18, $0xb8;
	[tilespmem:$0xFB88] =	vst v63  }
0x77: {  	_ =	swait.ge [sflag:s17], $0x400  }
0x78: {  	[sflag:s17] =	ssyncset.done $0x0  }
0x79: {  	[sflag:s17] =	ssyncadd.s32 $0xFFFFFC00  }
0x7a: {  	_ =	swait.ge [sflag:s11], $0x400  }
0x7b: {  	[sflag:s11] =	ssyncset.done $0x0  }
0x7c: {  	[sflag:s11] =	ssyncadd.s32 $0xFFFFFC00  }
0x7d: {  	_ =	swait.ge [sflag:s12], $0x400  }
0x7e: {  	[sflag:s12] =	ssyncset.done $0x0  }
0x7f: {  	[sflag:s12] =	ssyncadd.s32 $0xFFFFFC00  }
0x80: {  	s15 =	simm.s32 $0x1000;
	_ =	swait.ge [sflag:s14], $0x400  }
0x81: {  	s4 =	simm.s32 $0x2000;
	s8 =	simm.s32 $0x400;
	[sflag:s14] =	ssyncset.done $0x0  }
.LBB2_2:
0x82: {  	s19 =	sadd.s32 $0x5200, s8  }
0x83: {  	[sflag:s14] =	ssyncadd.s32 $0xFFFFFC00;
	s16 =	smov.u32 s4;
	s4 =	sadd.s32 $0x1000, s4  }
0x84: {  	[tilespmem:s26], [sflag:$0x5] =	stream.indirect.gather [spmem:s2], $0x8, s19, s18, $0xb8;
	[tilespmem:$0xFB88] =	vst v63  }
0x85: {  	p0 =	sne.s32 s4, $0x14000;
	s19 =	sadd.s32 $0x5280, s8  }
0x86: {  	[tilespmem:s28], [sflag:$0x6] =	stream.indirect.gather [spmem:s2], $0x8, s19, s18, $0xb8;
	[tilespmem:$0xFB88] =	vst v63  }
0x87: {  	s19 =	sadd.s32 $0x5300, s8  }
0x88: {  	[tilespmem:s29], [sflag:$0x7] =	stream.indirect.gather [spmem:s2], $0x8, s19, s18, $0xb8;
	[tilespmem:$0xFB88] =	vst v63  }
0x89: {  	s19 =	sadd.s32 $0x5380, s8  }
0x8a: {  	[tilespmem:s30], [sflag:$0x8] =	stream.indirect.gather [spmem:s2], $0x8, s19, s18, $0xb8;
	[tilespmem:$0xFB88] =	vst v63  }
0x8b: {  	_ =	swait.ge [sflag:s31], $0x400  }
0x8c: {  	[sflag:s31] =	ssyncset.done $0x0  }
0x8d: {  	s19 =	simm.s32 $0xA000;
	[sflag:s31] =	ssyncadd.s32 $0xFFFFFC00  }
0x8e: {  	[spmem:s3] =	stream.indirect.scatter.add.f32 [tilespmem:s19], [sflag:$0x9], $0x8, s8, s18, $0xb8;
	[tilespmem:$0xFB88] =	vst v63  }
0x8f: {  	_ =	swait.ge [sflag:s0], $0x400  }
0x90: {  	[sflag:s0] =	ssyncset.done $0x0  }
0x91: {  	s21 =	simm.s32 $0xA400;
	s19 =	sadd.s32 $0x80, s8;
	[sflag:s0] =	ssyncadd.s32 $0xFFFFFC00  }
0x92: {  	[spmem:s3] =	stream.indirect.scatter.add.f32 [tilespmem:s21], [sflag:$0xA], $0x8, s19, s18, $0xb8;
	[tilespmem:$0xFB88] =	vst v63  }
0x93: {  	_ =	swait.ge [sflag:s1], $0x400  }
0x94: {  	[sflag:s1] =	ssyncset.done $0x0  }
0x95: {  	s19 =	sadd.s32 $0x100, s8;
	s21 =	simm.s32 $0xA800;
	[sflag:s1] =	ssyncadd.s32 $0xFFFFFC00  }
0x96: {  	[spmem:s3] =	stream.indirect.scatter.add.f32 [tilespmem:s21], [sflag:$0xB], $0x8, s19, s18, $0xb8;
	[tilespmem:$0xFB88] =	vst v63  }
0x97: {  	_ =	swait.ge [sflag:s20], $0x400  }
0x98: {  	[sflag:s20] =	ssyncset.done $0x0  }
0x99: {  	s19 =	sadd.s32 $0x180, s8;
	s21 =	simm.s32 $0xAC00;
	[sflag:s20] =	ssyncadd.s32 $0xFFFFFC00  }
0x9a: {  	[spmem:s3] =	stream.indirect.scatter.add.f32 [tilespmem:s21], [sflag:$0xC], $0x8, s19, s18, $0xb8;
	[tilespmem:$0xFB88] =	vst v63  }
0x9b: {  	_ =	swait.ge [sflag:s22], $0x400  }
0x9c: {  	[sflag:s22] =	ssyncset.done $0x0  }
0x9d: {  	[sflag:s22] =	ssyncadd.s32 $0xFFFFFC00  }
0x9e: {  	_ =	swait.ge [sflag:s24], $0x400  }
0x9f: {  	[sflag:s24] =	ssyncset.done $0x0  }
0xa0: {  	[sflag:s24] =	ssyncadd.s32 $0xFFFFFC00  }
0xa1: {  	_ =	swait.ge [sflag:s5], $0x400  }
0xa2: {  	[sflag:s5] =	ssyncset.done $0x0  }
0xa3: {  	[sflag:s5] =	ssyncadd.s32 $0xFFFFFC00  }
0xa4: {  	p1 =	seq.s32 s15, $0x13000;
	_ =	swait.ge [sflag:s6], $0x400  }
0xa5: {  	s15 =	sshra.s32 @!p1 s15, $0x2;
	s19 =	simm.s32 @!p1 $0xA000;
	[sflag:s6] =	ssyncset.done $0x0  }
0xa6: {  	s23 =	simm.s32 @!p1 $0x80;
	s21 =	sadd.s32 @!p1 $0x5400, s15;
	[sflag:s6] =	ssyncadd.s32 $0xFFFFFC00  }
0xa7: {  	[tilespmem:s19], [sflag:$0x1] =	stream.indirect.gather @!p1 [spmem:s2], $0x8, s21, s23, $0xb8;
	[tilespmem:$0xFB88] =	vst v63  }
0xa8: {  	s25 =	sadd.s32 @!p1 $0x5500, s15;
	s19 =	sadd.s32 @!p1 $0x5480, s15;
	s21 =	simm.s32 @!p1 $0xA400  }
0xa9: {  	[tilespmem:s21], [sflag:$0x2] =	stream.indirect.gather @!p1 [spmem:s2], $0x8, s19, s23, $0xb8;
	[tilespmem:$0xFB88] =	vst v63  }
0xaa: {  	s19 =	simm.s32 @!p1 $0xA800;
	s21 =	sadd.s32 @!p1 $0x5580, s15;
	s15 =	smov.u32 s16  }
0xab: {  	[tilespmem:s19], [sflag:$0x3] =	stream.indirect.gather @!p1 [spmem:s2], $0x8, s25, s23, $0xb8;
	[tilespmem:$0xFB88] =	vst v63  }
0xac: {  	s16 =	simm.s32 @!p1 $0xAC00  }
0xad: {  	[tilespmem:s16], [sflag:$0x4] =	stream.indirect.gather @!p1 [spmem:s2], $0x8, s21, s23, $0xb8;
	[tilespmem:$0xFB88] =	vst v63  }
0xae: {  	_ =	swait.ge [sflag:s7], $0x400  }
0xaf: {  	[sflag:s7] =	ssyncset.done $0x0  }
0xb0: {  	s16 =	sadd.s32 $0x200, s8;
	[sflag:s7] =	ssyncadd.s32 $0xFFFFFC00  }
0xb1: {  	[spmem:s3] =	stream.indirect.scatter.add.f32 [tilespmem:s26], [sflag:$0xD], $0x8, s16, s18, $0xb8;
	[tilespmem:$0xFB88] =	vst v63  }
0xb2: {  	_ =	swait.ge [sflag:s9], $0x400  }
0xb3: {  	[sflag:s9] =	ssyncset.done $0x0  }
0xb4: {  	s16 =	sadd.s32 $0x280, s8;
	[sflag:s9] =	ssyncadd.s32 $0xFFFFFC00  }
0xb5: {  	[spmem:s3] =	stream.indirect.scatter.add.f32 [tilespmem:s28], [sflag:$0xE], $0x8, s16, s18, $0xb8;
	[tilespmem:$0xFB88] =	vst v63  }
0xb6: {  	_ =	swait.ge [sflag:s10], $0x400  }
0xb7: {  	[sflag:s10] =	ssyncset.done $0x0  }
0xb8: {  	s16 =	sadd.s32 $0x300, s8;
	[sflag:s10] =	ssyncadd.s32 $0xFFFFFC00  }
0xb9: {  	[spmem:s3] =	stream.indirect.scatter.add.f32 [tilespmem:s29], [sflag:$0xF], $0x8, s16, s18, $0xb8;
	[tilespmem:$0xFB88] =	vst v63  }
0xba: {  	_ =	swait.ge [sflag:s13], $0x400  }
0xbb: {  	[sflag:s13] =	ssyncset.done $0x0  }
0xbc: {  	s8 =	sadd.s32 $0x380, s8;
	[sflag:s13] =	ssyncadd.s32 $0xFFFFFC00  }
0xbd: {  	[spmem:s3] =	stream.indirect.scatter.add.f32 [tilespmem:s30], [sflag:$0x10], $0x8, s8, s18, $0xb8;
	[tilespmem:$0xFB88] =	vst v63  }
0xbe: {  	_ =	swait.ge [sflag:s17], $0x400  }
0xbf: {  	[sflag:s17] =	ssyncset.done $0x0  }
0xc0: {  	[sflag:s17] =	ssyncadd.s32 $0xFFFFFC00  }
0xc1: {  	_ =	swait.ge [sflag:s11], $0x400  }
0xc2: {  	[sflag:s11] =	ssyncset.done $0x0  }
0xc3: {  	[sflag:s11] =	ssyncadd.s32 $0xFFFFFC00  }
.Ltmp0:
0xc4: {  	_ =	swait.ge [sflag:s12], $0x400;
	(pc) =	sbr.rel @p0 .LBB2_2-.Ltmp0, $4  }
0xc5: {  	[sflag:s12] =	ssyncset.done $0x0  }
0xc6: {  	[sflag:s12] =	ssyncadd.s32 $0xFFFFFC00  }
0xc7: {  	_ =	swait.ge [sflag:s14], $0x400  }
0xc8: {  	s8 =	sshra.s32 s15, $0x2;
	[sflag:s14] =	ssyncset.done $0x0  }
0xc9: {  	s4 =	sadd.s32 $0x5200, s8;
	[sflag:s14] =	ssyncadd.s32 $0xFFFFFC00  }
0xca: {  	[tilespmem:s26], [sflag:$0x5] =	stream.indirect.gather [spmem:s2], $0x8, s4, s18, $0xb8;
	[tilespmem:$0xFB88] =	vst v63  }
0xcb: {  	s16 =	sadd.s32 $0x5280, s8  }
0xcc: {  	[tilespmem:s28], [sflag:$0x6] =	stream.indirect.gather [spmem:s2], $0x8, s16, s18, $0xb8;
	[tilespmem:$0xFB88] =	vst v63  }
0xcd: {  	s19 =	sadd.s32 $0x5300, s8  }
0xce: {  	[tilespmem:s29], [sflag:$0x7] =	stream.indirect.gather [spmem:s2], $0x8, s19, s18, $0xb8;
	[tilespmem:$0xFB88] =	vst v63  }
0xcf: {  	s21 =	sadd.s32 $0x5380, s8  }
0xd0: {  	[tilespmem:s30], [sflag:$0x8] =	stream.indirect.gather [spmem:s2], $0x8, s21, s18, $0xb8;
	[tilespmem:$0xFB88] =	vst v63  }
0xd1: {  	_ =	swait.ge [sflag:s31], $0x400  }
0xd2: {  	[sflag:s31] =	ssyncset.done $0x0  }
0xd3: {  	s23 =	simm.s32 $0xA000;
	[sflag:s31] =	ssyncadd.s32 $0xFFFFFC00  }
0xd4: {  	[spmem:s3] =	stream.indirect.scatter.add.f32 [tilespmem:s23], [sflag:$0x9], $0x8, s8, s18, $0xb8;
	[tilespmem:$0xFB88] =	vst v63  }
0xd5: {  	_ =	swait.ge [sflag:s0], $0x400  }
0xd6: {  	[sflag:s0] =	ssyncset.done $0x0  }
0xd7: {  	s25 =	sadd.s32 $0x80, s8;
	s16 =	simm.s32 $0xA400;
	[sflag:s0] =	ssyncadd.s32 $0xFFFFFC00  }
0xd8: {  	[spmem:s3] =	stream.indirect.scatter.add.f32 [tilespmem:s16], [sflag:$0xA], $0x8, s25, s18, $0xb8;
	[tilespmem:$0xFB88] =	vst v63  }
0xd9: {  	_ =	swait.ge [sflag:s1], $0x400  }
0xda: {  	[sflag:s1] =	ssyncset.done $0x0  }
0xdb: {  	s19 =	sadd.s32 $0x100, s8;
	s21 =	simm.s32 $0xA800;
	[sflag:s1] =	ssyncadd.s32 $0xFFFFFC00  }
0xdc: {  	[spmem:s3] =	stream.indirect.scatter.add.f32 [tilespmem:s21], [sflag:$0xB], $0x8, s19, s18, $0xb8;
	[tilespmem:$0xFB88] =	vst v63  }
0xdd: {  	_ =	swait.ge [sflag:s20], $0x400  }
0xde: {  	[sflag:s20] =	ssyncset.done $0x0  }
0xdf: {  	s23 =	sadd.s32 $0x180, s8;
	s25 =	simm.s32 $0xAC00;
	[sflag:s20] =	ssyncadd.s32 $0xFFFFFC00  }
0xe0: {  	[spmem:s3] =	stream.indirect.scatter.add.f32 [tilespmem:s25], [sflag:$0xC], $0x8, s23, s18, $0xb8;
	[tilespmem:$0xFB88] =	vst v63  }
0xe1: {  	_ =	swait.ge [sflag:s22], $0x400  }
0xe2: {  	[sflag:s22] =	ssyncset.done $0x0  }
0xe3: {  	[sflag:s22] =	ssyncadd.s32 $0xFFFFFC00  }
0xe4: {  	_ =	swait.ge [sflag:s24], $0x400  }
0xe5: {  	[sflag:s24] =	ssyncset.done $0x0  }
0xe6: {  	[sflag:s24] =	ssyncadd.s32 $0xFFFFFC00  }
0xe7: {  	_ =	swait.ge [sflag:s5], $0x400  }
0xe8: {  	[sflag:s5] =	ssyncset.done $0x0  }
0xe9: {  	[sflag:s5] =	ssyncadd.s32 $0xFFFFFC00  }
0xea: {  	p0 =	seq.s32 s15, $0x13000;
	_ =	swait.ge [sflag:s6], $0x400  }
0xeb: {  	s4 =	sshra.s32 @!p0 s15, $0x2;
	s15 =	simm.s32 @!p0 $0xA000;
	[sflag:s6] =	ssyncset.done $0x0  }
0xec: {  	s16 =	sadd.s32 @!p0 $0x5400, s4;
	s19 =	simm.s32 @!p0 $0x80;
	[sflag:s6] =	ssyncadd.s32 $0xFFFFFC00  }
0xed: {  	[tilespmem:s15], [sflag:$0x1] =	stream.indirect.gather @!p0 [spmem:s2], $0x8, s16, s19, $0xb8;
	[tilespmem:$0xFB88] =	vst v63  }
0xee: {  	s15 =	sadd.s32 @!p0 $0x5480, s4;
	s16 =	simm.s32 @!p0 $0xA400  }
0xef: {  	[tilespmem:s16], [sflag:$0x2] =	stream.indirect.gather @!p0 [spmem:s2], $0x8, s15, s19, $0xb8;
	[tilespmem:$0xFB88] =	vst v63  }
0xf0: {  	s15 =	sadd.s32 @!p0 $0x5500, s4;
	s16 =	simm.s32 @!p0 $0xA800  }
0xf1: {  	[tilespmem:s16], [sflag:$0x3] =	stream.indirect.gather @!p0 [spmem:s2], $0x8, s15, s19, $0xb8;
	[tilespmem:$0xFB88] =	vst v63  }
0xf2: {  	s4 =	sadd.s32 @!p0 $0x5580, s4;
	s15 =	simm.s32 @!p0 $0xAC00  }
0xf3: {  	[tilespmem:s15], [sflag:$0x4] =	stream.indirect.gather @!p0 [spmem:s2], $0x8, s4, s19, $0xb8;
	[tilespmem:$0xFB88] =	vst v63  }
0xf4: {  	_ =	swait.ge [sflag:s7], $0x400  }
0xf5: {  	[sflag:s7] =	ssyncset.done $0x0  }
0xf6: {  	s15 =	sadd.s32 $0x200, s8;
	[sflag:s7] =	ssyncadd.s32 $0xFFFFFC00  }
0xf7: {  	[spmem:s3] =	stream.indirect.scatter.add.f32 [tilespmem:s26], [sflag:$0xD], $0x8, s15, s18, $0xb8;
	[tilespmem:$0xFB88] =	vst v63  }
0xf8: {  	_ =	swait.ge [sflag:s9], $0x400  }
0xf9: {  	[sflag:s9] =	ssyncset.done $0x0  }
0xfa: {  	s16 =	sadd.s32 $0x280, s8;
	[sflag:s9] =	ssyncadd.s32 $0xFFFFFC00  }
0xfb: {  	[spmem:s3] =	stream.indirect.scatter.add.f32 [tilespmem:s28], [sflag:$0xE], $0x8, s16, s18, $0xb8;
	[tilespmem:$0xFB88] =	vst v63  }
0xfc: {  	_ =	swait.ge [sflag:s10], $0x400  }
0xfd: {  	[sflag:s10] =	ssyncset.done $0x0  }
0xfe: {  	s19 =	sadd.s32 $0x300, s8;
	[sflag:s10] =	ssyncadd.s32 $0xFFFFFC00  }
0xff: {  	[spmem:s3] =	stream.indirect.scatter.add.f32 [tilespmem:s29], [sflag:$0xF], $0x8, s19, s18, $0xb8;
	[tilespmem:$0xFB88] =	vst v63  }
0x100: {  	_ =	swait.ge [sflag:s13], $0x400  }
0x101: {  	[sflag:s13] =	ssyncset.done $0x0  }
0x102: {  	s21 =	sadd.s32 $0x380, s8;
	[sflag:s13] =	ssyncadd.s32 $0xFFFFFC00  }
0x103: {  	[spmem:s3] =	stream.indirect.scatter.add.f32 [tilespmem:s30], [sflag:$0x10], $0x8, s21, s18, $0xb8;
	[tilespmem:$0xFB88] =	vst v63  }
0x104: {  	_ =	swait.ge [sflag:s17], $0x400  }
0x105: {  	[sflag:s17] =	ssyncset.done $0x0  }
0x106: {  	[sflag:s17] =	ssyncadd.s32 $0xFFFFFC00  }
0x107: {  	_ =	swait.ge [sflag:s11], $0x400  }
0x108: {  	[sflag:s11] =	ssyncset.done $0x0  }
0x109: {  	[sflag:s11] =	ssyncadd.s32 $0xFFFFFC00  }
0x10a: {  	_ =	swait.ge [sflag:s12], $0x400  }
0x10b: {  	[sflag:s12] =	ssyncset.done $0x0  }
0x10c: {  	[sflag:s12] =	ssyncadd.s32 $0xFFFFFC00  }
0x10d: {  	_ =	swait.ge [sflag:s14], $0x400  }
0x10e: {  	[sflag:s14] =	ssyncset.done $0x0  }
0x10f: {  	[sflag:s14] =	ssyncadd.s32 $0xFFFFFC00  }
0x110: {  	[bflag:$0x0] =	sbarrier.arrive $0xFFFF  }
0x111: {  	s8 =	simm.s32 $0xC000;
	s19 =	simm.s32 $0x11;
	s16 =	rddreg [dreg:$0x8]  }
0x112: {  	[tilespmem:s8], [sflag:$0x11] =	stream.linear.gather [spmem:s16], $0x1400, $0x38;
	[tilespmem:$0xFB88] =	vst v63  }
0x113: {  	_ =	swait.ge [sflag:s19], $0x1400  }
0x114: {  	[sflag:s19] =	ssyncset.done $0x0  }
0x115: {  	s15 =	simm.s32 $0x0;
	s23 =	rddreg [dreg:$0xb];
	[sflag:s19] =	ssyncadd.s32 $0xFFFFEC00  }
0x116: {  	[hbm4b:s23+s15] =	stream.linear.scatter [tilespmem:s8], [sflag:$0x11], $0x1400, $0x38;
	[tilespmem:$0xFB88] =	vst v63  }
0x117: {  	_ =	swait.ge [sflag:s19], $0x1400  }
0x118: {  	s21 =	rddreg [dreg:$0xd]  }
0x119: {  	s25 =	rddreg [dreg:$0xc];
	s21 =	sadd.s32 $0x1, s21  }
0x11a: {  	p0 =	sne.s32 s21, s25  }
.Ltmp1:
0x11b: {  	_ = 	snop;
	(pc) =	sbr.rel @p0 .LBB2_1-.Ltmp1, $3  }
0x11c: {  	_ =	sdelay $0x1  }
0x11d: {  	[sflag:s19] =	ssyncset.done $0x0  }
0x11e: {  	[sflag:s19] =	ssyncadd.s32 $0xFFFFEC00  }
0x11f: {  	_ =	sfence.sel $0x180000  }
0x120: {  	[bflag:$0x0] =	sbarrier.arrive $0xFFFF  }
0x121: {  	_ =	strace $0x9000004A  }
0x122: {  	s0 =	stileid.u32;
	[bflag:$0x2] =	sbarrier.arrive $0xFFFF  }
0x123: {  	p0 =	sne.s32 s0, $0x0;
	s0 =	rddreg [dreg:$0x4]  }
0x124: {  	s0 =	sadd.s32 @!p0 $0x100000, s0  }
0x125: {  	[sflag:s0] =	ssyncadd.tile.s32 @!p0 $0x1;
	_ =	shalt  }
.Lfunc_end2:
_tile_overlayer_lowered:
.L_overlay_start_2:
0x126: {  	(tag) =	ssettag $0x2  }
0x127: {  	s0 =	rddreg [dreg:$0x0];
	s2 =	stileid.u32  }
0x128: {  	s1 =	rddreg [dreg:$0x1];
	p0 =	sne.s32 s2, $0x0  }
0x129: {  	s3 =	rddreg [dreg:$0x2];
	[bflag:$0x3] =	sbarrier.arrive $0xFFFF;
	s2 =	simm.s32 @!p0 $0x1C11  }
0x12a: {  	[timem:s3], [sflag:s2] =	dma.local @!p0 [hbm:s0], s1  }
0x12b: {  	s0 =	simm.s32 @!p0 $0x11  }
0x12c: {  	_ =	swait.ge @!p0 [sflag:s0], s1  }
0x12d: {  	s1 =	ssub.s32 @!p0 $0x0, s1;
	[sflag:s0] =	ssyncset.done @!p0 $0x0  }
0x12e: {  	[sflag:s0] =	ssyncadd.s32 @!p0 s1  }
0x12f: {  	[bflag:$0x3] =	sbarrier.arrive $0xFFFF  }
0x130: {  	_ =	shalt  }

// kernel: kernel.14.cloned.1.call-start
scs
__scs_entry_jumppad:
0x0: {  	(pc) =	sbr.rel $0x88, $3  }
0x1: {  	(tag) =	ssettag $0x0;
	lr =	simm.s32 $0x1  }
0x2: {  	[smem:$0x3F9B] =	sst lr;
	_ =	strace $0xD0000000  }
0x3: {  	_ = 	snop  }
0x4: {  	_ = 	snop  }
0x5: {  	_ = 	snop  }
0x6: {  	_ = 	snop  }
0x7: {  	_ = 	snop  }
__scs_overlays_trampoline_lowered:
0x8: {  	[smem:$0x3FAA] =	sst s0  }
0x9: {  	[smem:$0x3FAB] =	sst s1  }
0xa: {  	[smem:$0x3FAC] =	sst s2  }
0xb: {  	[smem:$0x3FAD] =	sst s3  }
0xc: {  	[smem:$0x3FAE] =	sst s4  }
0xd: {  	[smem:$0x3FAF] =	sst s5  }
0xe: {  	[smem:$0x3FB0] =	sst s6  }
0xf: {  	[smem:$0x3FB1] =	sst s7  }
0x10: {  	[smem:$0x3FB2] =	sst s8  }
0x11: {  	[smem:$0x3FB3] =	sst s9;
	s0 =	simm.s32 @!p0 $0x0  }
0x12: {  	s1 =	sld [smem:$0x3F99];
	s0 =	simm.s32 @p0 $0x1  }
0x13: {  	[smem:$0x3FB4] =	sst s0;
	s0 =	simm.s32 @!p1 $0x0  }
0x14: {  	s2 =	sld [smem:$0x3F98];
	s0 =	simm.s32 @p1 $0x1  }
0x15: {  	[smem:$0x3FB5] =	sst s0;
	s0 =	simm.s32 @!p2 $0x0  }
0x16: {  	s3 =	sld [smem:$0x3FDB];
	s0 =	simm.s32 @p2 $0x1  }
0x17: {  	s4 =	simm.s32 $0x1BF5;
	[smem:$0x3FB7] =	sst s0  }
0x18: {  	s0 =	sld [smem:$0x3F9A];
	_ =	swait.ge [sflag:s4], $0x0  }
0x19: {  	s7 =	sld [smem:$0x3F9B]  }
0x1a: {  	s8 =	sadd.s32 $0xFFFFE003, lr  }
0x1b: {  	s9 =	sadd.s32 $0xFFFFFEF7, lr;
	s5 =	simm.s32 $0xFFFFFFFF;
	p2 =	slt.u32 s8, $0xFFFFF086  }
0x1c: {  	p1 =	slt.u32 s9, $0xF7A;
	s5 =	simm.s32 @!p2 $0x0  }
0x1d: {  	s5 =	simm.s32 @p1 $0x1;
	p0 =	seq.s32 s7, s2  }
0x1e: {  	s7 =	smul.u32 @!p0 $0xF7A, s2;
	p2 =	seq.s32 @!p0 s5, $0x0  }
0x1f: {  	s9 =	smul.u32 $0xF7A, s1;
	s8 =	simm.s32 @!p0 $0x1BF5;
	p2 =	por !p2, p0  }
0x20: {  	[sflag:s8] =	ssyncset.s32 @!p0 $0xFFFFF086;
	s6 =	sadd.s32 @!p0 s3, s7;
	s7 =	simm.s32 @!p0 $0x108  }
0x21: {  	s3 =	sadd.s32 s3, s9;
	s6 =	sadd.s32 @!p0 $0x88, s6;
	s7 =	simm.s32 @p2 $0x1082  }
0x22: {  	[simem:s7], [sflag:s8] =	dma.local @!p0 [hbm:s6], $0xF7A  }
0x23: {  	s9 =	sor.u32 $0xD0000000, s2;
	s6 =	simm.s32 $0x108;
	_ =	swait.ge @!p0 [sflag:s8], $0x0  }
0x24: {  	s3 =	sadd.s32 $0x88, s3;
	s6 =	simm.s32 @!p1 $0x1082;
	[sflag:s4] =	ssyncset.s32 $0xFFFFF086  }
0x25: {  	[simem:s6], [sflag:s4] =	dma.local [hbm:s3], $0xF7A  }
0x26: {  	[smem:$0x3F9B] =	sst s1;
	(tag) =	ssettag s2;
	_ =	strace s9  }
0x27: {  	s1 =	sld [smem:$0x3FAB]  }
0x28: {  	s2 =	sld [smem:$0x3FAC]  }
0x29: {  	s4 =	sld [smem:$0x3FAE]  }
0x2a: {  	p0 =	seq.s32 s5, $0x0;
	s5 =	sld [smem:$0x3FAF]  }
0x2b: {  	s6 =	sld [smem:$0x3FB0]  }
0x2c: {  	s7 =	sld [smem:$0x3FB1]  }
0x2d: {  	s3 =	simm.s32 $0x108;
	s8 =	sld [smem:$0x3FB2]  }
0x2e: {  	s3 =	simm.s32 @!p0 $0x1082;
	s9 =	sld [smem:$0x3FB3]  }
0x2f: {  	lr =	sadd.s32 s0, s3;
	s0 =	sld [smem:$0x3FAA]  }
0x30: {  	s3 =	sld [smem:$0x3FAD]  }
0x31: {  	[smem:$0x3FB6] =	sst s10  }
0x32: {  	s10 =	sld [smem:$0x3FB4];
	_ =	sdelay $0x3  }
0x33: {  	p0 =	seq.s32 s10, $0x1;
	s10 =	sld [smem:$0x3FB6];
	_ =	sdelay $0x3  }
0x34: {  	[smem:$0x3FB6] =	sst s10  }
0x35: {  	s10 =	sld [smem:$0x3FB5];
	_ =	sdelay $0x3  }
0x36: {  	p1 =	seq.s32 s10, $0x1;
	s10 =	sld [smem:$0x3FB6];
	_ =	sdelay $0x3  }
0x37: {  	[smem:$0x3FB6] =	sst s10  }
0x38: {  	s10 =	sld [smem:$0x3FB7]  }
0x39: {  	_ = 	snop;
	(pc) =	sbr.ind lr, $3  }
0x3a: {  	_ = 	snop  }
0x3b: {  	_ = 	snop  }
0x3c: {  	p2 =	seq.s32 s10, $0x1;
	s10 =	sld [smem:$0x3FB6]  }
0x3d: {  	_ =	shalt  }
0x3e: {  	_ =	shalt  }
0x3f: {  	_ =	shalt  }
0x40: {  	_ =	shalt  }
0x41: {  	_ =	shalt  }
0x42: {  	_ =	shalt  }
0x43: {  	_ =	shalt  }
0x44: {  	_ =	shalt  }
0x45: {  	_ =	shalt  }
0x46: {  	_ =	shalt  }
0x47: {  	_ =	shalt  }
0x48: {  	_ =	shalt  }
0x49: {  	_ =	shalt  }
0x4a: {  	_ =	shalt  }
0x4b: {  	_ =	shalt  }
0x4c: {  	_ =	shalt  }
0x4d: {  	_ =	shalt  }
0x4e: {  	_ =	shalt  }
0x4f: {  	_ =	shalt  }
0x50: {  	_ =	shalt  }
0x51: {  	_ =	shalt  }
0x52: {  	_ =	shalt  }
0x53: {  	_ =	shalt  }
0x54: {  	_ =	shalt  }
0x55: {  	_ =	shalt  }
0x56: {  	_ =	shalt  }
0x57: {  	_ =	shalt  }
0x58: {  	_ =	shalt  }
0x59: {  	_ =	shalt  }
0x5a: {  	_ =	shalt  }
0x5b: {  	_ =	shalt  }
0x5c: {  	_ =	shalt  }
0x5d: {  	_ =	shalt  }
0x5e: {  	_ =	shalt  }
0x5f: {  	_ =	shalt  }
0x60: {  	_ =	shalt  }
0x61: {  	_ =	shalt  }
0x62: {  	_ =	shalt  }
0x63: {  	_ =	shalt  }
0x64: {  	_ =	shalt  }
0x65: {  	_ =	shalt  }
0x66: {  	_ =	shalt  }
0x67: {  	_ =	shalt  }
0x68: {  	_ =	shalt  }
0x69: {  	_ =	shalt  }
0x6a: {  	_ =	shalt  }
0x6b: {  	_ =	shalt  }
0x6c: {  	_ =	shalt  }
0x6d: {  	_ =	shalt  }
0x6e: {  	_ =	shalt  }
0x6f: {  	_ =	shalt  }
0x70: {  	_ =	shalt  }
0x71: {  	_ =	shalt  }
0x72: {  	_ =	shalt  }
0x73: {  	_ =	shalt  }
0x74: {  	_ =	shalt  }
0x75: {  	_ =	shalt  }
0x76: {  	_ =	shalt  }
0x77: {  	_ =	shalt  }
0x78: {  	_ =	shalt  }
0x79: {  	_ =	shalt  }
0x7a: {  	_ =	shalt  }
0x7b: {  	_ =	shalt  }
0x7c: {  	_ =	shalt  }
0x7d: {  	_ =	shalt  }
0x7e: {  	_ =	shalt  }
0x7f: {  	_ =	shalt  }
0x80: {  	_ =	shalt  }
0x81: {  	_ =	shalt  }
0x82: {  	_ =	shalt  }
0x83: {  	_ =	shalt  }
0x84: {  	_ =	shalt  }
0x85: {  	_ =	shalt  }
0x86: {  	_ =	shalt  }
0x87: {  	_ =	shalt  }
.Lfunc_end0:
.L_simem_size_0:
called_computation.2_lowered:
.L_overlay_start_0:
0x88: {  	s2 =	sld [smem:$0x3FD9]  }
0x89: {  	s3 =	sld [smem:$0x3FFE];
	_ =	sdelay $0x1  }
0x8a: {  	s1 =	srdreg.scid  }
0x8b: {  	s0 =	sand.u32 $0x1, s1  }
0x8c: {  	s17 =	sshll.u32 s0, $0xA;
	s2 =	sadd.s32 s3, s2  }
0x8d: {  	s2 =	sadd.s32 s2, s17  }
0x8e: {  	[smem:$0x3FC2] =	sst s2  }
0x8f: {  	_ = 	snop  }
0x90: {  	s2 =	sld [smem:$0x3FD0];
	(tm) =	ssettm $0x1  }
0x91: {  	s18 =	sld [smem:$0x3FFB];
	_ =	sdelay $0x3  }
0x92: {  	_ =	strace s18  }
0x93: {  	s3 =	sld [smem:$0x3FFC];
	_ =	sdelay $0x3  }
0x94: {  	_ =	strace s3  }
0x95: {  	s3 =	sld [smem:$0x3FFD];
	_ =	sdelay $0x3  }
0x96: {  	_ =	strace s3  }
0x97: {  	_ =	strace $0x8FFFFFFF  }
0x98: {  	s19 =	sld [smem:$0x3FDB];
	_ =	sdelay $0x1  }
0x99: {  	s4 =	simm.s32 $_scs_section_size  }
0x9a: {  	s5 =	simm.s32 $_size__tile_overlayer_lowered;
	s6 =	simm.s32 $_tile_overlayer_lowered  }
0x9b: {  	s22 =	simm.s32 $0x1BFF;
	s21 =	sshll.u32 s6, $0x1;
	s3 =	sadd.s32 s4, s19  }
0x9c: {  	s7 =	simm.s32 $0x0;
	s20 =	sshll.u32 s5, $0x1;
	s5 =	sadd.s32 s21, s3  }
0x9d: {  	[timem:s7], [sflag:s22] =	dma.local [hbm:s5], s20  }
0x9e: {  	_ =	swait.ge [sflag:s22], s20  }
0x9f: {  	s4 =	ssub.s32 $0x0, s20;
	[sflag:s22] =	ssyncset.done $0x0  }
0xa0: {  	[sflag:s22] =	ssyncadd.s32 s4;
	_ =	sdelay $0x1  }
0xa1: {  	s23 =	simm.s32 $0x1B8B  }
0xa2: {  	_ =	swait.ge [sflag:s23], $0x1  }
0xa3: {  	[sflag:s23] =	ssyncset.done $0x0  }
0xa4: {  	s25 =	simm.s32 $0x1B8E;
	s24 =	sld [smem:$0x3FFE];
	[sflag:s23] =	ssyncadd.s32 $0xFFFFFFFF  }
0xa5: {  	s26 =	simm.s32 $execute0_lowered;
	[smem:$0x3FD2] =	sst s25  }
0xa6: {  	s5 =	sshll.u32 s26, $0x1;
	_ =	strace $0x8000004C;
	[dreg:$0x1] =	wrdreg $0xFFFFFFFF  }
0xa7: {  	s28 =	simm.s32 $_size_execute0_lowered;
	s3 =	sadd.s32 s3, s5;
	[dreg:$0x0] =	wrdreg $0x0  }
0xa8: {  	s5 =	sshll.u32 s28, $0x1;
	[dreg:$0x2] =	wrdreg s3  }
0xa9: {  	[dreg:$0x3] =	wrdreg s5  }
0xaa: {  	[dreg:$0x4] =	wrdreg $0xC0  }
0xab: {  	_ =	task [dreg:s7], $0x5FFFF  }
0xac: {  	[dreg:$0x1] =	wrdreg $0xFFFFFFFF  }
0xad: {  	[dreg:$0x0] =	wrdreg $0x60  }
0xae: {  	[dreg:$0x2] =	wrdreg s2  }
0xaf: {  	[dreg:$0x3] =	wrdreg s24  }
0xb0: {  	[dreg:$0x4] =	wrdreg $0x178000  }
0xb1: {  	[dreg:$0x5] =	wrdreg $0x13C000  }
0xb2: {  	[dreg:$0x6] =	wrdreg $0x9  }
0xb3: {  	_ =	task.clear_ibuf [dreg:s7], $0x7FFFF;
	_ =	strace $0x9000004C  }
0xb4: {  	s29 =	simm.s32 $0x9;
	_ =	strace $0x8000004E  }
0xb5: {  	_ =	swait.ge [sflag:s29], $0x1  }
0xb6: {  	[sflag:s29] =	ssyncadd.s32 $0xFFFFFFFF  }
0xb7: {  	_ =	strace $0x9000004E  }
0xb8: {  	_ =	sfence  }
0xb9: {  	s30 =	sld [smem:$0x0];
	_ =	sdelay $0x2  }
0xba: {  	s31 =	sshll.u32 s1, $0xD;
	s1 =	sshrl.u32 s1, $0x2  }
0xbb: {  	s3 =	sand.u32 $0x4000, s31;
	s1 =	sadd.s32 s1, s30  }
0xbc: {  	s0 =	sor.u32 s3, s0;
	s1 =	sshll.u32 s1, $0x11  }
0xbd: {  	s0 =	sor.u32 s1, s0  }
0xbe: {  	s0 =	sadd.s32 $0x8F2B, s0  }
0xbf: {  	[sflag:s0] =	ssyncadd.remote.s32 $0x1  }
0xc0: {  	_ =	sfence.sel $0xFFFF  }
0xc1: {  	[dreg:$0x0] =	wrdreg $0xFFFFFFFF;
	(pc) =	sbr.abs _section_cstart, $3  }
0xc2: {  	[dreg:$0x1] =	wrdreg $0xFFFFFFFF  }
0xc3: {  	_ =	task.clear_ibuf [dreg:s7], $0x2FFFF;
	_ =	strace $0x9FFFFFFF  }
0xc4: {  	(tm) =	ssettm $0x7FFFFFFF  }
0xc5: {  	_ =	shalt  }
tec
execute0_lowered:
.L_overlay_start_1:
0x0: {  	(tag) =	ssettag $0x1  }
0x1: {  	s0 =	rddreg [dreg:$0x0]  }
0x2: {  	s1 =	rddreg [dreg:$0x1];
	s11 =	stileid.u32  }
0x3: {  	s3 =	srdreg.scid;
	s2 =	rddreg [dreg:$0x2];
	s15 =	simm.s32 $0x0  }
0x4: {  	s18 =	simm.s32 $0x80;
	s28 =	simm.s32 $0xDC00;
	s29 =	simm.s32 $0xE800  }
0x5: {  	s30 =	simm.s32 $0xF400;
	s31 =	simm.s32 $0x1;
	s5 =	smul.u32 $0x7530, s11  }
0x6: {  	s13 =	simm.s32 $0x4;
	s14 =	simm.s32 $0x9;
	s7 =	smul.u32 $0xA00, s11  }
0x7: {  	s17 =	simm.s32 $0xE;
	s16 =	simm.s32 $0x0;
	s20 =	smul.u32 $0x3C00, s11  }
0x8: {  	s4 =	sand.u32 $0x1, s3;
	[smem:$0x7FF] =	sst s15;
	s11 =	smul.u32 $0xEA60, s11  }
0x9: {  	s3 =	rddreg [dreg:$0x3];
	s6 =	smul.u32 $0x18, s4;
	_ =	strace $0x8000004D  }
0xa: {  	s8 =	smul.u32 $0x3C000, s4;
	s4 =	ssub.s32 $0x2, s4;
	s9 =	sadd.s32 s7, s1  }
0xb: {  	s10 =	sshrl.u32 s20, $0x3;
	s12 =	sshrl.u32 s4, $0x1;
	s21 =	sshrl.u32 s11, $0x2  }
0xc: {  	s0 =	sadd.s32 s0, s7;
	s7 =	simm.s32 $0x7;
	s11 =	simm.s32 $0xF  }
0xd: {  	s5 =	sadd.s32 s6, s5;
	s8 =	sadd.s32 s20, s8;
	s10 =	sadd.s32 s10, s1  }
0xe: {  	s4 =	ssub.s32 s4, s12;
	s22 =	sadd.s32 s21, s2;
	[dreg:$0x9] =	wrdreg s0  }
0xf: {  	s24 =	sadd.s32 $0x2400, s9;
	s21 =	simm.s32 $0x10000;
	s0 =	simm.s32 $0x3  }
0x10: {  	s6 =	simm.s32 $0x6;
	s9 =	simm.s32 $0x8;
	s12 =	simm.s32 $0x10  }
0x11: {  	s5 =	sshrl.u32 s5, $0x3;
	s8 =	sshrl.u32 s8, $0x3;
	[dreg:$0x6] =	wrdreg s22  }
0x12: {  	s23 =	sadd.s32 $0x1B000, s10;
	[dreg:$0xa] =	wrdreg s24;
	s26 =	smax.u32 s4, $0x1  }
0x13: {  	s22 =	simm.s32 $0xB;
	s24 =	simm.s32 $0xC;
	s10 =	simm.s32 $0xD  }
0x14: {  	s5 =	sadd.s32 s5, s1;
	s1 =	sadd.s32 s8, s1;
	[dreg:$0x7] =	wrdreg s23  }
0x15: {  	s8 =	sadd.s32 s20, s3;
	[dreg:$0xc] =	wrdreg s26;
	s23 =	simm.s32 $0x11  }
0x16: {  	s26 =	simm.s32 $0xD000;
	s5 =	sadd.s32 $0xC400, s5;
	[dreg:$0x8] =	wrdreg s8  }
0x17: {  	s20 =	simm.s32 $0xA;
	s25 =	sadd.s32 $0x22800, s1;
	[dreg:$0x5] =	wrdreg s5  }
0x18: {  	s1 =	simm.s32 $0x2;
	[dreg:$0xb] =	wrdreg s25;
	s5 =	simm.s32 $0x5  }
.LBB2_1:
0x19: {  	[dreg:$0xd] =	wrdreg s16  }
0x1a: {  	s4 =	rddreg [dreg:$0x5];
	s25 =	simm.s32 $0x18;
	s19 =	simm.s32 $0x30  }
0x1b: {  	[tilespmem:s21], [sflag:$0x11] =	stream.strided.gather [hbm4b:s4+s25], $0x3A98, s19, s25, $0x38;
	[tilespmem:$0x1B298] =	vst v63  }
0x1c: {  	_ =	swait.ge [sflag:s23], $0x3A98  }
0x1d: {  	[sflag:s23] =	ssyncset.done $0x0  }
0x1e: {  	s19 =	rddreg [dreg:$0x6];
	[sflag:s23] =	ssyncadd.s32 $0xFFFFC568  }
0x1f: {  	[spmem:s19] =	stream.linear.scatter [tilespmem:s21], [sflag:$0x11], $0x3A98, $0x38;
	[tilespmem:$0x1B298] =	vst v63  }
0x20: {  	_ =	swait.ge [sflag:s23], $0x3A98  }
0x21: {  	[sflag:s23] =	ssyncset.done $0x0  }
0x22: {  	s25 =	rddreg [dreg:$0x7];
	[sflag:s23] =	ssyncadd.s32 $0xFFFFC568  }
0x23: {  	[tilespmem:s21], [sflag:$0x11] =	stream.linear.gather [hbm4b:s25+s15], $0x3C00, $0x38;
	[tilespmem:$0x1B298] =	vst v63  }
0x24: {  	_ =	swait.ge [sflag:s23], $0x3C00  }
0x25: {  	[sflag:s23] =	ssyncset.done $0x0  }
0x26: {  	[sflag:s23] =	ssyncadd.s32 $0xFFFFC400  }
0x27: {  	[spmem:s8] =	stream.linear.scatter [tilespmem:s21], [sflag:$0x11], $0x3C00, $0x38;
	[tilespmem:$0x1B298] =	vst v63  }
0x28: {  	_ =	swait.ge [sflag:s23], $0x3C00  }
0x29: {  	[sflag:s23] =	ssyncset.done $0x0  }
0x2a: {  	s8 =	rddreg [dreg:$0x9];
	[sflag:s23] =	ssyncadd.s32 $0xFFFFC400  }
0x2b: {  	[tilespmem:s15], [sflag:$0x11] =	stream.linear.gather [hbm4b:s8+s15], $0x5000, $0x38;
	[tilespmem:$0x1B298] =	vst v63  }
0x2c: {  	_ =	swait.ge [sflag:s23], $0x5000  }
0x2d: {  	[sflag:s23] =	ssyncset.done $0x0  }
0x2e: {  	s19 =	simm.s32 $0x5000;
	s16 =	rddreg [dreg:$0xa];
	[sflag:s23] =	ssyncadd.s32 $0xFFFFB000  }
0x2f: {  	[tilespmem:s19], [sflag:$0x11] =	stream.linear.gather [hbm4b:s16+s15], $0x5000, $0x38;
	[tilespmem:$0x1B298] =	vst v63  }
0x30: {  	_ =	swait.ge [sflag:s23], $0x5000  }
0x31: {  	[sflag:s23] =	ssyncset.done $0x0  }
0x32: {  	[sflag:s23] =	ssyncadd.s32 $0xFFFFB000  }
0x33: {  	s15 =	simm.s32 $0xA000;
	[bflag:$0x0] =	sbarrier.arrive $0xFFFF  }
0x34: {  	[tilespmem:s15], [sflag:$0x1] =	stream.indirect.gather [spmem:s2], $0x18, s19, s18, $0xb8;
	[tilespmem:$0x1B298] =	vst v63  }
0x35: {  	s21 =	simm.s32 $0x5080;
	s8 =	simm.s32 $0xAC00  }
0x36: {  	[tilespmem:s8], [sflag:$0x2] =	stream.indirect.gather [spmem:s2], $0x18, s21, s18, $0xb8;
	[tilespmem:$0x1B298] =	vst v63  }
0x37: {  	s16 =	simm.s32 $0xB800;
	s23 =	simm.s32 $0x5100  }
0x38: {  	[tilespmem:s16], [sflag:$0x3] =	stream.indirect.gather [spmem:s2], $0x18, s23, s18, $0xb8;
	[tilespmem:$0x1B298] =	vst v63  }
0x39: {  	s25 =	simm.s32 $0x5180;
	s19 =	simm.s32 $0xC400  }
0x3a: {  	[tilespmem:s19], [sflag:$0x4] =	stream.indirect.gather [spmem:s2], $0x18, s25, s18, $0xb8;
	[tilespmem:$0x1B298] =	vst v63  }
0x3b: {  	s21 =	simm.s32 $0x5200  }
0x3c: {  	[tilespmem:s26], [sflag:$0x5] =	stream.indirect.gather [spmem:s2], $0x18, s21, s18, $0xb8;
	[tilespmem:$0x1B298] =	vst v63  }
0x3d: {  	s23 =	simm.s32 $0x5280  }
0x3e: {  	[tilespmem:s28], [sflag:$0x6] =	stream.indirect.gather [spmem:s2], $0x18, s23, s18, $0xb8;
	[tilespmem:$0x1B298] =	vst v63  }
0x3f: {  	s25 =	simm.s32 $0x5300  }
0x40: {  	[tilespmem:s29], [sflag:$0x7] =	stream.indirect.gather [spmem:s2], $0x18, s25, s18, $0xb8;
	[tilespmem:$0x1B298] =	vst v63  }
0x41: {  	s21 =	simm.s32 $0x5380  }
0x42: {  	[tilespmem:s30], [sflag:$0x8] =	stream.indirect.gather [spmem:s2], $0x18, s21, s18, $0xb8;
	[tilespmem:$0x1B298] =	vst v63  }
0x43: {  	_ =	swait.ge [sflag:s31], $0xC00  }
0x44: {  	[sflag:s31] =	ssyncset.done $0x0  }
0x45: {  	s23 =	simm.s32 $0x0;
	[sflag:s31] =	ssyncadd.s32 $0xFFFFF400  }
0x46: {  	[spmem:s3] =	stream.indirect.scatter.add.f32 [tilespmem:s15], [sflag:$0x9], $0x18, s23, s18, $0xb8;
	[tilespmem:$0x1B298] =	vst v63  }
0x47: {  	_ =	swait.ge [sflag:s1], $0xC00  }
0x48: {  	[sflag:s1] =	ssyncset.done $0x0  }
0x49: {  	s25 =	simm.s32 $0x80;
	[sflag:s1] =	ssyncadd.s32 $0xFFFFF400  }
0x4a: {  	[spmem:s3] =	stream.indirect.scatter.add.f32 [tilespmem:s8], [sflag:$0xA], $0x18, s25, s18, $0xb8;
	[tilespmem:$0x1B298] =	vst v63  }
0x4b: {  	_ =	swait.ge [sflag:s0], $0xC00  }
0x4c: {  	[sflag:s0] =	ssyncset.done $0x0  }
0x4d: {  	s15 =	simm.s32 $0x100;
	[sflag:s0] =	ssyncadd.s32 $0xFFFFF400  }
0x4e: {  	[spmem:s3] =	stream.indirect.scatter.add.f32 [tilespmem:s16], [sflag:$0xB], $0x18, s15, s18, $0xb8;
	[tilespmem:$0x1B298] =	vst v63  }
0x4f: {  	_ =	swait.ge [sflag:s13], $0xC00  }
0x50: {  	[sflag:s13] =	ssyncset.done $0x0  }
0x51: {  	s16 =	simm.s32 $0x180;
	[sflag:s13] =	ssyncadd.s32 $0xFFFFF400  }
0x52: {  	[spmem:s3] =	stream.indirect.scatter.add.f32 [tilespmem:s19], [sflag:$0xC], $0x18, s16, s18, $0xb8;
	[tilespmem:$0x1B298] =	vst v63  }
0x53: {  	_ =	swait.ge [sflag:s14], $0xC00  }
0x54: {  	[sflag:s14] =	ssyncset.done $0x0  }
0x55: {  	[sflag:s14] =	ssyncadd.s32 $0xFFFFF400  }
0x56: {  	_ =	swait.ge [sflag:s20], $0xC00  }
0x57: {  	[sflag:s20] =	ssyncset.done $0x0  }
0x58: {  	[sflag:s20] =	ssyncadd.s32 $0xFFFFF400  }
0x59: {  	_ =	swait.ge [sflag:s22], $0xC00  }
0x5a: {  	[sflag:s22] =	ssyncset.done $0x0  }
0x5b: {  	[sflag:s22] =	ssyncadd.s32 $0xFFFFF400  }
0x5c: {  	p0 =	por $0x0, $0x0;
	_ =	swait.ge [sflag:s24], $0xC00  }
0x5d: {  	s4 =	simm.s32 @!p0 $0xA000;
	[sflag:s24] =	ssyncset.done $0x0  }
0x5e: {  	s8 =	simm.s32 @!p0 $0x5400;
	s15 =	simm.s32 @!p0 $0x80;
	[sflag:s24] =	ssyncadd.s32 $0xFFFFF400  }
0x5f: {  	[tilespmem:s4], [sflag:$0x1] =	stream.indirect.gather @!p0 [spmem:s2], $0x18, s8, s15, $0xb8;
	[tilespmem:$0x1B298] =	vst v63  }
0x60: {  	s4 =	simm.s32 @!p0 $0x5480;
	s8 =	simm.s32 @!p0 $0xAC00  }
0x61: {  	[tilespmem:s8], [sflag:$0x2] =	stream.indirect.gather @!p0 [spmem:s2], $0x18, s4, s15, $0xb8;
	[tilespmem:$0x1B298] =	vst v63  }
0x62: {  	s4 =	simm.s32 @!p0 $0x5500;
	s8 =	simm.s32 @!p0 $0xB800  }
0x63: {  	[tilespmem:s8], [sflag:$0x3] =	stream.indirect.gather @!p0 [spmem:s2], $0x18, s4, s15, $0xb8;
	[tilespmem:$0x1B298] =	vst v63  }
0x64: {  	s4 =	simm.s32 @!p0 $0x5580;
	s8 =	simm.s32 @!p0 $0xC400  }
0x65: {  	[tilespmem:s8], [sflag:$0x4] =	stream.indirect.gather @!p0 [spmem:s2], $0x18, s4, s15, $0xb8;
	[tilespmem:$0x1B298] =	vst v63  }
0x66: {  	_ =	swait.ge [sflag:s5], $0xC00  }
0x67: {  	[sflag:s5] =	ssyncset.done $0x0  }
0x68: {  	s19 =	simm.s32 $0x200;
	[sflag:s5] =	ssyncadd.s32 $0xFFFFF400  }
0x69: {  	[spmem:s3] =	stream.indirect.scatter.add.f32 [tilespmem:s26], [sflag:$0xD], $0x18, s19, s18, $0xb8;
	[tilespmem:$0x1B298] =	vst v63  }
0x6a: {  	_ =	swait.ge [sflag:s6], $0xC00  }
0x6b: {  	[sflag:s6] =	ssyncset.done $0x0  }
0x6c: {  	s21 =	simm.s32 $0x280;
	[sflag:s6] =	ssyncadd.s32 $0xFFFFF400  }
0x6d: {  	[spmem:s3] =	stream.indirect.scatter.add.f32 [tilespmem:s28], [sflag:$0xE], $0x18, s21, s18, $0xb8;
	[tilespmem:$0x1B298] =	vst v63  }
0x6e: {  	_ =	swait.ge [sflag:s7], $0xC00  }
0x6f: {  	[sflag:s7] =	ssyncset.done $0x0  }
0x70: {  	s23 =	simm.s32 $0x300;
	[sflag:s7] =	ssyncadd.s32 $0xFFFFF400  }
0x71: {  	[spmem:s3] =	stream.indirect.scatter.add.f32 [tilespmem:s29], [sflag:$0xF], $0x18, s23, s18, $0xb8;
	[tilespmem:$0x1B298] =	vst v63  }
0x72: {  	_ =	swait.ge [sflag:s9], $0xC00  }
0x73: {  	[sflag:s9] =	ssyncset.done $0x0  }
0x74: {  	s25 =	simm.s32 $0x380;
	[sflag:s9] =	ssyncadd.s32 $0xFFFFF400  }
0x75: {  	[spmem:s3] =	stream.indirect.scatter.add.f32 [tilespmem:s30], [sflag:$0x10], $0x18, s25, s18, $0xb8;
	[tilespmem:$0x1B298] =	vst v63  }
0x76: {  	_ =	swait.ge [sflag:s10], $0xC00  }
0x77: {  	[sflag:s10] =	ssyncset.done $0x0  }
0x78: {  	[sflag:s10] =	ssyncadd.s32 $0xFFFFF400  }
0x79: {  	_ =	swait.ge [sflag:s17], $0xC00  }
0x7a: {  	[sflag:s17] =	ssyncset.done $0x0  }
0x7b: {  	[sflag:s17] =	ssyncadd.s32 $0xFFFFF400  }
0x7c: {  	_ =	swait.ge [sflag:s11], $0xC00  }
0x7d: {  	[sflag:s11] =	ssyncset.done $0x0  }
0x7e: {  	[sflag:s11] =	ssyncadd.s32 $0xFFFFF400  }
0x7f: {  	s15 =	simm.s32 $0x1000;
	_ =	swait.ge [sflag:s12], $0xC00  }
0x80: {  	s4 =	simm.s32 $0x2000;
	s8 =	simm.s32 $0x400;
	[sflag:s12] =	ssyncset.done $0x0  }
.LBB2_2:
0x81: {  	s19 =	sadd.s32 $0x5200, s8  }
0x82: {  	[sflag:s12] =	ssyncadd.s32 $0xFFFFF400;
	s16 =	smov.u32 s4;
	s4 =	sadd.s32 $0x1000, s4  }
0x83: {  	[tilespmem:s26], [sflag:$0x5] =	stream.indirect.gather [spmem:s2], $0x18, s19, s18, $0xb8;
	[tilespmem:$0x1B298] =	vst v63  }
0x84: {  	p0 =	sne.s32 s4, $0x14000;
	s19 =	sadd.s32 $0x5280, s8  }
0x85: {  	[tilespmem:s28], [sflag:$0x6] =	stream.indirect.gather [spmem:s2], $0x18, s19, s18, $0xb8;
	[tilespmem:$0x1B298] =	vst v63  }
0x86: {  	s19 =	sadd.s32 $0x5300, s8  }
0x87: {  	[tilespmem:s29], [sflag:$0x7] =	stream.indirect.gather [spmem:s2], $0x18, s19, s18, $0xb8;
	[tilespmem:$0x1B298] =	vst v63  }
0x88: {  	s19 =	sadd.s32 $0x5380, s8  }
0x89: {  	[tilespmem:s30], [sflag:$0x8] =	stream.indirect.gather [spmem:s2], $0x18, s19, s18, $0xb8;
	[tilespmem:$0x1B298] =	vst v63  }
0x8a: {  	_ =	swait.ge [sflag:s31], $0xC00  }
0x8b: {  	[sflag:s31] =	ssyncset.done $0x0  }
0x8c: {  	s19 =	simm.s32 $0xA000;
	[sflag:s31] =	ssyncadd.s32 $0xFFFFF400  }
0x8d: {  	[spmem:s3] =	stream.indirect.scatter.add.f32 [tilespmem:s19], [sflag:$0x9], $0x18, s8, s18, $0xb8;
	[tilespmem:$0x1B298] =	vst v63  }
0x8e: {  	_ =	swait.ge [sflag:s1], $0xC00  }
0x8f: {  	[sflag:s1] =	ssyncset.done $0x0  }
0x90: {  	s21 =	simm.s32 $0xAC00;
	s19 =	sadd.s32 $0x80, s8;
	[sflag:s1] =	ssyncadd.s32 $0xFFFFF400  }
0x91: {  	[spmem:s3] =	stream.indirect.scatter.add.f32 [tilespmem:s21], [sflag:$0xA], $0x18, s19, s18, $0xb8;
	[tilespmem:$0x1B298] =	vst v63  }
0x92: {  	_ =	swait.ge [sflag:s0], $0xC00  }
0x93: {  	[sflag:s0] =	ssyncset.done $0x0  }
0x94: {  	s19 =	sadd.s32 $0x100, s8;
	s21 =	simm.s32 $0xB800;
	[sflag:s0] =	ssyncadd.s32 $0xFFFFF400  }
0x95: {  	[spmem:s3] =	stream.indirect.scatter.add.f32 [tilespmem:s21], [sflag:$0xB], $0x18, s19, s18, $0xb8;
	[tilespmem:$0x1B298] =	vst v63  }
0x96: {  	_ =	swait.ge [sflag:s13], $0xC00  }
0x97: {  	[sflag:s13] =	ssyncset.done $0x0  }
0x98: {  	s19 =	sadd.s32 $0x180, s8;
	s21 =	simm.s32 $0xC400;
	[sflag:s13] =	ssyncadd.s32 $0xFFFFF400  }
0x99: {  	[spmem:s3] =	stream.indirect.scatter.add.f32 [tilespmem:s21], [sflag:$0xC], $0x18, s19, s18, $0xb8;
	[tilespmem:$0x1B298] =	vst v63  }
0x9a: {  	_ =	swait.ge [sflag:s14], $0xC00  }
0x9b: {  	[sflag:s14] =	ssyncset.done $0x0  }
0x9c: {  	[sflag:s14] =	ssyncadd.s32 $0xFFFFF400  }
0x9d: {  	_ =	swait.ge [sflag:s20], $0xC00  }
0x9e: {  	[sflag:s20] =	ssyncset.done $0x0  }
0x9f: {  	[sflag:s20] =	ssyncadd.s32 $0xFFFFF400  }
0xa0: {  	_ =	swait.ge [sflag:s22], $0xC00  }
0xa1: {  	[sflag:s22] =	ssyncset.done $0x0  }
0xa2: {  	[sflag:s22] =	ssyncadd.s32 $0xFFFFF400  }
0xa3: {  	p1 =	seq.s32 s15, $0x13000;
	_ =	swait.ge [sflag:s24], $0xC00  }
0xa4: {  	s15 =	sshra.s32 @!p1 s15, $0x2;
	s19 =	simm.s32 @!p1 $0xA000;
	[sflag:s24] =	ssyncset.done $0x0  }
0xa5: {  	s23 =	simm.s32 @!p1 $0x80;
	s21 =	sadd.s32 @!p1 $0x5400, s15;
	[sflag:s24] =	ssyncadd.s32 $0xFFFFF400  }
0xa6: {  	[tilespmem:s19], [sflag:$0x1] =	stream.indirect.gather @!p1 [spmem:s2], $0x18, s21, s23, $0xb8;
	[tilespmem:$0x1B298] =	vst v63  }
0xa7: {  	s25 =	sadd.s32 @!p1 $0x5500, s15;
	s19 =	sadd.s32 @!p1 $0x5480, s15;
	s21 =	simm.s32 @!p1 $0xAC00  }
0xa8: {  	[tilespmem:s21], [sflag:$0x2] =	stream.indirect.gather @!p1 [spmem:s2], $0x18, s19, s23, $0xb8;
	[tilespmem:$0x1B298] =	vst v63  }
0xa9: {  	s19 =	simm.s32 @!p1 $0xB800;
	s21 =	sadd.s32 @!p1 $0x5580, s15;
	s15 =	smov.u32 s16  }
0xaa: {  	[tilespmem:s19], [sflag:$0x3] =	stream.indirect.gather @!p1 [spmem:s2], $0x18, s25, s23, $0xb8;
	[tilespmem:$0x1B298] =	vst v63  }
0xab: {  	s16 =	simm.s32 @!p1 $0xC400  }
0xac: {  	[tilespmem:s16], [sflag:$0x4] =	stream.indirect.gather @!p1 [spmem:s2], $0x18, s21, s23, $0xb8;
	[tilespmem:$0x1B298] =	vst v63  }
0xad: {  	_ =	swait.ge [sflag:s5], $0xC00  }
0xae: {  	[sflag:s5] =	ssyncset.done $0x0  }
0xaf: {  	s16 =	sadd.s32 $0x200, s8;
	[sflag:s5] =	ssyncadd.s32 $0xFFFFF400  }
0xb0: {  	[spmem:s3] =	stream.indirect.scatter.add.f32 [tilespmem:s26], [sflag:$0xD], $0x18, s16, s18, $0xb8;
	[tilespmem:$0x1B298] =	vst v63  }
0xb1: {  	_ =	swait.ge [sflag:s6], $0xC00  }
0xb2: {  	[sflag:s6] =	ssyncset.done $0x0  }
0xb3: {  	s16 =	sadd.s32 $0x280, s8;
	[sflag:s6] =	ssyncadd.s32 $0xFFFFF400  }
0xb4: {  	[spmem:s3] =	stream.indirect.scatter.add.f32 [tilespmem:s28], [sflag:$0xE], $0x18, s16, s18, $0xb8;
	[tilespmem:$0x1B298] =	vst v63  }
0xb5: {  	_ =	swait.ge [sflag:s7], $0xC00  }
0xb6: {  	[sflag:s7] =	ssyncset.done $0x0  }
0xb7: {  	s16 =	sadd.s32 $0x300, s8;
	[sflag:s7] =	ssyncadd.s32 $0xFFFFF400  }
0xb8: {  	[spmem:s3] =	stream.indirect.scatter.add.f32 [tilespmem:s29], [sflag:$0xF], $0x18, s16, s18, $0xb8;
	[tilespmem:$0x1B298] =	vst v63  }
0xb9: {  	_ =	swait.ge [sflag:s9], $0xC00  }
0xba: {  	[sflag:s9] =	ssyncset.done $0x0  }
0xbb: {  	s8 =	sadd.s32 $0x380, s8;
	[sflag:s9] =	ssyncadd.s32 $0xFFFFF400  }
0xbc: {  	[spmem:s3] =	stream.indirect.scatter.add.f32 [tilespmem:s30], [sflag:$0x10], $0x18, s8, s18, $0xb8;
	[tilespmem:$0x1B298] =	vst v63  }
0xbd: {  	_ =	swait.ge [sflag:s10], $0xC00  }
0xbe: {  	[sflag:s10] =	ssyncset.done $0x0  }
0xbf: {  	[sflag:s10] =	ssyncadd.s32 $0xFFFFF400  }
0xc0: {  	_ =	swait.ge [sflag:s17], $0xC00  }
0xc1: {  	[sflag:s17] =	ssyncset.done $0x0  }
0xc2: {  	[sflag:s17] =	ssyncadd.s32 $0xFFFFF400  }
.Ltmp0:
0xc3: {  	_ =	swait.ge [sflag:s11], $0xC00;
	(pc) =	sbr.rel @p0 .LBB2_2-.Ltmp0, $4  }
0xc4: {  	[sflag:s11] =	ssyncset.done $0x0  }
0xc5: {  	[sflag:s11] =	ssyncadd.s32 $0xFFFFF400  }
0xc6: {  	_ =	swait.ge [sflag:s12], $0xC00  }
0xc7: {  	s8 =	sshra.s32 s15, $0x2;
	[sflag:s12] =	ssyncset.done $0x0  }
0xc8: {  	s4 =	sadd.s32 $0x5200, s8;
	[sflag:s12] =	ssyncadd.s32 $0xFFFFF400  }
0xc9: {  	[tilespmem:s26], [sflag:$0x5] =	stream.indirect.gather [spmem:s2], $0x18, s4, s18, $0xb8;
	[tilespmem:$0x1B298] =	vst v63  }
0xca: {  	s23 =	sadd.s32 $0x5280, s8  }
0xcb: {  	[tilespmem:s28], [sflag:$0x6] =	stream.indirect.gather [spmem:s2], $0x18, s23, s18, $0xb8;
	[tilespmem:$0x1B298] =	vst v63  }
0xcc: {  	s25 =	sadd.s32 $0x5300, s8  }
0xcd: {  	[tilespmem:s29], [sflag:$0x7] =	stream.indirect.gather [spmem:s2], $0x18, s25, s18, $0xb8;
	[tilespmem:$0x1B298] =	vst v63  }
0xce: {  	s16 =	sadd.s32 $0x5380, s8  }
0xcf: {  	[tilespmem:s30], [sflag:$0x8] =	stream.indirect.gather [spmem:s2], $0x18, s16, s18, $0xb8;
	[tilespmem:$0x1B298] =	vst v63  }
0xd0: {  	_ =	swait.ge [sflag:s31], $0xC00  }
0xd1: {  	[sflag:s31] =	ssyncset.done $0x0  }
0xd2: {  	s19 =	simm.s32 $0xA000;
	[sflag:s31] =	ssyncadd.s32 $0xFFFFF400  }
0xd3: {  	[spmem:s3] =	stream.indirect.scatter.add.f32 [tilespmem:s19], [sflag:$0x9], $0x18, s8, s18, $0xb8;
	[tilespmem:$0x1B298] =	vst v63  }
0xd4: {  	_ =	swait.ge [sflag:s1], $0xC00  }
0xd5: {  	[sflag:s1] =	ssyncset.done $0x0  }
0xd6: {  	s21 =	sadd.s32 $0x80, s8;
	s16 =	simm.s32 $0xAC00;
	[sflag:s1] =	ssyncadd.s32 $0xFFFFF400  }
0xd7: {  	[spmem:s3] =	stream.indirect.scatter.add.f32 [tilespmem:s16], [sflag:$0xA], $0x18, s21, s18, $0xb8;
	[tilespmem:$0x1B298] =	vst v63  }
0xd8: {  	_ =	swait.ge [sflag:s0], $0xC00  }
0xd9: {  	[sflag:s0] =	ssyncset.done $0x0  }
0xda: {  	s23 =	sadd.s32 $0x100, s8;
	s25 =	simm.s32 $0xB800;
	[sflag:s0] =	ssyncadd.s32 $0xFFFFF400  }
0xdb: {  	[spmem:s3] =	stream.indirect.scatter.add.f32 [tilespmem:s25], [sflag:$0xB], $0x18, s23, s18, $0xb8;
	[tilespmem:$0x1B298] =	vst v63  }
0xdc: {  	_ =	swait.ge [sflag:s13], $0xC00  }
0xdd: {  	[sflag:s13] =	ssyncset.done $0x0  }
0xde: {  	s19 =	simm.s32 $0xC400;
	s16 =	sadd.s32 $0x180, s8;
	[sflag:s13] =	ssyncadd.s32 $0xFFFFF400  }
0xdf: {  	[spmem:s3] =	stream.indirect.scatter.add.f32 [tilespmem:s19], [sflag:$0xC], $0x18, s16, s18, $0xb8;
	[tilespmem:$0x1B298] =	vst v63  }
0xe0: {  	_ =	swait.ge [sflag:s14], $0xC00  }
0xe1: {  	[sflag:s14] =	ssyncset.done $0x0  }
0xe2: {  	[sflag:s14] =	ssyncadd.s32 $0xFFFFF400  }
0xe3: {  	_ =	swait.ge [sflag:s20], $0xC00  }
0xe4: {  	[sflag:s20] =	ssyncset.done $0x0  }
0xe5: {  	[sflag:s20] =	ssyncadd.s32 $0xFFFFF400  }
0xe6: {  	_ =	swait.ge [sflag:s22], $0xC00  }
0xe7: {  	[sflag:s22] =	ssyncset.done $0x0  }
0xe8: {  	[sflag:s22] =	ssyncadd.s32 $0xFFFFF400  }
0xe9: {  	p0 =	seq.s32 s15, $0x13000;
	_ =	swait.ge [sflag:s24], $0xC00  }
0xea: {  	s4 =	sshra.s32 @!p0 s15, $0x2;
	s15 =	simm.s32 @!p0 $0xA000;
	[sflag:s24] =	ssyncset.done $0x0  }
0xeb: {  	s16 =	sadd.s32 @!p0 $0x5400, s4;
	s19 =	simm.s32 @!p0 $0x80;
	[sflag:s24] =	ssyncadd.s32 $0xFFFFF400  }
0xec: {  	[tilespmem:s15], [sflag:$0x1] =	stream.indirect.gather @!p0 [spmem:s2], $0x18, s16, s19, $0xb8;
	[tilespmem:$0x1B298] =	vst v63  }
0xed: {  	s15 =	sadd.s32 @!p0 $0x5480, s4;
	s16 =	simm.s32 @!p0 $0xAC00  }
0xee: {  	[tilespmem:s16], [sflag:$0x2] =	stream.indirect.gather @!p0 [spmem:s2], $0x18, s15, s19, $0xb8;
	[tilespmem:$0x1B298] =	vst v63  }
0xef: {  	s15 =	sadd.s32 @!p0 $0x5500, s4;
	s16 =	simm.s32 @!p0 $0xB800  }
0xf0: {  	[tilespmem:s16], [sflag:$0x3] =	stream.indirect.gather @!p0 [spmem:s2], $0x18, s15, s19, $0xb8;
	[tilespmem:$0x1B298] =	vst v63  }
0xf1: {  	s4 =	sadd.s32 @!p0 $0x5580, s4;
	s15 =	simm.s32 @!p0 $0xC400  }
0xf2: {  	[tilespmem:s15], [sflag:$0x4] =	stream.indirect.gather @!p0 [spmem:s2], $0x18, s4, s19, $0xb8;
	[tilespmem:$0x1B298] =	vst v63  }
0xf3: {  	_ =	swait.ge [sflag:s5], $0xC00  }
0xf4: {  	[sflag:s5] =	ssyncset.done $0x0  }
0xf5: {  	s21 =	sadd.s32 $0x200, s8;
	[sflag:s5] =	ssyncadd.s32 $0xFFFFF400  }
0xf6: {  	[spmem:s3] =	stream.indirect.scatter.add.f32 [tilespmem:s26], [sflag:$0xD], $0x18, s21, s18, $0xb8;
	[tilespmem:$0x1B298] =	vst v63  }
0xf7: {  	_ =	swait.ge [sflag:s6], $0xC00  }
0xf8: {  	[sflag:s6] =	ssyncset.done $0x0  }
0xf9: {  	s23 =	sadd.s32 $0x280, s8;
	[sflag:s6] =	ssyncadd.s32 $0xFFFFF400  }
0xfa: {  	[spmem:s3] =	stream.indirect.scatter.add.f32 [tilespmem:s28], [sflag:$0xE], $0x18, s23, s18, $0xb8;
	[tilespmem:$0x1B298] =	vst v63  }
0xfb: {  	_ =	swait.ge [sflag:s7], $0xC00  }
0xfc: {  	[sflag:s7] =	ssyncset.done $0x0  }
0xfd: {  	s25 =	sadd.s32 $0x300, s8;
	[sflag:s7] =	ssyncadd.s32 $0xFFFFF400  }
0xfe: {  	[spmem:s3] =	stream.indirect.scatter.add.f32 [tilespmem:s29], [sflag:$0xF], $0x18, s25, s18, $0xb8;
	[tilespmem:$0x1B298] =	vst v63  }
0xff: {  	_ =	swait.ge [sflag:s9], $0xC00  }
0x100: {  	[sflag:s9] =	ssyncset.done $0x0  }
0x101: {  	s15 =	sadd.s32 $0x380, s8;
	[sflag:s9] =	ssyncadd.s32 $0xFFFFF400  }
0x102: {  	[spmem:s3] =	stream.indirect.scatter.add.f32 [tilespmem:s30], [sflag:$0x10], $0x18, s15, s18, $0xb8;
	[tilespmem:$0x1B298] =	vst v63  }
0x103: {  	_ =	swait.ge [sflag:s10], $0xC00  }
0x104: {  	[sflag:s10] =	ssyncset.done $0x0  }
0x105: {  	[sflag:s10] =	ssyncadd.s32 $0xFFFFF400  }
0x106: {  	_ =	swait.ge [sflag:s17], $0xC00  }
0x107: {  	[sflag:s17] =	ssyncset.done $0x0  }
0x108: {  	[sflag:s17] =	ssyncadd.s32 $0xFFFFF400  }
0x109: {  	_ =	swait.ge [sflag:s11], $0xC00  }
0x10a: {  	[sflag:s11] =	ssyncset.done $0x0  }
0x10b: {  	[sflag:s11] =	ssyncadd.s32 $0xFFFFF400  }
0x10c: {  	_ =	swait.ge [sflag:s12], $0xC00  }
0x10d: {  	[sflag:s12] =	ssyncset.done $0x0  }
0x10e: {  	[sflag:s12] =	ssyncadd.s32 $0xFFFFF400  }
0x10f: {  	[bflag:$0x0] =	sbarrier.arrive $0xFFFF  }
0x110: {  	s21 =	simm.s32 $0x10000;
	s23 =	simm.s32 $0x11;
	s8 =	rddreg [dreg:$0x8]  }
0x111: {  	[tilespmem:s21], [sflag:$0x11] =	stream.linear.gather [spmem:s8], $0x3C00, $0x38;
	[tilespmem:$0x1B298] =	vst v63  }
0x112: {  	_ =	swait.ge [sflag:s23], $0x3C00  }
0x113: {  	[sflag:s23] =	ssyncset.done $0x0  }
0x114: {  	s15 =	simm.s32 $0x0;
	s16 =	rddreg [dreg:$0xb];
	[sflag:s23] =	ssyncadd.s32 $0xFFFFC400  }
0x115: {  	[hbm4b:s16+s15] =	stream.linear.scatter [tilespmem:s21], [sflag:$0x11], $0x3C00, $0x38;
	[tilespmem:$0x1B298] =	vst v63  }
0x116: {  	_ =	swait.ge [sflag:s23], $0x3C00  }
0x117: {  	s19 =	rddreg [dreg:$0xd]  }
0x118: {  	s25 =	rddreg [dreg:$0xc];
	s16 =	sadd.s32 $0x1, s19  }
0x119: {  	p0 =	sne.s32 s16, s25  }
.Ltmp1:
0x11a: {  	_ = 	snop;
	(pc) =	sbr.rel @p0 .LBB2_1-.Ltmp1, $3  }
0x11b: {  	_ =	sdelay $0x1  }
0x11c: {  	[sflag:s23] =	ssyncset.done $0x0  }
0x11d: {  	[sflag:s23] =	ssyncadd.s32 $0xFFFFC400  }
0x11e: {  	_ =	sfence.sel $0x180000  }
0x11f: {  	[bflag:$0x0] =	sbarrier.arrive $0xFFFF  }
0x120: {  	_ =	strace $0x9000004D  }
0x121: {  	s0 =	stileid.u32;
	[bflag:$0x2] =	sbarrier.arrive $0xFFFF  }
0x122: {  	p0 =	sne.s32 s0, $0x0;
	s0 =	rddreg [dreg:$0x4]  }
0x123: {  	s0 =	sadd.s32 @!p0 $0x100000, s0  }
0x124: {  	[sflag:s0] =	ssyncadd.tile.s32 @!p0 $0x1;
	_ =	shalt  }
.Lfunc_end2:
_tile_overlayer_lowered:
.L_overlay_start_2:
0x125: {  	(tag) =	ssettag $0x2  }
0x126: {  	s0 =	rddreg [dreg:$0x0];
	s2 =	stileid.u32  }
0x127: {  	s1 =	rddreg [dreg:$0x1];
	p0 =	sne.s32 s2, $0x0  }
0x128: {  	s3 =	rddreg [dreg:$0x2];
	[bflag:$0x3] =	sbarrier.arrive $0xFFFF;
	s2 =	simm.s32 @!p0 $0x1C11  }
0x129: {  	[timem:s3], [sflag:s2] =	dma.local @!p0 [hbm:s0], s1  }
0x12a: {  	s0 =	simm.s32 @!p0 $0x11  }
0x12b: {  	_ =	swait.ge @!p0 [sflag:s0], s1  }
0x12c: {  	s1 =	ssub.s32 @!p0 $0x0, s1;
	[sflag:s0] =	ssyncset.done @!p0 $0x0  }
0x12d: {  	[sflag:s0] =	ssyncadd.s32 @!p0 s1  }
0x12e: {  	[bflag:$0x3] =	sbarrier.arrive $0xFFFF  }
0x12f: {  	_ =	shalt  }

// kernel: kernel.8.cloned.1.call-start
scs
__scs_entry_jumppad:
0x0: {  	(pc) =	sbr.rel $0x88, $3  }
0x1: {  	(tag) =	ssettag $0x0;
	lr =	simm.s32 $0x1  }
0x2: {  	[smem:$0x3F9B] =	sst lr;
	_ =	strace $0xD0000000  }
0x3: {  	_ = 	snop  }
0x4: {  	_ = 	snop  }
0x5: {  	_ = 	snop  }
0x6: {  	_ = 	snop  }
0x7: {  	_ = 	snop  }
__scs_overlays_trampoline_lowered:
0x8: {  	[smem:$0x3FAA] =	sst s0  }
0x9: {  	[smem:$0x3FAB] =	sst s1  }
0xa: {  	[smem:$0x3FAC] =	sst s2  }
0xb: {  	[smem:$0x3FAD] =	sst s3  }
0xc: {  	[smem:$0x3FAE] =	sst s4  }
0xd: {  	[smem:$0x3FAF] =	sst s5  }
0xe: {  	[smem:$0x3FB0] =	sst s6  }
0xf: {  	[smem:$0x3FB1] =	sst s7  }
0x10: {  	[smem:$0x3FB2] =	sst s8  }
0x11: {  	[smem:$0x3FB3] =	sst s9;
	s0 =	simm.s32 @!p0 $0x0  }
0x12: {  	s1 =	sld [smem:$0x3F99];
	s0 =	simm.s32 @p0 $0x1  }
0x13: {  	[smem:$0x3FB4] =	sst s0;
	s0 =	simm.s32 @!p1 $0x0  }
0x14: {  	s2 =	sld [smem:$0x3F98];
	s0 =	simm.s32 @p1 $0x1  }
0x15: {  	[smem:$0x3FB5] =	sst s0;
	s0 =	simm.s32 @!p2 $0x0  }
0x16: {  	s3 =	sld [smem:$0x3FDB];
	s0 =	simm.s32 @p2 $0x1  }
0x17: {  	s4 =	simm.s32 $0x1BF5;
	[smem:$0x3FB7] =	sst s0  }
0x18: {  	s0 =	sld [smem:$0x3F9A];
	_ =	swait.ge [sflag:s4], $0x0  }
0x19: {  	s7 =	sld [smem:$0x3F9B]  }
0x1a: {  	s8 =	sadd.s32 $0xFFFFE003, lr  }
0x1b: {  	s9 =	sadd.s32 $0xFFFFFEF7, lr;
	s5 =	simm.s32 $0xFFFFFFFF;
	p2 =	slt.u32 s8, $0xFFFFF086  }
0x1c: {  	p1 =	slt.u32 s9, $0xF7A;
	s5 =	simm.s32 @!p2 $0x0  }
0x1d: {  	s5 =	simm.s32 @p1 $0x1;
	p0 =	seq.s32 s7, s2  }
0x1e: {  	s7 =	smul.u32 @!p0 $0xF7A, s2;
	p2 =	seq.s32 @!p0 s5, $0x0  }
0x1f: {  	s9 =	smul.u32 $0xF7A, s1;
	s8 =	simm.s32 @!p0 $0x1BF5;
	p2 =	por !p2, p0  }
0x20: {  	[sflag:s8] =	ssyncset.s32 @!p0 $0xFFFFF086;
	s6 =	sadd.s32 @!p0 s3, s7;
	s7 =	simm.s32 @!p0 $0x108  }
0x21: {  	s3 =	sadd.s32 s3, s9;
	s6 =	sadd.s32 @!p0 $0x88, s6;
	s7 =	simm.s32 @p2 $0x1082  }
0x22: {  	[simem:s7], [sflag:s8] =	dma.local @!p0 [hbm:s6], $0xF7A  }
0x23: {  	s9 =	sor.u32 $0xD0000000, s2;
	s6 =	simm.s32 $0x108;
	_ =	swait.ge @!p0 [sflag:s8], $0x0  }
0x24: {  	s3 =	sadd.s32 $0x88, s3;
	s6 =	simm.s32 @!p1 $0x1082;
	[sflag:s4] =	ssyncset.s32 $0xFFFFF086  }
0x25: {  	[simem:s6], [sflag:s4] =	dma.local [hbm:s3], $0xF7A  }
0x26: {  	[smem:$0x3F9B] =	sst s1;
	(tag) =	ssettag s2;
	_ =	strace s9  }
0x27: {  	s1 =	sld [smem:$0x3FAB]  }
0x28: {  	s2 =	sld [smem:$0x3FAC]  }
0x29: {  	s4 =	sld [smem:$0x3FAE]  }
0x2a: {  	p0 =	seq.s32 s5, $0x0;
	s5 =	sld [smem:$0x3FAF]  }
0x2b: {  	s6 =	sld [smem:$0x3FB0]  }
0x2c: {  	s7 =	sld [smem:$0x3FB1]  }
0x2d: {  	s3 =	simm.s32 $0x108;
	s8 =	sld [smem:$0x3FB2]  }
0x2e: {  	s3 =	simm.s32 @!p0 $0x1082;
	s9 =	sld [smem:$0x3FB3]  }
0x2f: {  	lr =	sadd.s32 s0, s3;
	s0 =	sld [smem:$0x3FAA]  }
0x30: {  	s3 =	sld [smem:$0x3FAD]  }
0x31: {  	[smem:$0x3FB6] =	sst s10  }
0x32: {  	s10 =	sld [smem:$0x3FB4];
	_ =	sdelay $0x3  }
0x33: {  	p0 =	seq.s32 s10, $0x1;
	s10 =	sld [smem:$0x3FB6];
	_ =	sdelay $0x3  }
0x34: {  	[smem:$0x3FB6] =	sst s10  }
0x35: {  	s10 =	sld [smem:$0x3FB5];
	_ =	sdelay $0x3  }
0x36: {  	p1 =	seq.s32 s10, $0x1;
	s10 =	sld [smem:$0x3FB6];
	_ =	sdelay $0x3  }
0x37: {  	[smem:$0x3FB6] =	sst s10  }
0x38: {  	s10 =	sld [smem:$0x3FB7]  }
0x39: {  	_ = 	snop;
	(pc) =	sbr.ind lr, $3  }
0x3a: {  	_ = 	snop  }
0x3b: {  	_ = 	snop  }
0x3c: {  	p2 =	seq.s32 s10, $0x1;
	s10 =	sld [smem:$0x3FB6]  }
0x3d: {  	_ =	shalt  }
0x3e: {  	_ =	shalt  }
0x3f: {  	_ =	shalt  }
0x40: {  	_ =	shalt  }
0x41: {  	_ =	shalt  }
0x42: {  	_ =	shalt  }
0x43: {  	_ =	shalt  }
0x44: {  	_ =	shalt  }
0x45: {  	_ =	shalt  }
0x46: {  	_ =	shalt  }
0x47: {  	_ =	shalt  }
0x48: {  	_ =	shalt  }
0x49: {  	_ =	shalt  }
0x4a: {  	_ =	shalt  }
0x4b: {  	_ =	shalt  }
0x4c: {  	_ =	shalt  }
0x4d: {  	_ =	shalt  }
0x4e: {  	_ =	shalt  }
0x4f: {  	_ =	shalt  }
0x50: {  	_ =	shalt  }
0x51: {  	_ =	shalt  }
0x52: {  	_ =	shalt  }
0x53: {  	_ =	shalt  }
0x54: {  	_ =	shalt  }
0x55: {  	_ =	shalt  }
0x56: {  	_ =	shalt  }
0x57: {  	_ =	shalt  }
0x58: {  	_ =	shalt  }
0x59: {  	_ =	shalt  }
0x5a: {  	_ =	shalt  }
0x5b: {  	_ =	shalt  }
0x5c: {  	_ =	shalt  }
0x5d: {  	_ =	shalt  }
0x5e: {  	_ =	shalt  }
0x5f: {  	_ =	shalt  }
0x60: {  	_ =	shalt  }
0x61: {  	_ =	shalt  }
0x62: {  	_ =	shalt  }
0x63: {  	_ =	shalt  }
0x64: {  	_ =	shalt  }
0x65: {  	_ =	shalt  }
0x66: {  	_ =	shalt  }
0x67: {  	_ =	shalt  }
0x68: {  	_ =	shalt  }
0x69: {  	_ =	shalt  }
0x6a: {  	_ =	shalt  }
0x6b: {  	_ =	shalt  }
0x6c: {  	_ =	shalt  }
0x6d: {  	_ =	shalt  }
0x6e: {  	_ =	shalt  }
0x6f: {  	_ =	shalt  }
0x70: {  	_ =	shalt  }
0x71: {  	_ =	shalt  }
0x72: {  	_ =	shalt  }
0x73: {  	_ =	shalt  }
0x74: {  	_ =	shalt  }
0x75: {  	_ =	shalt  }
0x76: {  	_ =	shalt  }
0x77: {  	_ =	shalt  }
0x78: {  	_ =	shalt  }
0x79: {  	_ =	shalt  }
0x7a: {  	_ =	shalt  }
0x7b: {  	_ =	shalt  }
0x7c: {  	_ =	shalt  }
0x7d: {  	_ =	shalt  }
0x7e: {  	_ =	shalt  }
0x7f: {  	_ =	shalt  }
0x80: {  	_ =	shalt  }
0x81: {  	_ =	shalt  }
0x82: {  	_ =	shalt  }
0x83: {  	_ =	shalt  }
0x84: {  	_ =	shalt  }
0x85: {  	_ =	shalt  }
0x86: {  	_ =	shalt  }
0x87: {  	_ =	shalt  }
.Lfunc_end0:
.L_simem_size_0:
called_computation_lowered:
.L_overlay_start_0:
0x88: {  	s2 =	sld [smem:$0x3FD9]  }
0x89: {  	s3 =	sld [smem:$0x3FFE];
	_ =	sdelay $0x1  }
0x8a: {  	s1 =	srdreg.scid  }
0x8b: {  	s0 =	sand.u32 $0x1, s1  }
0x8c: {  	s17 =	sshll.u32 s0, $0xA;
	s2 =	sadd.s32 s3, s2  }
0x8d: {  	s2 =	sadd.s32 s2, s17  }
0x8e: {  	[smem:$0x3FC2] =	sst s2  }
0x8f: {  	_ = 	snop  }
0x90: {  	s2 =	sld [smem:$0x3FD0];
	(tm) =	ssettm $0x1  }
0x91: {  	s18 =	sld [smem:$0x3FFB];
	_ =	sdelay $0x3  }
0x92: {  	_ =	strace s18  }
0x93: {  	s3 =	sld [smem:$0x3FFC];
	_ =	sdelay $0x3  }
0x94: {  	_ =	strace s3  }
0x95: {  	s3 =	sld [smem:$0x3FFD];
	_ =	sdelay $0x3  }
0x96: {  	_ =	strace s3  }
0x97: {  	_ =	strace $0x8FFFFFFF  }
0x98: {  	s19 =	sld [smem:$0x3FDB];
	_ =	sdelay $0x1  }
0x99: {  	s4 =	simm.s32 $_scs_section_size  }
0x9a: {  	s5 =	simm.s32 $_size__tile_overlayer_lowered;
	s6 =	simm.s32 $_tile_overlayer_lowered  }
0x9b: {  	s22 =	simm.s32 $0x1BFF;
	s21 =	sshll.u32 s6, $0x1;
	s3 =	sadd.s32 s4, s19  }
0x9c: {  	s7 =	simm.s32 $0x0;
	s20 =	sshll.u32 s5, $0x1;
	s5 =	sadd.s32 s21, s3  }
0x9d: {  	[timem:s7], [sflag:s22] =	dma.local [hbm:s5], s20  }
0x9e: {  	_ =	swait.ge [sflag:s22], s20  }
0x9f: {  	s4 =	ssub.s32 $0x0, s20;
	[sflag:s22] =	ssyncset.done $0x0  }
0xa0: {  	[sflag:s22] =	ssyncadd.s32 s4;
	_ =	sdelay $0x1  }
0xa1: {  	s23 =	simm.s32 $0x1B8B  }
0xa2: {  	_ =	swait.ge [sflag:s23], $0x1  }
0xa3: {  	[sflag:s23] =	ssyncset.done $0x0  }
0xa4: {  	s25 =	simm.s32 $0x1B8E;
	s24 =	sld [smem:$0x3FFE];
	[sflag:s23] =	ssyncadd.s32 $0xFFFFFFFF  }
0xa5: {  	s26 =	simm.s32 $execute0_lowered;
	[smem:$0x3FD2] =	sst s25  }
0xa6: {  	s5 =	sshll.u32 s26, $0x1;
	_ =	strace $0x80000046;
	[dreg:$0x1] =	wrdreg $0xFFFFFFFF  }
0xa7: {  	s28 =	simm.s32 $_size_execute0_lowered;
	s3 =	sadd.s32 s3, s5;
	[dreg:$0x0] =	wrdreg $0x0  }
0xa8: {  	s5 =	sshll.u32 s28, $0x1;
	[dreg:$0x2] =	wrdreg s3  }
0xa9: {  	[dreg:$0x3] =	wrdreg s5  }
0xaa: {  	[dreg:$0x4] =	wrdreg $0xC0  }
0xab: {  	_ =	task [dreg:s7], $0x5FFFF  }
0xac: {  	[dreg:$0x1] =	wrdreg $0xFFFFFFFF  }
0xad: {  	[dreg:$0x0] =	wrdreg $0x60  }
0xae: {  	[dreg:$0x2] =	wrdreg s2  }
0xaf: {  	[dreg:$0x3] =	wrdreg s24  }
0xb0: {  	[dreg:$0x4] =	wrdreg $0x2B000  }
0xb1: {  	[dreg:$0x5] =	wrdreg $0x9  }
0xb2: {  	_ =	task.clear_ibuf [dreg:s7], $0x6FFFF;
	_ =	strace $0x90000046  }
0xb3: {  	s29 =	simm.s32 $0x9;
	_ =	strace $0x80000048  }
0xb4: {  	_ =	swait.ge [sflag:s29], $0x1  }
0xb5: {  	[sflag:s29] =	ssyncadd.s32 $0xFFFFFFFF  }
0xb6: {  	_ =	strace $0x90000048  }
0xb7: {  	_ =	sfence  }
0xb8: {  	s30 =	sld [smem:$0x0];
	_ =	sdelay $0x2  }
0xb9: {  	s31 =	sshll.u32 s1, $0xD;
	s1 =	sshrl.u32 s1, $0x2  }
0xba: {  	s3 =	sand.u32 $0x4000, s31;
	s1 =	sadd.s32 s1, s30  }
0xbb: {  	s0 =	sor.u32 s3, s0;
	s1 =	sshll.u32 s1, $0x11  }
0xbc: {  	s0 =	sor.u32 s1, s0  }
0xbd: {  	s0 =	sadd.s32 $0x8F2B, s0  }
0xbe: {  	[sflag:s0] =	ssyncadd.remote.s32 $0x1  }
0xbf: {  	_ =	sfence.sel $0xFFFF  }
0xc0: {  	[dreg:$0x0] =	wrdreg $0xFFFFFFFF;
	(pc) =	sbr.abs _section_cstart, $3  }
0xc1: {  	[dreg:$0x1] =	wrdreg $0xFFFFFFFF  }
0xc2: {  	_ =	task.clear_ibuf [dreg:s7], $0x2FFFF;
	_ =	strace $0x9FFFFFFF  }
0xc3: {  	(tm) =	ssettm $0x7FFFFFFF  }
tec
execute0_lowered:
.L_overlay_start_1:
0x0: {  	(tag) =	ssettag $0x1  }
0x1: {  	s6 =	rddreg [dreg:$0x0]  }
0x2: {  	s4 =	rddreg [dreg:$0x1]  }
0x3: {  	s2 =	rddreg [dreg:$0x2]  }
0x4: {  	s0 =	rddreg [dreg:$0x3]  }
0x5: {  	s1 =	stileid.u32;
	s5 =	srdreg.scid;
	s3 =	simm.s32 $0x0  }
0x6: {  	s12 =	simm.s32 $0x2800;
	s13 =	simm.s32 $0x1;
	s14 =	simm.s32 $0x0  }
0x7: {  	s7 =	smul.u32 $0x280, s1;
	s5 =	sand.u32 $0x1, s5;
	[smem:$0x7FF] =	sst s3  }
0x8: {  	s8 =	smul.u32 $0x2800, s5;
	_ =	strace $0x80000047;
	s10 =	sshll.u32 s5, $0x4  }
0x9: {  	s5 =	ssub.s32 $0x2, s5;
	s9 =	sshrl.u32 s7, $0x3;
	s10 =	sor.u32 s1, s10  }
0xa: {  	s31 =	sshrl.u32 s5, $0x1;
	s9 =	sadd.s32 s9, s4;
	s8 =	sadd.s32 s7, s8  }
0xb: {  	s10 =	smul.u32 $0x500, s10;
	s11 =	ssub.s32 s5, s31;
	s8 =	sshrl.u32 s8, $0x3  }
0xc: {  	s5 =	sadd.s32 s7, s2;
	s8 =	sadd.s32 s8, s4;
	s4 =	sadd.s32 $0x1400, s9  }
0xd: {  	s6 =	sadd.s32 s6, s10;
	s9 =	simm.s32 $0x2880;
	s10 =	simm.s32 $0x2  }
0xe: {  	v0 =	vimm.f32 $1.000000000e+00;
	s7 =	sadd.s32 $0x1A00, s8;
	s8 =	smax.u32 s11, $0x1;
	s11 =	simm.s32 $0x80  }
.LBB2_1:
0xf: {  	[tilespmem:$0x2800] =	vst v0  }
0x10: {  	[tilespmem:$0x2810] =	vst v0  }
0x11: {  	[tilespmem:$0x2820] =	vst v0  }
0x12: {  	[tilespmem:$0x2830] =	vst v0  }
0x13: {  	[tilespmem:$0x2840] =	vst v0  }
0x14: {  	[tilespmem:$0x2850] =	vst v0  }
0x15: {  	[tilespmem:$0x2860] =	vst v0  }
0x16: {  	[tilespmem:$0x2870] =	vst v0  }
0x17: {  	[tilespmem:s9], [sflag:$0x2] =	stream.linear.gather [hbm4b:s4+s3], $0x280, $0x38;
	[tilespmem:$0x2D80] =	vst v63  }
0x18: {  	_ =	swait.ge [sflag:s10], $0x280  }
0x19: {  	[sflag:s10] =	ssyncset.done $0x0  }
0x1a: {  	[sflag:s10] =	ssyncadd.s32 $0xFFFFFD80  }
0x1b: {  	[spmem:s5] =	stream.linear.scatter [tilespmem:s9], [sflag:$0x2], $0x280, $0x38;
	[tilespmem:$0x2D80] =	vst v63  }
0x1c: {  	_ =	swait.ge [sflag:s10], $0x280  }
0x1d: {  	[sflag:s10] =	ssyncset.done $0x0  }
0x1e: {  	[sflag:s10] =	ssyncadd.s32 $0xFFFFFD80  }
0x1f: {  	[tilespmem:s3], [sflag:$0x2] =	stream.linear.gather [hbm4b:s6+s3], $0x2800, $0x38;
	[tilespmem:$0x2D80] =	vst v63  }
0x20: {  	_ =	swait.ge [sflag:s10], $0x2800  }
0x21: {  	[sflag:s10] =	ssyncset.done $0x0  }
0x22: {  	[sflag:s10] =	ssyncadd.s32 $0xFFFFD800  }
0x23: {  	s15 =	simm.s32 $0x0;
	[bflag:$0x0] =	sbarrier.arrive $0xFFFF  }
0x24: {  	[spmem:s2] =	stream.indirect.scatter.add.f32 [tilespmem:s12], [sflag:$0x1], $0x1, s15, s11, $0xb8;
	[tilespmem:$0x2D80] =	vst v63  }
0x25: {  	s29 =	simm.s32 $0x80  }
0x26: {  	[spmem:s2] =	stream.indirect.scatter.add.f32 [tilespmem:s12], [sflag:$0x1], $0x1, s29, s11, $0xb8;
	[tilespmem:$0x2D80] =	vst v63  }
0x27: {  	s30 =	simm.s32 $0x100  }
0x28: {  	[spmem:s2] =	stream.indirect.scatter.add.f32 [tilespmem:s12], [sflag:$0x1], $0x1, s30, s11, $0xb8;
	[tilespmem:$0x2D80] =	vst v63  }
0x29: {  	s31 =	simm.s32 $0x180  }
0x2a: {  	[spmem:s2] =	stream.indirect.scatter.add.f32 [tilespmem:s12], [sflag:$0x1], $0x1, s31, s11, $0xb8;
	[tilespmem:$0x2D80] =	vst v63  }
0x2b: {  	_ =	swait.ge [sflag:s13], $0x80  }
0x2c: {  	[sflag:s13] =	ssyncset.done $0x0  }
0x2d: {  	[sflag:s13] =	ssyncadd.s32 $0xFFFFFF80  }
0x2e: {  	_ =	swait.ge [sflag:s13], $0x80  }
0x2f: {  	[sflag:s13] =	ssyncset.done $0x0  }
0x30: {  	[sflag:s13] =	ssyncadd.s32 $0xFFFFFF80  }
0x31: {  	_ =	swait.ge [sflag:s13], $0x80  }
0x32: {  	[sflag:s13] =	ssyncset.done $0x0  }
0x33: {  	[sflag:s13] =	ssyncadd.s32 $0xFFFFFF80  }
0x34: {  	_ =	swait.ge [sflag:s13], $0x80  }
0x35: {  	s16 =	simm.s32 $0x1000;
	s15 =	simm.s32 $0x800;
	[sflag:s13] =	ssyncset.done $0x0  }
.LBB2_2:
0x36: {  	s17 =	sshra.s32 s15, $0x2  }
0x37: {  	[sflag:s13] =	ssyncadd.s32 $0xFFFFFF80;
	s15 =	smov.u32 s16;
	s18 =	sadd.s32 $0x800, s16  }
0x38: {  	[spmem:s2] =	stream.indirect.scatter.add.f32 [tilespmem:s12], [sflag:$0x1], $0x1, s17, s11, $0xb8;
	[tilespmem:$0x2D80] =	vst v63  }
0x39: {  	p0 =	sne.s32 s16, $0x9800;
	s16 =	sadd.s32 $0x80, s17  }
0x3a: {  	[spmem:s2] =	stream.indirect.scatter.add.f32 [tilespmem:s12], [sflag:$0x1], $0x1, s16, s11, $0xb8;
	[tilespmem:$0x2D80] =	vst v63  }
0x3b: {  	s16 =	sadd.s32 $0x100, s17  }
0x3c: {  	[spmem:s2] =	stream.indirect.scatter.add.f32 [tilespmem:s12], [sflag:$0x1], $0x1, s16, s11, $0xb8;
	[tilespmem:$0x2D80] =	vst v63  }
0x3d: {  	s16 =	sadd.s32 $0x180, s17  }
0x3e: {  	[spmem:s2] =	stream.indirect.scatter.add.f32 [tilespmem:s12], [sflag:$0x1], $0x1, s16, s11, $0xb8;
	[tilespmem:$0x2D80] =	vst v63  }
0x3f: {  	_ =	swait.ge [sflag:s13], $0x80  }
0x40: {  	[sflag:s13] =	ssyncset.done $0x0  }
0x41: {  	[sflag:s13] =	ssyncadd.s32 $0xFFFFFF80  }
0x42: {  	_ =	swait.ge [sflag:s13], $0x80  }
0x43: {  	[sflag:s13] =	ssyncset.done $0x0  }
0x44: {  	[sflag:s13] =	ssyncadd.s32 $0xFFFFFF80  }
.Ltmp0:
0x45: {  	_ =	swait.ge [sflag:s13], $0x80;
	(pc) =	sbr.rel @p0 .LBB2_2-.Ltmp0, $4  }
0x46: {  	[sflag:s13] =	ssyncset.done $0x0  }
0x47: {  	[sflag:s13] =	ssyncadd.s32 $0xFFFFFF80  }
0x48: {  	_ =	swait.ge [sflag:s13], $0x80  }
0x49: {  	s16 =	smov.u32 s18;
	[sflag:s13] =	ssyncset.done $0x0  }
0x4a: {  	s15 =	sshra.s32 s15, $0x2;
	[sflag:s13] =	ssyncadd.s32 $0xFFFFFF80  }
0x4b: {  	[spmem:s2] =	stream.indirect.scatter.add.f32 [tilespmem:s12], [sflag:$0x1], $0x1, s15, s11, $0xb8;
	[tilespmem:$0x2D80] =	vst v63  }
0x4c: {  	s16 =	sadd.s32 $0x80, s15  }
0x4d: {  	[spmem:s2] =	stream.indirect.scatter.add.f32 [tilespmem:s12], [sflag:$0x1], $0x1, s16, s11, $0xb8;
	[tilespmem:$0x2D80] =	vst v63  }
0x4e: {  	s31 =	sadd.s32 $0x100, s15  }
0x4f: {  	[spmem:s2] =	stream.indirect.scatter.add.f32 [tilespmem:s12], [sflag:$0x1], $0x1, s31, s11, $0xb8;
	[tilespmem:$0x2D80] =	vst v63  }
0x50: {  	s15 =	sadd.s32 $0x180, s15  }
0x51: {  	[spmem:s2] =	stream.indirect.scatter.add.f32 [tilespmem:s12], [sflag:$0x1], $0x1, s15, s11, $0xb8;
	[tilespmem:$0x2D80] =	vst v63  }
0x52: {  	_ =	swait.ge [sflag:s13], $0x80  }
0x53: {  	[sflag:s13] =	ssyncset.done $0x0  }
0x54: {  	[sflag:s13] =	ssyncadd.s32 $0xFFFFFF80  }
0x55: {  	_ =	swait.ge [sflag:s13], $0x80  }
0x56: {  	[sflag:s13] =	ssyncset.done $0x0  }
0x57: {  	[sflag:s13] =	ssyncadd.s32 $0xFFFFFF80  }
0x58: {  	_ =	swait.ge [sflag:s13], $0x80  }
0x59: {  	[sflag:s13] =	ssyncset.done $0x0  }
0x5a: {  	[sflag:s13] =	ssyncadd.s32 $0xFFFFFF80  }
0x5b: {  	_ =	swait.ge [sflag:s13], $0x80  }
0x5c: {  	[sflag:s13] =	ssyncset.done $0x0  }
0x5d: {  	[sflag:s13] =	ssyncadd.s32 $0xFFFFFF80  }
0x5e: {  	[bflag:$0x0] =	sbarrier.arrive $0xFFFF  }
0x5f: {  	[tilespmem:s9], [sflag:$0x2] =	stream.linear.gather [spmem:s5], $0x280, $0x38;
	[tilespmem:$0x2D80] =	vst v63  }
0x60: {  	s14 =	sadd.s32 $0x1, s14;
	_ =	swait.ge [sflag:s10], $0x280  }
0x61: {  	p0 =	sne.s32 s14, s8;
	[sflag:s10] =	ssyncset.done $0x0  }
.Ltmp1:
0x62: {  	[sflag:s10] =	ssyncadd.s32 $0xFFFFFD80;
	(pc) =	sbr.rel @p0 .LBB2_1-.Ltmp1, $4  }
0x63: {  	[hbm4b:s7+s3] =	stream.linear.scatter [tilespmem:s9], [sflag:$0x2], $0x280, $0x38;
	[tilespmem:$0x2D80] =	vst v63  }
0x64: {  	_ =	swait.ge [sflag:s10], $0x280  }
0x65: {  	[sflag:s10] =	ssyncset.done $0x0  }
0x66: {  	[sflag:s10] =	ssyncadd.s32 $0xFFFFFD80  }
0x67: {  	_ =	sfence.sel $0x180000  }
0x68: {  	[bflag:$0x0] =	sbarrier.arrive $0xFFFF  }
0x69: {  	p0 =	sne.s32 s1, $0x0;
	_ =	strace $0x90000047  }
0x6a: {  	s0 =	sadd.s32 @!p0 $0x100000, s0;
	[bflag:$0x2] =	sbarrier.arrive $0xFFFF  }
0x6b: {  	[sflag:s0] =	ssyncadd.tile.s32 @!p0 $0x1;
	_ =	shalt  }
.Lfunc_end2:
_tile_overlayer_lowered:
.L_overlay_start_2:
0x6c: {  	(tag) =	ssettag $0x2  }
0x6d: {  	s0 =	rddreg [dreg:$0x0];
	s2 =	stileid.u32  }
0x6e: {  	s1 =	rddreg [dreg:$0x1];
	p0 =	sne.s32 s2, $0x0  }
0x6f: {  	s3 =	rddreg [dreg:$0x2];
	[bflag:$0x3] =	sbarrier.arrive $0xFFFF;
	s2 =	simm.s32 @!p0 $0x1C02  }
0x70: {  	[timem:s3], [sflag:s2] =	dma.local @!p0 [hbm:s0], s1  }
0x71: {  	s0 =	simm.s32 @!p0 $0x2  }
0x72: {  	_ =	swait.ge @!p0 [sflag:s0], s1  }
0x73: {  	s1 =	ssub.s32 @!p0 $0x0, s1;
	[sflag:s0] =	ssyncset.done @!p0 $0x0  }
0x74: {  	[sflag:s0] =	ssyncadd.s32 @!p0 s1  }
0x75: {  	[bflag:$0x3] =	sbarrier.arrive $0xFFFF  }
0x76: {  	_ =	shalt  }

</sc_bundles>
